<compile_context>
chip_gen: v7x
topology: tpu7x:2x2x1
jax: 0.10.2.dev20260603
libtpu: 0.0.44.dev20260713+nightly
codegen_flags: <defaults>
</compile_context>

<pallas_src>
import functools

import jax
import jax.numpy as jnp
from jax import lax
from jax.experimental import pallas as pl
from jax.experimental.pallas import tpu as pltpu
from jax.experimental.pallas import tpu_sc as plsc

_LANES = 16


def _sc_lookup(task_id, W_p, b_p):
    B, AG = task_id.shape
    DIMS = W_p.shape[0]
    info = plsc.get_sparse_core_info()
    NC, NS = info.num_cores, info.num_subcores
    NW = NC * NS
    DPW = DIMS // NW

    W_pack = W_p.T.reshape(AG, NW, DPW).transpose(1, 0, 2).reshape(-1)

    mesh = plsc.VectorSubcoreMesh(core_axis_name="c", subcore_axis_name="s")

    @functools.partial(
        pl.kernel,
        mesh=mesh,
        out_type=jax.ShapeDtypeStruct((B * DIMS,), jnp.float32),
        scratch_types=[
            pltpu.VMEM((B * AG,), jnp.float32),
            pltpu.VMEM((DPW * AG,), jnp.float32),
            pltpu.VMEM((DPW,), jnp.float32),
            pltpu.VMEM((B, DPW), jnp.float32),
            pltpu.SemaphoreType.DMA,
        ],
    )
    def k(tid_hbm, wt_hbm, bp_hbm, out_hbm, tid_v, wt_v, bp_v, out_v, sem):
        wid = lax.axis_index("s") * NC + lax.axis_index("c")
        d0 = wid * DPW
        cps = [
            pltpu.async_copy(tid_hbm, tid_v, sem),
            pltpu.async_copy(
                wt_hbm.at[pl.ds(d0 * AG, DPW * AG)], wt_v, sem),
            pltpu.async_copy(bp_hbm.at[pl.ds(d0, DPW)], bp_v, sem),
        ]
        for c in cps:
            c.wait()
        trows = [tid_v[pl.ds(b * AG, AG)] for b in range(B)]
        for g in range(DPW // _LANES):
            sl = pl.ds(g * _LANES, _LANES)
            for b in range(B):
                acc = bp_v[sl]
                for a in range(AG):
                    acc = acc + trows[b][a] * wt_v[pl.ds(
                        a * DPW + g * _LANES, _LANES)]
                out_v[b, sl] = acc
        outs = [
            pltpu.async_copy(out_v.at[b],
                             out_hbm.at[pl.ds(b * DIMS + d0, DPW)], sem)
            for b in range(B)
        ]
        for c in outs:
            c.wait()

    return k(task_id.reshape(-1), W_pack, b_p)


def _tc_add(X3, v, rows):
    B, R, D = X3.shape

    def body(x_ref, v_ref, o_ref):
        o_ref[...] = x_ref[...] + v_ref[...]

    return pl.pallas_call(
        body,
        grid=(B, R // rows),
        in_specs=[
            pl.BlockSpec((1, rows, D), lambda b, j: (b, j, 0)),
            pl.BlockSpec((1, 1, D), lambda b, j: (b, 0, 0)),
        ],
        out_specs=pl.BlockSpec((1, rows, D), lambda b, j: (b, j, 0)),
        out_shape=jax.ShapeDtypeStruct((B, R, D), jnp.float32),
        compiler_params=pltpu.CompilerParams(
            dimension_semantics=("parallel", "parallel")),
    )(X3, v)


def kernel(X, task_id, W_p, b_p):
    b, f, n, d = X.shape
    v = _sc_lookup(task_id, W_p, b_p)
    out = _tc_add(X.reshape(b, f * n, d), v.reshape(b, 1, d), rows=2048)
    return out.reshape(b, f, n, d)

# --- scband reference (transcript-rebuilt; emitter-appended) ---
"""Pipeline reference for scband-simple-prompt-46892452938045 (READ-ONLY COPY).

The authoritative reference and input builder live on the scoring server;
editing this copy changes nothing except your own understanding.
"""

import jax, jax.numpy as jnp
import numpy as np

B, F, N, DIMS, AG = 8, 4, 1024, 1024, 16

def setup_inputs(seed: int = 0) -> dict:
    key = jax.random.key(seed)
    k1, k2, k3, k4 = jax.random.split(key, 4)
    X = jax.random.normal(k1, (B, F, N, DIMS), dtype=jnp.float32)
    task_id = jax.random.normal(k2, (B, AG), dtype=jnp.float32)
    # ptokens = nn.Linear(ag, dims): weight [dims, ag], bias [dims]
    W_p = jax.random.normal(k3, (DIMS, AG), dtype=jnp.float32) * 0.02
    b_p = jax.random.normal(k4, (DIMS,), dtype=jnp.float32) * 0.02
    return {"X": X, "task_id": task_id, "W_p": W_p, "b_p": b_p}

def reference(X, task_id, W_p, b_p):
    b, f, n, d = X.shape
    ag = task_id.shape[-1]
    # task_id.unsqueeze(1).unsqueeze(1).repeat(1, f, n, 1) -> [b, f, n, ag]
    t = jnp.broadcast_to(task_id[:, None, None, :], (b, f, n, ag))
    # ptokens(task_id): Linear(ag -> dims)
    proj = jnp.einsum('bfna,da->bfnd', t, W_p) + b_p
    return proj + X

if __name__ == "__main__":
    import jax
    _d = setup_inputs()
    print(jax.jit(kernel)(*tuple(_d.values())))

</pallas_src>

<mosaic_0001>
#map = affine_map<(d0, d1) -> (0)>
module attributes {stable_mosaic.version = 14 : i64} {
  func.func @k(%arg0: i32, %arg1: i32, %arg2: memref<128xf32, #tpu.memory_space<hbm>>, %arg3: memref<16384xf32, #tpu.memory_space<hbm>>, %arg4: memref<1024xf32, #tpu.memory_space<hbm>>, %arg5: memref<8192xf32, #tpu.memory_space<hbm>>, %arg6: memref<128xf32, #tpu.memory_space<vmem>>, %arg7: memref<512xf32, #tpu.memory_space<vmem>>, %arg8: memref<32xf32, #tpu.memory_space<vmem>>, %arg9: memref<8x32xf32, #tpu.memory_space<vmem>>, %arg10: memref<!tpu.dma_semaphore, #tpu.memory_space<semaphore_mem>>) attributes {dimension_semantics = [#tpu.dimension_semantics<core_parallel>, #tpu.dimension_semantics<subcore_parallel>], iteration_bounds = array<i64: 2, 16>, scalar_prefetch = 0 : i64, scratch_operands = 5 : i64, tpu.core_type = #tpu.core_type<sc_vector_subcore>, window_params = [{transform_indices = #map}, {transform_indices = #map}, {transform_indices = #map}, {transform_indices = #map}]} {
    %mul3A = arith.constant 2 : i32
    %mul3A_0 = arith.muli %arg1, %mul3A : i32
    %add3A = arith.addi %mul3A_0, %arg0 : i32
    %mul3A_1 = arith.constant 32 : i32
    %mul3A_2 = arith.muli %add3A, %mul3A_1 : i32
    tpu.enqueue_dma source(%arg2 : memref<128xf32, #tpu.memory_space<hbm>>) target(%arg6 : memref<128xf32, #tpu.memory_space<vmem>>) target_semaphore(%arg10 : memref<!tpu.dma_semaphore, #tpu.memory_space<semaphore_mem>>)
    %mul3A_3 = arith.constant 16 : i32
    %mul3A_4 = arith.muli %mul3A_2, %mul3A_3 : i32
    %dma_start3A = tpu.memref_slice %arg3[%mul3A_4] : memref<16384xf32, #tpu.memory_space<hbm>> -> memref<512xf32, #tpu.memory_space<hbm>>
    %dma_start3A_5 = tpu.memref_slice %arg3[%mul3A_4] : memref<16384xf32, #tpu.memory_space<hbm>> -> memref<512xf32, #tpu.memory_space<hbm>>
    tpu.enqueue_dma source(%dma_start3A_5 : memref<512xf32, #tpu.memory_space<hbm>>) target(%arg7 : memref<512xf32, #tpu.memory_space<vmem>>) target_semaphore(%arg10 : memref<!tpu.dma_semaphore, #tpu.memory_space<semaphore_mem>>)
    %dma_start3A_6 = tpu.memref_slice %arg4[%mul3A_2] : memref<1024xf32, #tpu.memory_space<hbm>> -> memref<32xf32, #tpu.memory_space<hbm>>
    %dma_start3A_7 = tpu.memref_slice %arg4[%mul3A_2] : memref<1024xf32, #tpu.memory_space<hbm>> -> memref<32xf32, #tpu.memory_space<hbm>>
    tpu.enqueue_dma source(%dma_start3A_7 : memref<32xf32, #tpu.memory_space<hbm>>) target(%arg8 : memref<32xf32, #tpu.memory_space<vmem>>) target_semaphore(%arg10 : memref<!tpu.dma_semaphore, #tpu.memory_space<semaphore_mem>>)
    tpu.wait_dma2 semaphore(%arg10 : memref<!tpu.dma_semaphore, #tpu.memory_space<semaphore_mem>>) src(%arg2 : memref<128xf32, #tpu.memory_space<hbm>>) dst(%arg6 : memref<128xf32, #tpu.memory_space<vmem>>)
    %dma_wait3A = tpu.memref_slice %arg3[%mul3A_4] : memref<16384xf32, #tpu.memory_space<hbm>> -> memref<512xf32, #tpu.memory_space<hbm>>
    %dma_wait3A_8 = tpu.memref_slice %arg3[%mul3A_4] : memref<16384xf32, #tpu.memory_space<hbm>> -> memref<512xf32, #tpu.memory_space<hbm>>
    tpu.wait_dma2 semaphore(%arg10 : memref<!tpu.dma_semaphore, #tpu.memory_space<semaphore_mem>>) src(%dma_wait3A_8 : memref<512xf32, #tpu.memory_space<hbm>>) dst(%arg7 : memref<512xf32, #tpu.memory_space<vmem>>)
    %dma_wait3A_9 = tpu.memref_slice %arg4[%mul3A_2] : memref<1024xf32, #tpu.memory_space<hbm>> -> memref<32xf32, #tpu.memory_space<hbm>>
    %dma_wait3A_10 = tpu.memref_slice %arg4[%mul3A_2] : memref<1024xf32, #tpu.memory_space<hbm>> -> memref<32xf32, #tpu.memory_space<hbm>>
    tpu.wait_dma2 semaphore(%arg10 : memref<!tpu.dma_semaphore, #tpu.memory_space<semaphore_mem>>) src(%dma_wait3A_10 : memref<32xf32, #tpu.memory_space<hbm>>) dst(%arg8 : memref<32xf32, #tpu.memory_space<vmem>>)
    %get3A = arith.constant 0 : index
    %get3A_11 = tpu.vector_load %arg6[%get3A] {strides = array<i32>} : memref<128xf32, #tpu.memory_space<vmem>>, vector<16xf32>,
    %get3A_12 = vector.shape_cast %get3A_11 : vector<16xf32> to vector<16xf32>
    %get3A_13 = arith.constant 16 : index
    %get3A_14 = tpu.vector_load %arg6[%get3A_13] {strides = array<i32>} : memref<128xf32, #tpu.memory_space<vmem>>, vector<16xf32>,
    %get3A_15 = vector.shape_cast %get3A_14 : vector<16xf32> to vector<16xf32>
    %get3A_16 = arith.constant 32 : index
    %get3A_17 = tpu.vector_load %arg6[%get3A_16] {strides = array<i32>} : memref<128xf32, #tpu.memory_space<vmem>>, vector<16xf32>,
    %get3A_18 = vector.shape_cast %get3A_17 : vector<16xf32> to vector<16xf32>
    %get3A_19 = arith.constant 48 : index
    %get3A_20 = tpu.vector_load %arg6[%get3A_19] {strides = array<i32>} : memref<128xf32, #tpu.memory_space<vmem>>, vector<16xf32>,
    %get3A_21 = vector.shape_cast %get3A_20 : vector<16xf32> to vector<16xf32>
    %get3A_22 = arith.constant 64 : index
    %get3A_23 = tpu.vector_load %arg6[%get3A_22] {strides = array<i32>} : memref<128xf32, #tpu.memory_space<vmem>>, vector<16xf32>,
    %get3A_24 = vector.shape_cast %get3A_23 : vector<16xf32> to vector<16xf32>
    %get3A_25 = arith.constant 80 : index
    %get3A_26 = tpu.vector_load %arg6[%get3A_25] {strides = array<i32>} : memref<128xf32, #tpu.memory_space<vmem>>, vector<16xf32>,
    %get3A_27 = vector.shape_cast %get3A_26 : vector<16xf32> to vector<16xf32>
    %get3A_28 = arith.constant 96 : index
    %get3A_29 = tpu.vector_load %arg6[%get3A_28] {strides = array<i32>} : memref<128xf32, #tpu.memory_space<vmem>>, vector<16xf32>,
    %get3A_30 = vector.shape_cast %get3A_29 : vector<16xf32> to vector<16xf32>
    %get3A_31 = arith.constant 112 : index
    %get3A_32 = tpu.vector_load %arg6[%get3A_31] {strides = array<i32>} : memref<128xf32, #tpu.memory_space<vmem>>, vector<16xf32>,
    %get3A_33 = vector.shape_cast %get3A_32 : vector<16xf32> to vector<16xf32>
    %get3A_34 = arith.constant 0 : index
    %get3A_35 = tpu.vector_load %arg8[%get3A_34] {strides = array<i32>} : memref<32xf32, #tpu.memory_space<vmem>>, vector<16xf32>,
    %get3A_36 = vector.shape_cast %get3A_35 : vector<16xf32> to vector<16xf32>
    %slice3A = vector.extract_strided_slice %get3A_12 {offsets = [0], sizes = [1], strides = [1]} : vector<16xf32> to vector<1xf32>
    %squeeze3A = vector.extract %slice3A[0] : f32 from vector<1xf32>
    %get3A_37 = arith.constant 0 : index
    %get3A_38 = tpu.vector_load %arg7[%get3A_37] {strides = array<i32>} : memref<512xf32, #tpu.memory_space<vmem>>, vector<16xf32>,
    %get3A_39 = vector.shape_cast %get3A_38 : vector<16xf32> to vector<16xf32>
    %mul3A_40 = vector.broadcast %squeeze3A : f32 to vector<16xf32>
    %mul3A_41 = arith.mulf %mul3A_40, %get3A_39 : vector<16xf32>
    %add3A_42 = arith.addf %get3A_36, %mul3A_41 : vector<16xf32>
    %slice3A_43 = vector.extract_strided_slice %get3A_12 {offsets = [1], sizes = [1], strides = [1]} : vector<16xf32> to vector<1xf32>
    %squeeze3A_44 = vector.extract %slice3A_43[0] : f32 from vector<1xf32>
    %get3A_45 = arith.constant 32 : index
    %get3A_46 = tpu.vector_load %arg7[%get3A_45] {strides = array<i32>} : memref<512xf32, #tpu.memory_space<vmem>>, vector<16xf32>,
    %get3A_47 = vector.shape_cast %get3A_46 : vector<16xf32> to vector<16xf32>
    %mul3A_48 = vector.broadcast %squeeze3A_44 : f32 to vector<16xf32>
    %mul3A_49 = arith.mulf %mul3A_48, %get3A_47 : vector<16xf32>
    %add3A_50 = arith.addf %add3A_42, %mul3A_49 : vector<16xf32>
    %slice3A_51 = vector.extract_strided_slice %get3A_12 {offsets = [2], sizes = [1], strides = [1]} : vector<16xf32> to vector<1xf32>
    %squeeze3A_52 = vector.extract %slice3A_51[0] : f32 from vector<1xf32>
    %get3A_53 = arith.constant 64 : index
    %get3A_54 = tpu.vector_load %arg7[%get3A_53] {strides = array<i32>} : memref<512xf32, #tpu.memory_space<vmem>>, vector<16xf32>,
    %get3A_55 = vector.shape_cast %get3A_54 : vector<16xf32> to vector<16xf32>
    %mul3A_56 = vector.broadcast %squeeze3A_52 : f32 to vector<16xf32>
    %mul3A_57 = arith.mulf %mul3A_56, %get3A_55 : vector<16xf32>
    %add3A_58 = arith.addf %add3A_50, %mul3A_57 : vector<16xf32>
    %slice3A_59 = vector.extract_strided_slice %get3A_12 {offsets = [3], sizes = [1], strides = [1]} : vector<16xf32> to vector<1xf32>
    %squeeze3A_60 = vector.extract %slice3A_59[0] : f32 from vector<1xf32>
    %get3A_61 = arith.constant 96 : index
    %get3A_62 = tpu.vector_load %arg7[%get3A_61] {strides = array<i32>} : memref<512xf32, #tpu.memory_space<vmem>>, vector<16xf32>,
    %get3A_63 = vector.shape_cast %get3A_62 : vector<16xf32> to vector<16xf32>
    %mul3A_64 = vector.broadcast %squeeze3A_60 : f32 to vector<16xf32>
    %mul3A_65 = arith.mulf %mul3A_64, %get3A_63 : vector<16xf32>
    %add3A_66 = arith.addf %add3A_58, %mul3A_65 : vector<16xf32>
    %slice3A_67 = vector.extract_strided_slice %get3A_12 {offsets = [4], sizes = [1], strides = [1]} : vector<16xf32> to vector<1xf32>
    %squeeze3A_68 = vector.extract %slice3A_67[0] : f32 from vector<1xf32>
    %get3A_69 = arith.constant 128 : index
    %get3A_70 = tpu.vector_load %arg7[%get3A_69] {strides = array<i32>} : memref<512xf32, #tpu.memory_space<vmem>>, vector<16xf32>,
    %get3A_71 = vector.shape_cast %get3A_70 : vector<16xf32> to vector<16xf32>
    %mul3A_72 = vector.broadcast %squeeze3A_68 : f32 to vector<16xf32>
    %mul3A_73 = arith.mulf %mul3A_72, %get3A_71 : vector<16xf32>
    %add3A_74 = arith.addf %add3A_66, %mul3A_73 : vector<16xf32>
    %slice3A_75 = vector.extract_strided_slice %get3A_12 {offsets = [5], sizes = [1], strides = [1]} : vector<16xf32> to vector<1xf32>
    %squeeze3A_76 = vector.extract %slice3A_75[0] : f32 from vector<1xf32>
    %get3A_77 = arith.constant 160 : index
    %get3A_78 = tpu.vector_load %arg7[%get3A_77] {strides = array<i32>} : memref<512xf32, #tpu.memory_space<vmem>>, vector<16xf32>,
    %get3A_79 = vector.shape_cast %get3A_78 : vector<16xf32> to vector<16xf32>
    %mul3A_80 = vector.broadcast %squeeze3A_76 : f32 to vector<16xf32>
    %mul3A_81 = arith.mulf %mul3A_80, %get3A_79 : vector<16xf32>
    %add3A_82 = arith.addf %add3A_74, %mul3A_81 : vector<16xf32>
    %slice3A_83 = vector.extract_strided_slice %get3A_12 {offsets = [6], sizes = [1], strides = [1]} : vector<16xf32> to vector<1xf32>
    %squeeze3A_84 = vector.extract %slice3A_83[0] : f32 from vector<1xf32>
    %get3A_85 = arith.constant 192 : index
    %get3A_86 = tpu.vector_load %arg7[%get3A_85] {strides = array<i32>} : memref<512xf32, #tpu.memory_space<vmem>>, vector<16xf32>,
    %get3A_87 = vector.shape_cast %get3A_86 : vector<16xf32> to vector<16xf32>
    %mul3A_88 = vector.broadcast %squeeze3A_84 : f32 to vector<16xf32>
    %mul3A_89 = arith.mulf %mul3A_88, %get3A_87 : vector<16xf32>
    %add3A_90 = arith.addf %add3A_82, %mul3A_89 : vector<16xf32>
    %slice3A_91 = vector.extract_strided_slice %get3A_12 {offsets = [7], sizes = [1], strides = [1]} : vector<16xf32> to vector<1xf32>
    %squeeze3A_92 = vector.extract %slice3A_91[0] : f32 from vector<1xf32>
    %get3A_93 = arith.constant 224 : index
    %get3A_94 = tpu.vector_load %arg7[%get3A_93] {strides = array<i32>} : memref<512xf32, #tpu.memory_space<vmem>>, vector<16xf32>,
    %get3A_95 = vector.shape_cast %get3A_94 : vector<16xf32> to vector<16xf32>
    %mul3A_96 = vector.broadcast %squeeze3A_92 : f32 to vector<16xf32>
    %mul3A_97 = arith.mulf %mul3A_96, %get3A_95 : vector<16xf32>
    %add3A_98 = arith.addf %add3A_90, %mul3A_97 : vector<16xf32>
    %slice3A_99 = vector.extract_strided_slice %get3A_12 {offsets = [8], sizes = [1], strides = [1]} : vector<16xf32> to vector<1xf32>
    %squeeze3A_100 = vector.extract %slice3A_99[0] : f32 from vector<1xf32>
    %get3A_101 = arith.constant 256 : index
    %get3A_102 = tpu.vector_load %arg7[%get3A_101] {strides = array<i32>} : memref<512xf32, #tpu.memory_space<vmem>>, vector<16xf32>,
    %get3A_103 = vector.shape_cast %get3A_102 : vector<16xf32> to vector<16xf32>
    %mul3A_104 = vector.broadcast %squeeze3A_100 : f32 to vector<16xf32>
    %mul3A_105 = arith.mulf %mul3A_104, %get3A_103 : vector<16xf32>
    %add3A_106 = arith.addf %add3A_98, %mul3A_105 : vector<16xf32>
    %slice3A_107 = vector.extract_strided_slice %get3A_12 {offsets = [9], sizes = [1], strides = [1]} : vector<16xf32> to vector<1xf32>
    %squeeze3A_108 = vector.extract %slice3A_107[0] : f32 from vector<1xf32>
    %get3A_109 = arith.constant 288 : index
    %get3A_110 = tpu.vector_load %arg7[%get3A_109] {strides = array<i32>} : memref<512xf32, #tpu.memory_space<vmem>>, vector<16xf32>,
    %get3A_111 = vector.shape_cast %get3A_110 : vector<16xf32> to vector<16xf32>
    %mul3A_112 = vector.broadcast %squeeze3A_108 : f32 to vector<16xf32>
    %mul3A_113 = arith.mulf %mul3A_112, %get3A_111 : vector<16xf32>
    %add3A_114 = arith.addf %add3A_106, %mul3A_113 : vector<16xf32>
    %slice3A_115 = vector.extract_strided_slice %get3A_12 {offsets = [10], sizes = [1], strides = [1]} : vector<16xf32> to vector<1xf32>
    %squeeze3A_116 = vector.extract %slice3A_115[0] : f32 from vector<1xf32>
    %get3A_117 = arith.constant 320 : index
    %get3A_118 = tpu.vector_load %arg7[%get3A_117] {strides = array<i32>} : memref<512xf32, #tpu.memory_space<vmem>>, vector<16xf32>,
    %get3A_119 = vector.shape_cast %get3A_118 : vector<16xf32> to vector<16xf32>
    %mul3A_120 = vector.broadcast %squeeze3A_116 : f32 to vector<16xf32>
    %mul3A_121 = arith.mulf %mul3A_120, %get3A_119 : vector<16xf32>
    %add3A_122 = arith.addf %add3A_114, %mul3A_121 : vector<16xf32>
    %slice3A_123 = vector.extract_strided_slice %get3A_12 {offsets = [11], sizes = [1], strides = [1]} : vector<16xf32> to vector<1xf32>
    %squeeze3A_124 = vector.extract %slice3A_123[0] : f32 from vector<1xf32>
    %get3A_125 = arith.constant 352 : index
    %get3A_126 = tpu.vector_load %arg7[%get3A_125] {strides = array<i32>} : memref<512xf32, #tpu.memory_space<vmem>>, vector<16xf32>,
    %get3A_127 = vector.shape_cast %get3A_126 : vector<16xf32> to vector<16xf32>
    %mul3A_128 = vector.broadcast %squeeze3A_124 : f32 to vector<16xf32>
    %mul3A_129 = arith.mulf %mul3A_128, %get3A_127 : vector<16xf32>
    %add3A_130 = arith.addf %add3A_122, %mul3A_129 : vector<16xf32>
    %slice3A_131 = vector.extract_strided_slice %get3A_12 {offsets = [12], sizes = [1], strides = [1]} : vector<16xf32> to vector<1xf32>
    %squeeze3A_132 = vector.extract %slice3A_131[0] : f32 from vector<1xf32>
    %get3A_133 = arith.constant 384 : index
    %get3A_134 = tpu.vector_load %arg7[%get3A_133] {strides = array<i32>} : memref<512xf32, #tpu.memory_space<vmem>>, vector<16xf32>,
    %get3A_135 = vector.shape_cast %get3A_134 : vector<16xf32> to vector<16xf32>
    %mul3A_136 = vector.broadcast %squeeze3A_132 : f32 to vector<16xf32>
    %mul3A_137 = arith.mulf %mul3A_136, %get3A_135 : vector<16xf32>
    %add3A_138 = arith.addf %add3A_130, %mul3A_137 : vector<16xf32>
    %slice3A_139 = vector.extract_strided_slice %get3A_12 {offsets = [13], sizes = [1], strides = [1]} : vector<16xf32> to vector<1xf32>
    %squeeze3A_140 = vector.extract %slice3A_139[0] : f32 from vector<1xf32>
    %get3A_141 = arith.constant 416 : index
    %get3A_142 = tpu.vector_load %arg7[%get3A_141] {strides = array<i32>} : memref<512xf32, #tpu.memory_space<vmem>>, vector<16xf32>,
    %get3A_143 = vector.shape_cast %get3A_142 : vector<16xf32> to vector<16xf32>
    %mul3A_144 = vector.broadcast %squeeze3A_140 : f32 to vector<16xf32>
    %mul3A_145 = arith.mulf %mul3A_144, %get3A_143 : vector<16xf32>
    %add3A_146 = arith.addf %add3A_138, %mul3A_145 : vector<16xf32>
    %slice3A_147 = vector.extract_strided_slice %get3A_12 {offsets = [14], sizes = [1], strides = [1]} : vector<16xf32> to vector<1xf32>
    %squeeze3A_148 = vector.extract %slice3A_147[0] : f32 from vector<1xf32>
    %get3A_149 = arith.constant 448 : index
    %get3A_150 = tpu.vector_load %arg7[%get3A_149] {strides = array<i32>} : memref<512xf32, #tpu.memory_space<vmem>>, vector<16xf32>,
    %get3A_151 = vector.shape_cast %get3A_150 : vector<16xf32> to vector<16xf32>
    %mul3A_152 = vector.broadcast %squeeze3A_148 : f32 to vector<16xf32>
    %mul3A_153 = arith.mulf %mul3A_152, %get3A_151 : vector<16xf32>
    %add3A_154 = arith.addf %add3A_146, %mul3A_153 : vector<16xf32>
    %slice3A_155 = vector.extract_strided_slice %get3A_12 {offsets = [15], sizes = [1], strides = [1]} : vector<16xf32> to vector<1xf32>
    %squeeze3A_156 = vector.extract %slice3A_155[0] : f32 from vector<1xf32>
    %get3A_157 = arith.constant 480 : index
    %get3A_158 = tpu.vector_load %arg7[%get3A_157] {strides = array<i32>} : memref<512xf32, #tpu.memory_space<vmem>>, vector<16xf32>,
    %get3A_159 = vector.shape_cast %get3A_158 : vector<16xf32> to vector<16xf32>
    %mul3A_160 = vector.broadcast %squeeze3A_156 : f32 to vector<16xf32>
    %mul3A_161 = arith.mulf %mul3A_160, %get3A_159 : vector<16xf32>
    %add3A_162 = arith.addf %add3A_154, %mul3A_161 : vector<16xf32>
    %swap3A = arith.constant 0 : i32
    %swap3A_163 = arith.index_cast %swap3A : i32 to index
    %swap3A_164 = arith.constant 0 : index
    %swap3A_165 = tpu.vector_load %arg9[%swap3A_163, %swap3A_164] {strides = array<i32>} : memref<8x32xf32, #tpu.memory_space<vmem>>, vector<1x16xf32>,
    %swap3A_166 = vector.shape_cast %swap3A_165 : vector<1x16xf32> to vector<16xf32>
    %swap3A_167 = vector.shape_cast %add3A_162 : vector<16xf32> to vector<1x16xf32>
    tpu.vector_store %arg9[%swap3A_163, %swap3A_164], %swap3A_167 {strides = array<i32>} : memref<8x32xf32, #tpu.memory_space<vmem>>, vector<1x16xf32>,
    %get3A_168 = arith.constant 0 : index
    %get3A_169 = tpu.vector_load %arg8[%get3A_168] {strides = array<i32>} : memref<32xf32, #tpu.memory_space<vmem>>, vector<16xf32>,
    %get3A_170 = vector.shape_cast %get3A_169 : vector<16xf32> to vector<16xf32>
    %slice3A_171 = vector.extract_strided_slice %get3A_15 {offsets = [0], sizes = [1], strides = [1]} : vector<16xf32> to vector<1xf32>
    %squeeze3A_172 = vector.extract %slice3A_171[0] : f32 from vector<1xf32>
    %get3A_173 = arith.constant 0 : index
    %get3A_174 = tpu.vector_load %arg7[%get3A_173] {strides = array<i32>} : memref<512xf32, #tpu.memory_space<vmem>>, vector<16xf32>,
    %get3A_175 = vector.shape_cast %get3A_174 : vector<16xf32> to vector<16xf32>
    %mul3A_176 = vector.broadcast %squeeze3A_172 : f32 to vector<16xf32>
    %mul3A_177 = arith.mulf %mul3A_176, %get3A_175 : vector<16xf32>
    %add3A_178 = arith.addf %get3A_170, %mul3A_177 : vector<16xf32>
    %slice3A_179 = vector.extract_strided_slice %get3A_15 {offsets = [1], sizes = [1], strides = [1]} : vector<16xf32> to vector<1xf32>
    %squeeze3A_180 = vector.extract %slice3A_179[0] : f32 from vector<1xf32>
    %get3A_181 = arith.constant 32 : index
    %get3A_182 = tpu.vector_load %arg7[%get3A_181] {strides = array<i32>} : memref<512xf32, #tpu.memory_space<vmem>>, vector<16xf32>,
    %get3A_183 = vector.shape_cast %get3A_182 : vector<16xf32> to vector<16xf32>
    %mul3A_184 = vector.broadcast %squeeze3A_180 : f32 to vector<16xf32>
    %mul3A_185 = arith.mulf %mul3A_184, %get3A_183 : vector<16xf32>
    %add3A_186 = arith.addf %add3A_178, %mul3A_185 : vector<16xf32>
    %slice3A_187 = vector.extract_strided_slice %get3A_15 {offsets = [2], sizes = [1], strides = [1]} : vector<16xf32> to vector<1xf32>
    %squeeze3A_188 = vector.extract %slice3A_187[0] : f32 from vector<1xf32>
    %get3A_189 = arith.constant 64 : index
    %get3A_190 = tpu.vector_load %arg7[%get3A_189] {strides = array<i32>} : memref<512xf32, #tpu.memory_space<vmem>>, vector<16xf32>,
    %get3A_191 = vector.shape_cast %get3A_190 : vector<16xf32> to vector<16xf32>
    %mul3A_192 = vector.broadcast %squeeze3A_188 : f32 to vector<16xf32>
    %mul3A_193 = arith.mulf %mul3A_192, %get3A_191 : vector<16xf32>
    %add3A_194 = arith.addf %add3A_186, %mul3A_193 : vector<16xf32>
    %slice3A_195 = vector.extract_strided_slice %get3A_15 {offsets = [3], sizes = [1], strides = [1]} : vector<16xf32> to vector<1xf32>
    %squeeze3A_196 = vector.extract %slice3A_195[0] : f32 from vector<1xf32>
    %get3A_197 = arith.constant 96 : index
    %get3A_198 = tpu.vector_load %arg7[%get3A_197] {strides = array<i32>} : memref<512xf32, #tpu.memory_space<vmem>>, vector<16xf32>,
    %get3A_199 = vector.shape_cast %get3A_198 : vector<16xf32> to vector<16xf32>
    %mul3A_200 = vector.broadcast %squeeze3A_196 : f32 to vector<16xf32>
    %mul3A_201 = arith.mulf %mul3A_200, %get3A_199 : vector<16xf32>
    %add3A_202 = arith.addf %add3A_194, %mul3A_201 : vector<16xf32>
    %slice3A_203 = vector.extract_strided_slice %get3A_15 {offsets = [4], sizes = [1], strides = [1]} : vector<16xf32> to vector<1xf32>
    %squeeze3A_204 = vector.extract %slice3A_203[0] : f32 from vector<1xf32>
    %get3A_205 = arith.constant 128 : index
    %get3A_206 = tpu.vector_load %arg7[%get3A_205] {strides = array<i32>} : memref<512xf32, #tpu.memory_space<vmem>>, vector<16xf32>,
    %get3A_207 = vector.shape_cast %get3A_206 : vector<16xf32> to vector<16xf32>
    %mul3A_208 = vector.broadcast %squeeze3A_204 : f32 to vector<16xf32>
    %mul3A_209 = arith.mulf %mul3A_208, %get3A_207 : vector<16xf32>
    %add3A_210 = arith.addf %add3A_202, %mul3A_209 : vector<16xf32>
    %slice3A_211 = vector.extract_strided_slice %get3A_15 {offsets = [5], sizes = [1], strides = [1]} : vector<16xf32> to vector<1xf32>
    %squeeze3A_212 = vector.extract %slice3A_211[0] : f32 from vector<1xf32>
    %get3A_213 = arith.constant 160 : index
    %get3A_214 = tpu.vector_load %arg7[%get3A_213] {strides = array<i32>} : memref<512xf32, #tpu.memory_space<vmem>>, vector<16xf32>,
    %get3A_215 = vector.shape_cast %get3A_214 : vector<16xf32> to vector<16xf32>
    %mul3A_216 = vector.broadcast %squeeze3A_212 : f32 to vector<16xf32>
    %mul3A_217 = arith.mulf %mul3A_216, %get3A_215 : vector<16xf32>
    %add3A_218 = arith.addf %add3A_210, %mul3A_217 : vector<16xf32>
    %slice3A_219 = vector.extract_strided_slice %get3A_15 {offsets = [6], sizes = [1], strides = [1]} : vector<16xf32> to vector<1xf32>
    %squeeze3A_220 = vector.extract %slice3A_219[0] : f32 from vector<1xf32>
    %get3A_221 = arith.constant 192 : index
    %get3A_222 = tpu.vector_load %arg7[%get3A_221] {strides = array<i32>} : memref<512xf32, #tpu.memory_space<vmem>>, vector<16xf32>,
    %get3A_223 = vector.shape_cast %get3A_222 : vector<16xf32> to vector<16xf32>
    %mul3A_224 = vector.broadcast %squeeze3A_220 : f32 to vector<16xf32>
    %mul3A_225 = arith.mulf %mul3A_224, %get3A_223 : vector<16xf32>
    %add3A_226 = arith.addf %add3A_218, %mul3A_225 : vector<16xf32>
    %slice3A_227 = vector.extract_strided_slice %get3A_15 {offsets = [7], sizes = [1], strides = [1]} : vector<16xf32> to vector<1xf32>
    %squeeze3A_228 = vector.extract %slice3A_227[0] : f32 from vector<1xf32>
    %get3A_229 = arith.constant 224 : index
    %get3A_230 = tpu.vector_load %arg7[%get3A_229] {strides = array<i32>} : memref<512xf32, #tpu.memory_space<vmem>>, vector<16xf32>,
    %get3A_231 = vector.shape_cast %get3A_230 : vector<16xf32> to vector<16xf32>
    %mul3A_232 = vector.broadcast %squeeze3A_228 : f32 to vector<16xf32>
    %mul3A_233 = arith.mulf %mul3A_232, %get3A_231 : vector<16xf32>
    %add3A_234 = arith.addf %add3A_226, %mul3A_233 : vector<16xf32>
    %slice3A_235 = vector.extract_strided_slice %get3A_15 {offsets = [8], sizes = [1], strides = [1]} : vector<16xf32> to vector<1xf32>
    %squeeze3A_236 = vector.extract %slice3A_235[0] : f32 from vector<1xf32>
    %get3A_237 = arith.constant 256 : index
    %get3A_238 = tpu.vector_load %arg7[%get3A_237] {strides = array<i32>} : memref<512xf32, #tpu.memory_space<vmem>>, vector<16xf32>,
    %get3A_239 = vector.shape_cast %get3A_238 : vector<16xf32> to vector<16xf32>
    %mul3A_240 = vector.broadcast %squeeze3A_236 : f32 to vector<16xf32>
    %mul3A_241 = arith.mulf %mul3A_240, %get3A_239 : vector<16xf32>
    %add3A_242 = arith.addf %add3A_234, %mul3A_241 : vector<16xf32>
    %slice3A_243 = vector.extract_strided_slice %get3A_15 {offsets = [9], sizes = [1], strides = [1]} : vector<16xf32> to vector<1xf32>
    %squeeze3A_244 = vector.extract %slice3A_243[0] : f32 from vector<1xf32>
    %get3A_245 = arith.constant 288 : index
    %get3A_246 = tpu.vector_load %arg7[%get3A_245] {strides = array<i32>} : memref<512xf32, #tpu.memory_space<vmem>>, vector<16xf32>,
    %get3A_247 = vector.shape_cast %get3A_246 : vector<16xf32> to vector<16xf32>
    %mul3A_248 = vector.broadcast %squeeze3A_244 : f32 to vector<16xf32>
    %mul3A_249 = arith.mulf %mul3A_248, %get3A_247 : vector<16xf32>
    %add3A_250 = arith.addf %add3A_242, %mul3A_249 : vector<16xf32>
    %slice3A_251 = vector.extract_strided_slice %get3A_15 {offsets = [10], sizes = [1], strides = [1]} : vector<16xf32> to vector<1xf32>
    %squeeze3A_252 = vector.extract %slice3A_251[0] : f32 from vector<1xf32>
    %get3A_253 = arith.constant 320 : index
    %get3A_254 = tpu.vector_load %arg7[%get3A_253] {strides = array<i32>} : memref<512xf32, #tpu.memory_space<vmem>>, vector<16xf32>,
    %get3A_255 = vector.shape_cast %get3A_254 : vector<16xf32> to vector<16xf32>
    %mul3A_256 = vector.broadcast %squeeze3A_252 : f32 to vector<16xf32>
    %mul3A_257 = arith.mulf %mul3A_256, %get3A_255 : vector<16xf32>
    %add3A_258 = arith.addf %add3A_250, %mul3A_257 : vector<16xf32>
    %slice3A_259 = vector.extract_strided_slice %get3A_15 {offsets = [11], sizes = [1], strides = [1]} : vector<16xf32> to vector<1xf32>
    %squeeze3A_260 = vector.extract %slice3A_259[0] : f32 from vector<1xf32>
    %get3A_261 = arith.constant 352 : index
    %get3A_262 = tpu.vector_load %arg7[%get3A_261] {strides = array<i32>} : memref<512xf32, #tpu.memory_space<vmem>>, vector<16xf32>,
    %get3A_263 = vector.shape_cast %get3A_262 : vector<16xf32> to vector<16xf32>
    %mul3A_264 = vector.broadcast %squeeze3A_260 : f32 to vector<16xf32>
    %mul3A_265 = arith.mulf %mul3A_264, %get3A_263 : vector<16xf32>
    %add3A_266 = arith.addf %add3A_258, %mul3A_265 : vector<16xf32>
    %slice3A_267 = vector.extract_strided_slice %get3A_15 {offsets = [12], sizes = [1], strides = [1]} : vector<16xf32> to vector<1xf32>
    %squeeze3A_268 = vector.extract %slice3A_267[0] : f32 from vector<1xf32>
    %get3A_269 = arith.constant 384 : index
    %get3A_270 = tpu.vector_load %arg7[%get3A_269] {strides = array<i32>} : memref<512xf32, #tpu.memory_space<vmem>>, vector<16xf32>,
    %get3A_271 = vector.shape_cast %get3A_270 : vector<16xf32> to vector<16xf32>
    %mul3A_272 = vector.broadcast %squeeze3A_268 : f32 to vector<16xf32>
    %mul3A_273 = arith.mulf %mul3A_272, %get3A_271 : vector<16xf32>
    %add3A_274 = arith.addf %add3A_266, %mul3A_273 : vector<16xf32>
    %slice3A_275 = vector.extract_strided_slice %get3A_15 {offsets = [13], sizes = [1], strides = [1]} : vector<16xf32> to vector<1xf32>
    %squeeze3A_276 = vector.extract %slice3A_275[0] : f32 from vector<1xf32>
    %get3A_277 = arith.constant 416 : index
    %get3A_278 = tpu.vector_load %arg7[%get3A_277] {strides = array<i32>} : memref<512xf32, #tpu.memory_space<vmem>>, vector<16xf32>,
    %get3A_279 = vector.shape_cast %get3A_278 : vector<16xf32> to vector<16xf32>
    %mul3A_280 = vector.broadcast %squeeze3A_276 : f32 to vector<16xf32>
    %mul3A_281 = arith.mulf %mul3A_280, %get3A_279 : vector<16xf32>
    %add3A_282 = arith.addf %add3A_274, %mul3A_281 : vector<16xf32>
    %slice3A_283 = vector.extract_strided_slice %get3A_15 {offsets = [14], sizes = [1], strides = [1]} : vector<16xf32> to vector<1xf32>
    %squeeze3A_284 = vector.extract %slice3A_283[0] : f32 from vector<1xf32>
    %get3A_285 = arith.constant 448 : index
    %get3A_286 = tpu.vector_load %arg7[%get3A_285] {strides = array<i32>} : memref<512xf32, #tpu.memory_space<vmem>>, vector<16xf32>,
    %get3A_287 = vector.shape_cast %get3A_286 : vector<16xf32> to vector<16xf32>
    %mul3A_288 = vector.broadcast %squeeze3A_284 : f32 to vector<16xf32>
    %mul3A_289 = arith.mulf %mul3A_288, %get3A_287 : vector<16xf32>
    %add3A_290 = arith.addf %add3A_282, %mul3A_289 : vector<16xf32>
    %slice3A_291 = vector.extract_strided_slice %get3A_15 {offsets = [15], sizes = [1], strides = [1]} : vector<16xf32> to vector<1xf32>
    %squeeze3A_292 = vector.extract %slice3A_291[0] : f32 from vector<1xf32>
    %get3A_293 = arith.constant 480 : index
    %get3A_294 = tpu.vector_load %arg7[%get3A_293] {strides = array<i32>} : memref<512xf32, #tpu.memory_space<vmem>>, vector<16xf32>,
    %get3A_295 = vector.shape_cast %get3A_294 : vector<16xf32> to vector<16xf32>
    %mul3A_296 = vector.broadcast %squeeze3A_292 : f32 to vector<16xf32>
    %mul3A_297 = arith.mulf %mul3A_296, %get3A_295 : vector<16xf32>
    %add3A_298 = arith.addf %add3A_290, %mul3A_297 : vector<16xf32>
    %swap3A_299 = arith.constant 1 : i32
    %swap3A_300 = arith.index_cast %swap3A_299 : i32 to index
    %swap3A_301 = arith.constant 0 : index
    %swap3A_302 = tpu.vector_load %arg9[%swap3A_300, %swap3A_301] {strides = array<i32>} : memref<8x32xf32, #tpu.memory_space<vmem>>, vector<1x16xf32>,
    %swap3A_303 = vector.shape_cast %swap3A_302 : vector<1x16xf32> to vector<16xf32>
    %swap3A_304 = vector.shape_cast %add3A_298 : vector<16xf32> to vector<1x16xf32>
    tpu.vector_store %arg9[%swap3A_300, %swap3A_301], %swap3A_304 {strides = array<i32>} : memref<8x32xf32, #tpu.memory_space<vmem>>, vector<1x16xf32>,
    %get3A_305 = arith.constant 0 : index
    %get3A_306 = tpu.vector_load %arg8[%get3A_305] {strides = array<i32>} : memref<32xf32, #tpu.memory_space<vmem>>, vector<16xf32>,
    %get3A_307 = vector.shape_cast %get3A_306 : vector<16xf32> to vector<16xf32>
    %slice3A_308 = vector.extract_strided_slice %get3A_18 {offsets = [0], sizes = [1], strides = [1]} : vector<16xf32> to vector<1xf32>
    %squeeze3A_309 = vector.extract %slice3A_308[0] : f32 from vector<1xf32>
    %get3A_310 = arith.constant 0 : index
    %get3A_311 = tpu.vector_load %arg7[%get3A_310] {strides = array<i32>} : memref<512xf32, #tpu.memory_space<vmem>>, vector<16xf32>,
    %get3A_312 = vector.shape_cast %get3A_311 : vector<16xf32> to vector<16xf32>
    %mul3A_313 = vector.broadcast %squeeze3A_309 : f32 to vector<16xf32>
    %mul3A_314 = arith.mulf %mul3A_313, %get3A_312 : vector<16xf32>
    %add3A_315 = arith.addf %get3A_307, %mul3A_314 : vector<16xf32>
    %slice3A_316 = vector.extract_strided_slice %get3A_18 {offsets = [1], sizes = [1], strides = [1]} : vector<16xf32> to vector<1xf32>
    %squeeze3A_317 = vector.extract %slice3A_316[0] : f32 from vector<1xf32>
    %get3A_318 = arith.constant 32 : index
    %get3A_319 = tpu.vector_load %arg7[%get3A_318] {strides = array<i32>} : memref<512xf32, #tpu.memory_space<vmem>>, vector<16xf32>,
    %get3A_320 = vector.shape_cast %get3A_319 : vector<16xf32> to vector<16xf32>
    %mul3A_321 = vector.broadcast %squeeze3A_317 : f32 to vector<16xf32>
    %mul3A_322 = arith.mulf %mul3A_321, %get3A_320 : vector<16xf32>
    %add3A_323 = arith.addf %add3A_315, %mul3A_322 : vector<16xf32>
    %slice3A_324 = vector.extract_strided_slice %get3A_18 {offsets = [2], sizes = [1], strides = [1]} : vector<16xf32> to vector<1xf32>
    %squeeze3A_325 = vector.extract %slice3A_324[0] : f32 from vector<1xf32>
    %get3A_326 = arith.constant 64 : index
    %get3A_327 = tpu.vector_load %arg7[%get3A_326] {strides = array<i32>} : memref<512xf32, #tpu.memory_space<vmem>>, vector<16xf32>,
    %get3A_328 = vector.shape_cast %get3A_327 : vector<16xf32> to vector<16xf32>
    %mul3A_329 = vector.broadcast %squeeze3A_325 : f32 to vector<16xf32>
    %mul3A_330 = arith.mulf %mul3A_329, %get3A_328 : vector<16xf32>
    %add3A_331 = arith.addf %add3A_323, %mul3A_330 : vector<16xf32>
    %slice3A_332 = vector.extract_strided_slice %get3A_18 {offsets = [3], sizes = [1], strides = [1]} : vector<16xf32> to vector<1xf32>
    %squeeze3A_333 = vector.extract %slice3A_332[0] : f32 from vector<1xf32>
    %get3A_334 = arith.constant 96 : index
    %get3A_335 = tpu.vector_load %arg7[%get3A_334] {strides = array<i32>} : memref<512xf32, #tpu.memory_space<vmem>>, vector<16xf32>,
    %get3A_336 = vector.shape_cast %get3A_335 : vector<16xf32> to vector<16xf32>
    %mul3A_337 = vector.broadcast %squeeze3A_333 : f32 to vector<16xf32>
    %mul3A_338 = arith.mulf %mul3A_337, %get3A_336 : vector<16xf32>
    %add3A_339 = arith.addf %add3A_331, %mul3A_338 : vector<16xf32>
    %slice3A_340 = vector.extract_strided_slice %get3A_18 {offsets = [4], sizes = [1], strides = [1]} : vector<16xf32> to vector<1xf32>
    %squeeze3A_341 = vector.extract %slice3A_340[0] : f32 from vector<1xf32>
    %get3A_342 = arith.constant 128 : index
    %get3A_343 = tpu.vector_load %arg7[%get3A_342] {strides = array<i32>} : memref<512xf32, #tpu.memory_space<vmem>>, vector<16xf32>,
    %get3A_344 = vector.shape_cast %get3A_343 : vector<16xf32> to vector<16xf32>
    %mul3A_345 = vector.broadcast %squeeze3A_341 : f32 to vector<16xf32>
    %mul3A_346 = arith.mulf %mul3A_345, %get3A_344 : vector<16xf32>
    %add3A_347 = arith.addf %add3A_339, %mul3A_346 : vector<16xf32>
    %slice3A_348 = vector.extract_strided_slice %get3A_18 {offsets = [5], sizes = [1], strides = [1]} : vector<16xf32> to vector<1xf32>
    %squeeze3A_349 = vector.extract %slice3A_348[0] : f32 from vector<1xf32>
    %get3A_350 = arith.constant 160 : index
    %get3A_351 = tpu.vector_load %arg7[%get3A_350] {strides = array<i32>} : memref<512xf32, #tpu.memory_space<vmem>>, vector<16xf32>,
    %get3A_352 = vector.shape_cast %get3A_351 : vector<16xf32> to vector<16xf32>
    %mul3A_353 = vector.broadcast %squeeze3A_349 : f32 to vector<16xf32>
    %mul3A_354 = arith.mulf %mul3A_353, %get3A_352 : vector<16xf32>
    %add3A_355 = arith.addf %add3A_347, %mul3A_354 : vector<16xf32>
    %slice3A_356 = vector.extract_strided_slice %get3A_18 {offsets = [6], sizes = [1], strides = [1]} : vector<16xf32> to vector<1xf32>
    %squeeze3A_357 = vector.extract %slice3A_356[0] : f32 from vector<1xf32>
    %get3A_358 = arith.constant 192 : index
    %get3A_359 = tpu.vector_load %arg7[%get3A_358] {strides = array<i32>} : memref<512xf32, #tpu.memory_space<vmem>>, vector<16xf32>,
    %get3A_360 = vector.shape_cast %get3A_359 : vector<16xf32> to vector<16xf32>
    %mul3A_361 = vector.broadcast %squeeze3A_357 : f32 to vector<16xf32>
    %mul3A_362 = arith.mulf %mul3A_361, %get3A_360 : vector<16xf32>
    %add3A_363 = arith.addf %add3A_355, %mul3A_362 : vector<16xf32>
    %slice3A_364 = vector.extract_strided_slice %get3A_18 {offsets = [7], sizes = [1], strides = [1]} : vector<16xf32> to vector<1xf32>
    %squeeze3A_365 = vector.extract %slice3A_364[0] : f32 from vector<1xf32>
    %get3A_366 = arith.constant 224 : index
    %get3A_367 = tpu.vector_load %arg7[%get3A_366] {strides = array<i32>} : memref<512xf32, #tpu.memory_space<vmem>>, vector<16xf32>,
    %get3A_368 = vector.shape_cast %get3A_367 : vector<16xf32> to vector<16xf32>
    %mul3A_369 = vector.broadcast %squeeze3A_365 : f32 to vector<16xf32>
    %mul3A_370 = arith.mulf %mul3A_369, %get3A_368 : vector<16xf32>
    %add3A_371 = arith.addf %add3A_363, %mul3A_370 : vector<16xf32>
    %slice3A_372 = vector.extract_strided_slice %get3A_18 {offsets = [8], sizes = [1], strides = [1]} : vector<16xf32> to vector<1xf32>
    %squeeze3A_373 = vector.extract %slice3A_372[0] : f32 from vector<1xf32>
    %get3A_374 = arith.constant 256 : index
    %get3A_375 = tpu.vector_load %arg7[%get3A_374] {strides = array<i32>} : memref<512xf32, #tpu.memory_space<vmem>>, vector<16xf32>,
    %get3A_376 = vector.shape_cast %get3A_375 : vector<16xf32> to vector<16xf32>
    %mul3A_377 = vector.broadcast %squeeze3A_373 : f32 to vector<16xf32>
    %mul3A_378 = arith.mulf %mul3A_377, %get3A_376 : vector<16xf32>
    %add3A_379 = arith.addf %add3A_371, %mul3A_378 : vector<16xf32>
    %slice3A_380 = vector.extract_strided_slice %get3A_18 {offsets = [9], sizes = [1], strides = [1]} : vector<16xf32> to vector<1xf32>
    %squeeze3A_381 = vector.extract %slice3A_380[0] : f32 from vector<1xf32>
    %get3A_382 = arith.constant 288 : index
    %get3A_383 = tpu.vector_load %arg7[%get3A_382] {strides = array<i32>} : memref<512xf32, #tpu.memory_space<vmem>>, vector<16xf32>,
    %get3A_384 = vector.shape_cast %get3A_383 : vector<16xf32> to vector<16xf32>
    %mul3A_385 = vector.broadcast %squeeze3A_381 : f32 to vector<16xf32>
    %mul3A_386 = arith.mulf %mul3A_385, %get3A_384 : vector<16xf32>
    %add3A_387 = arith.addf %add3A_379, %mul3A_386 : vector<16xf32>
    %slice3A_388 = vector.extract_strided_slice %get3A_18 {offsets = [10], sizes = [1], strides = [1]} : vector<16xf32> to vector<1xf32>
    %squeeze3A_389 = vector.extract %slice3A_388[0] : f32 from vector<1xf32>
    %get3A_390 = arith.constant 320 : index
    %get3A_391 = tpu.vector_load %arg7[%get3A_390] {strides = array<i32>} : memref<512xf32, #tpu.memory_space<vmem>>, vector<16xf32>,
    %get3A_392 = vector.shape_cast %get3A_391 : vector<16xf32> to vector<16xf32>
    %mul3A_393 = vector.broadcast %squeeze3A_389 : f32 to vector<16xf32>
    %mul3A_394 = arith.mulf %mul3A_393, %get3A_392 : vector<16xf32>
    %add3A_395 = arith.addf %add3A_387, %mul3A_394 : vector<16xf32>
    %slice3A_396 = vector.extract_strided_slice %get3A_18 {offsets = [11], sizes = [1], strides = [1]} : vector<16xf32> to vector<1xf32>
    %squeeze3A_397 = vector.extract %slice3A_396[0] : f32 from vector<1xf32>
    %get3A_398 = arith.constant 352 : index
    %get3A_399 = tpu.vector_load %arg7[%get3A_398] {strides = array<i32>} : memref<512xf32, #tpu.memory_space<vmem>>, vector<16xf32>,
    %get3A_400 = vector.shape_cast %get3A_399 : vector<16xf32> to vector<16xf32>
    %mul3A_401 = vector.broadcast %squeeze3A_397 : f32 to vector<16xf32>
    %mul3A_402 = arith.mulf %mul3A_401, %get3A_400 : vector<16xf32>
    %add3A_403 = arith.addf %add3A_395, %mul3A_402 : vector<16xf32>
    %slice3A_404 = vector.extract_strided_slice %get3A_18 {offsets = [12], sizes = [1], strides = [1]} : vector<16xf32> to vector<1xf32>
    %squeeze3A_405 = vector.extract %slice3A_404[0] : f32 from vector<1xf32>
    %get3A_406 = arith.constant 384 : index
    %get3A_407 = tpu.vector_load %arg7[%get3A_406] {strides = array<i32>} : memref<512xf32, #tpu.memory_space<vmem>>, vector<16xf32>,
    %get3A_408 = vector.shape_cast %get3A_407 : vector<16xf32> to vector<16xf32>
    %mul3A_409 = vector.broadcast %squeeze3A_405 : f32 to vector<16xf32>
    %mul3A_410 = arith.mulf %mul3A_409, %get3A_408 : vector<16xf32>
    %add3A_411 = arith.addf %add3A_403, %mul3A_410 : vector<16xf32>
    %slice3A_412 = vector.extract_strided_slice %get3A_18 {offsets = [13], sizes = [1], strides = [1]} : vector<16xf32> to vector<1xf32>
    %squeeze3A_413 = vector.extract %slice3A_412[0] : f32 from vector<1xf32>
    %get3A_414 = arith.constant 416 : index
    %get3A_415 = tpu.vector_load %arg7[%get3A_414] {strides = array<i32>} : memref<512xf32, #tpu.memory_space<vmem>>, vector<16xf32>,
    %get3A_416 = vector.shape_cast %get3A_415 : vector<16xf32> to vector<16xf32>
    %mul3A_417 = vector.broadcast %squeeze3A_413 : f32 to vector<16xf32>
    %mul3A_418 = arith.mulf %mul3A_417, %get3A_416 : vector<16xf32>
    %add3A_419 = arith.addf %add3A_411, %mul3A_418 : vector<16xf32>
    %slice3A_420 = vector.extract_strided_slice %get3A_18 {offsets = [14], sizes = [1], strides = [1]} : vector<16xf32> to vector<1xf32>
    %squeeze3A_421 = vector.extract %slice3A_420[0] : f32 from vector<1xf32>
    %get3A_422 = arith.constant 448 : index
    %get3A_423 = tpu.vector_load %arg7[%get3A_422] {strides = array<i32>} : memref<512xf32, #tpu.memory_space<vmem>>, vector<16xf32>,
    %get3A_424 = vector.shape_cast %get3A_423 : vector<16xf32> to vector<16xf32>
    %mul3A_425 = vector.broadcast %squeeze3A_421 : f32 to vector<16xf32>
    %mul3A_426 = arith.mulf %mul3A_425, %get3A_424 : vector<16xf32>
    %add3A_427 = arith.addf %add3A_419, %mul3A_426 : vector<16xf32>
    %slice3A_428 = vector.extract_strided_slice %get3A_18 {offsets = [15], sizes = [1], strides = [1]} : vector<16xf32> to vector<1xf32>
    %squeeze3A_429 = vector.extract %slice3A_428[0] : f32 from vector<1xf32>
    %get3A_430 = arith.constant 480 : index
    %get3A_431 = tpu.vector_load %arg7[%get3A_430] {strides = array<i32>} : memref<512xf32, #tpu.memory_space<vmem>>, vector<16xf32>,
    %get3A_432 = vector.shape_cast %get3A_431 : vector<16xf32> to vector<16xf32>
    %mul3A_433 = vector.broadcast %squeeze3A_429 : f32 to vector<16xf32>
    %mul3A_434 = arith.mulf %mul3A_433, %get3A_432 : vector<16xf32>
    %add3A_435 = arith.addf %add3A_427, %mul3A_434 : vector<16xf32>
    %swap3A_436 = arith.constant 2 : i32
    %swap3A_437 = arith.index_cast %swap3A_436 : i32 to index
    %swap3A_438 = arith.constant 0 : index
    %swap3A_439 = tpu.vector_load %arg9[%swap3A_437, %swap3A_438] {strides = array<i32>} : memref<8x32xf32, #tpu.memory_space<vmem>>, vector<1x16xf32>,
    %swap3A_440 = vector.shape_cast %swap3A_439 : vector<1x16xf32> to vector<16xf32>
    %swap3A_441 = vector.shape_cast %add3A_435 : vector<16xf32> to vector<1x16xf32>
    tpu.vector_store %arg9[%swap3A_437, %swap3A_438], %swap3A_441 {strides = array<i32>} : memref<8x32xf32, #tpu.memory_space<vmem>>, vector<1x16xf32>,
    %get3A_442 = arith.constant 0 : index
    %get3A_443 = tpu.vector_load %arg8[%get3A_442] {strides = array<i32>} : memref<32xf32, #tpu.memory_space<vmem>>, vector<16xf32>,
    %get3A_444 = vector.shape_cast %get3A_443 : vector<16xf32> to vector<16xf32>
    %slice3A_445 = vector.extract_strided_slice %get3A_21 {offsets = [0], sizes = [1], strides = [1]} : vector<16xf32> to vector<1xf32>
    %squeeze3A_446 = vector.extract %slice3A_445[0] : f32 from vector<1xf32>
    %get3A_447 = arith.constant 0 : index
    %get3A_448 = tpu.vector_load %arg7[%get3A_447] {strides = array<i32>} : memref<512xf32, #tpu.memory_space<vmem>>, vector<16xf32>,
    %get3A_449 = vector.shape_cast %get3A_448 : vector<16xf32> to vector<16xf32>
    %mul3A_450 = vector.broadcast %squeeze3A_446 : f32 to vector<16xf32>
    %mul3A_451 = arith.mulf %mul3A_450, %get3A_449 : vector<16xf32>
    %add3A_452 = arith.addf %get3A_444, %mul3A_451 : vector<16xf32>
    %slice3A_453 = vector.extract_strided_slice %get3A_21 {offsets = [1], sizes = [1], strides = [1]} : vector<16xf32> to vector<1xf32>
    %squeeze3A_454 = vector.extract %slice3A_453[0] : f32 from vector<1xf32>
    %get3A_455 = arith.constant 32 : index
    %get3A_456 = tpu.vector_load %arg7[%get3A_455] {strides = array<i32>} : memref<512xf32, #tpu.memory_space<vmem>>, vector<16xf32>,
    %get3A_457 = vector.shape_cast %get3A_456 : vector<16xf32> to vector<16xf32>
    %mul3A_458 = vector.broadcast %squeeze3A_454 : f32 to vector<16xf32>
    %mul3A_459 = arith.mulf %mul3A_458, %get3A_457 : vector<16xf32>
    %add3A_460 = arith.addf %add3A_452, %mul3A_459 : vector<16xf32>
    %slice3A_461 = vector.extract_strided_slice %get3A_21 {offsets = [2], sizes = [1], strides = [1]} : vector<16xf32> to vector<1xf32>
    %squeeze3A_462 = vector.extract %slice3A_461[0] : f32 from vector<1xf32>
    %get3A_463 = arith.constant 64 : index
    %get3A_464 = tpu.vector_load %arg7[%get3A_463] {strides = array<i32>} : memref<512xf32, #tpu.memory_space<vmem>>, vector<16xf32>,
    %get3A_465 = vector.shape_cast %get3A_464 : vector<16xf32> to vector<16xf32>
    %mul3A_466 = vector.broadcast %squeeze3A_462 : f32 to vector<16xf32>
    %mul3A_467 = arith.mulf %mul3A_466, %get3A_465 : vector<16xf32>
    %add3A_468 = arith.addf %add3A_460, %mul3A_467 : vector<16xf32>
    %slice3A_469 = vector.extract_strided_slice %get3A_21 {offsets = [3], sizes = [1], strides = [1]} : vector<16xf32> to vector<1xf32>
    %squeeze3A_470 = vector.extract %slice3A_469[0] : f32 from vector<1xf32>
    %get3A_471 = arith.constant 96 : index
    %get3A_472 = tpu.vector_load %arg7[%get3A_471] {strides = array<i32>} : memref<512xf32, #tpu.memory_space<vmem>>, vector<16xf32>,
    %get3A_473 = vector.shape_cast %get3A_472 : vector<16xf32> to vector<16xf32>
    %mul3A_474 = vector.broadcast %squeeze3A_470 : f32 to vector<16xf32>
    %mul3A_475 = arith.mulf %mul3A_474, %get3A_473 : vector<16xf32>
    %add3A_476 = arith.addf %add3A_468, %mul3A_475 : vector<16xf32>
    %slice3A_477 = vector.extract_strided_slice %get3A_21 {offsets = [4], sizes = [1], strides = [1]} : vector<16xf32> to vector<1xf32>
    %squeeze3A_478 = vector.extract %slice3A_477[0] : f32 from vector<1xf32>
    %get3A_479 = arith.constant 128 : index
    %get3A_480 = tpu.vector_load %arg7[%get3A_479] {strides = array<i32>} : memref<512xf32, #tpu.memory_space<vmem>>, vector<16xf32>,
    %get3A_481 = vector.shape_cast %get3A_480 : vector<16xf32> to vector<16xf32>
    %mul3A_482 = vector.broadcast %squeeze3A_478 : f32 to vector<16xf32>
    %mul3A_483 = arith.mulf %mul3A_482, %get3A_481 : vector<16xf32>
    %add3A_484 = arith.addf %add3A_476, %mul3A_483 : vector<16xf32>
    %slice3A_485 = vector.extract_strided_slice %get3A_21 {offsets = [5], sizes = [1], strides = [1]} : vector<16xf32> to vector<1xf32>
    %squeeze3A_486 = vector.extract %slice3A_485[0] : f32 from vector<1xf32>
    %get3A_487 = arith.constant 160 : index
    %get3A_488 = tpu.vector_load %arg7[%get3A_487] {strides = array<i32>} : memref<512xf32, #tpu.memory_space<vmem>>, vector<16xf32>,
    %get3A_489 = vector.shape_cast %get3A_488 : vector<16xf32> to vector<16xf32>
    %mul3A_490 = vector.broadcast %squeeze3A_486 : f32 to vector<16xf32>
    %mul3A_491 = arith.mulf %mul3A_490, %get3A_489 : vector<16xf32>
    %add3A_492 = arith.addf %add3A_484, %mul3A_491 : vector<16xf32>
    %slice3A_493 = vector.extract_strided_slice %get3A_21 {offsets = [6], sizes = [1], strides = [1]} : vector<16xf32> to vector<1xf32>
    %squeeze3A_494 = vector.extract %slice3A_493[0] : f32 from vector<1xf32>
    %get3A_495 = arith.constant 192 : index
    %get3A_496 = tpu.vector_load %arg7[%get3A_495] {strides = array<i32>} : memref<512xf32, #tpu.memory_space<vmem>>, vector<16xf32>,
    %get3A_497 = vector.shape_cast %get3A_496 : vector<16xf32> to vector<16xf32>
    %mul3A_498 = vector.broadcast %squeeze3A_494 : f32 to vector<16xf32>
    %mul3A_499 = arith.mulf %mul3A_498, %get3A_497 : vector<16xf32>
    %add3A_500 = arith.addf %add3A_492, %mul3A_499 : vector<16xf32>
    %slice3A_501 = vector.extract_strided_slice %get3A_21 {offsets = [7], sizes = [1], strides = [1]} : vector<16xf32> to vector<1xf32>
    %squeeze3A_502 = vector.extract %slice3A_501[0] : f32 from vector<1xf32>
    %get3A_503 = arith.constant 224 : index
    %get3A_504 = tpu.vector_load %arg7[%get3A_503] {strides = array<i32>} : memref<512xf32, #tpu.memory_space<vmem>>, vector<16xf32>,
    %get3A_505 = vector.shape_cast %get3A_504 : vector<16xf32> to vector<16xf32>
    %mul3A_506 = vector.broadcast %squeeze3A_502 : f32 to vector<16xf32>
    %mul3A_507 = arith.mulf %mul3A_506, %get3A_505 : vector<16xf32>
    %add3A_508 = arith.addf %add3A_500, %mul3A_507 : vector<16xf32>
    %slice3A_509 = vector.extract_strided_slice %get3A_21 {offsets = [8], sizes = [1], strides = [1]} : vector<16xf32> to vector<1xf32>
    %squeeze3A_510 = vector.extract %slice3A_509[0] : f32 from vector<1xf32>
    %get3A_511 = arith.constant 256 : index
    %get3A_512 = tpu.vector_load %arg7[%get3A_511] {strides = array<i32>} : memref<512xf32, #tpu.memory_space<vmem>>, vector<16xf32>,
    %get3A_513 = vector.shape_cast %get3A_512 : vector<16xf32> to vector<16xf32>
    %mul3A_514 = vector.broadcast %squeeze3A_510 : f32 to vector<16xf32>
    %mul3A_515 = arith.mulf %mul3A_514, %get3A_513 : vector<16xf32>
    %add3A_516 = arith.addf %add3A_508, %mul3A_515 : vector<16xf32>
    %slice3A_517 = vector.extract_strided_slice %get3A_21 {offsets = [9], sizes = [1], strides = [1]} : vector<16xf32> to vector<1xf32>
    %squeeze3A_518 = vector.extract %slice3A_517[0] : f32 from vector<1xf32>
    %get3A_519 = arith.constant 288 : index
    %get3A_520 = tpu.vector_load %arg7[%get3A_519] {strides = array<i32>} : memref<512xf32, #tpu.memory_space<vmem>>, vector<16xf32>,
    %get3A_521 = vector.shape_cast %get3A_520 : vector<16xf32> to vector<16xf32>
    %mul3A_522 = vector.broadcast %squeeze3A_518 : f32 to vector<16xf32>
    %mul3A_523 = arith.mulf %mul3A_522, %get3A_521 : vector<16xf32>
    %add3A_524 = arith.addf %add3A_516, %mul3A_523 : vector<16xf32>
    %slice3A_525 = vector.extract_strided_slice %get3A_21 {offsets = [10], sizes = [1], strides = [1]} : vector<16xf32> to vector<1xf32>
    %squeeze3A_526 = vector.extract %slice3A_525[0] : f32 from vector<1xf32>
    %get3A_527 = arith.constant 320 : index
    %get3A_528 = tpu.vector_load %arg7[%get3A_527] {strides = array<i32>} : memref<512xf32, #tpu.memory_space<vmem>>, vector<16xf32>,
    %get3A_529 = vector.shape_cast %get3A_528 : vector<16xf32> to vector<16xf32>
    %mul3A_530 = vector.broadcast %squeeze3A_526 : f32 to vector<16xf32>
    %mul3A_531 = arith.mulf %mul3A_530, %get3A_529 : vector<16xf32>
    %add3A_532 = arith.addf %add3A_524, %mul3A_531 : vector<16xf32>
    %slice3A_533 = vector.extract_strided_slice %get3A_21 {offsets = [11], sizes = [1], strides = [1]} : vector<16xf32> to vector<1xf32>
    %squeeze3A_534 = vector.extract %slice3A_533[0] : f32 from vector<1xf32>
    %get3A_535 = arith.constant 352 : index
    %get3A_536 = tpu.vector_load %arg7[%get3A_535] {strides = array<i32>} : memref<512xf32, #tpu.memory_space<vmem>>, vector<16xf32>,
    %get3A_537 = vector.shape_cast %get3A_536 : vector<16xf32> to vector<16xf32>
    %mul3A_538 = vector.broadcast %squeeze3A_534 : f32 to vector<16xf32>
    %mul3A_539 = arith.mulf %mul3A_538, %get3A_537 : vector<16xf32>
    %add3A_540 = arith.addf %add3A_532, %mul3A_539 : vector<16xf32>
    %slice3A_541 = vector.extract_strided_slice %get3A_21 {offsets = [12], sizes = [1], strides = [1]} : vector<16xf32> to vector<1xf32>
    %squeeze3A_542 = vector.extract %slice3A_541[0] : f32 from vector<1xf32>
    %get3A_543 = arith.constant 384 : index
    %get3A_544 = tpu.vector_load %arg7[%get3A_543] {strides = array<i32>} : memref<512xf32, #tpu.memory_space<vmem>>, vector<16xf32>,
    %get3A_545 = vector.shape_cast %get3A_544 : vector<16xf32> to vector<16xf32>
    %mul3A_546 = vector.broadcast %squeeze3A_542 : f32 to vector<16xf32>
    %mul3A_547 = arith.mulf %mul3A_546, %get3A_545 : vector<16xf32>
    %add3A_548 = arith.addf %add3A_540, %mul3A_547 : vector<16xf32>
    %slice3A_549 = vector.extract_strided_slice %get3A_21 {offsets = [13], sizes = [1], strides = [1]} : vector<16xf32> to vector<1xf32>
    %squeeze3A_550 = vector.extract %slice3A_549[0] : f32 from vector<1xf32>
    %get3A_551 = arith.constant 416 : index
    %get3A_552 = tpu.vector_load %arg7[%get3A_551] {strides = array<i32>} : memref<512xf32, #tpu.memory_space<vmem>>, vector<16xf32>,
    %get3A_553 = vector.shape_cast %get3A_552 : vector<16xf32> to vector<16xf32>
    %mul3A_554 = vector.broadcast %squeeze3A_550 : f32 to vector<16xf32>
    %mul3A_555 = arith.mulf %mul3A_554, %get3A_553 : vector<16xf32>
    %add3A_556 = arith.addf %add3A_548, %mul3A_555 : vector<16xf32>
    %slice3A_557 = vector.extract_strided_slice %get3A_21 {offsets = [14], sizes = [1], strides = [1]} : vector<16xf32> to vector<1xf32>
    %squeeze3A_558 = vector.extract %slice3A_557[0] : f32 from vector<1xf32>
    %get3A_559 = arith.constant 448 : index
    %get3A_560 = tpu.vector_load %arg7[%get3A_559] {strides = array<i32>} : memref<512xf32, #tpu.memory_space<vmem>>, vector<16xf32>,
    %get3A_561 = vector.shape_cast %get3A_560 : vector<16xf32> to vector<16xf32>
    %mul3A_562 = vector.broadcast %squeeze3A_558 : f32 to vector<16xf32>
    %mul3A_563 = arith.mulf %mul3A_562, %get3A_561 : vector<16xf32>
    %add3A_564 = arith.addf %add3A_556, %mul3A_563 : vector<16xf32>
    %slice3A_565 = vector.extract_strided_slice %get3A_21 {offsets = [15], sizes = [1], strides = [1]} : vector<16xf32> to vector<1xf32>
    %squeeze3A_566 = vector.extract %slice3A_565[0] : f32 from vector<1xf32>
    %get3A_567 = arith.constant 480 : index
    %get3A_568 = tpu.vector_load %arg7[%get3A_567] {strides = array<i32>} : memref<512xf32, #tpu.memory_space<vmem>>, vector<16xf32>,
    %get3A_569 = vector.shape_cast %get3A_568 : vector<16xf32> to vector<16xf32>
    %mul3A_570 = vector.broadcast %squeeze3A_566 : f32 to vector<16xf32>
    %mul3A_571 = arith.mulf %mul3A_570, %get3A_569 : vector<16xf32>
    %add3A_572 = arith.addf %add3A_564, %mul3A_571 : vector<16xf32>
    %swap3A_573 = arith.constant 3 : i32
    %swap3A_574 = arith.index_cast %swap3A_573 : i32 to index
    %swap3A_575 = arith.constant 0 : index
    %swap3A_576 = tpu.vector_load %arg9[%swap3A_574, %swap3A_575] {strides = array<i32>} : memref<8x32xf32, #tpu.memory_space<vmem>>, vector<1x16xf32>,
    %swap3A_577 = vector.shape_cast %swap3A_576 : vector<1x16xf32> to vector<16xf32>
    %swap3A_578 = vector.shape_cast %add3A_572 : vector<16xf32> to vector<1x16xf32>
    tpu.vector_store %arg9[%swap3A_574, %swap3A_575], %swap3A_578 {strides = array<i32>} : memref<8x32xf32, #tpu.memory_space<vmem>>, vector<1x16xf32>,
    %get3A_579 = arith.constant 0 : index
    %get3A_580 = tpu.vector_load %arg8[%get3A_579] {strides = array<i32>} : memref<32xf32, #tpu.memory_space<vmem>>, vector<16xf32>,
    %get3A_581 = vector.shape_cast %get3A_580 : vector<16xf32> to vector<16xf32>
    %slice3A_582 = vector.extract_strided_slice %get3A_24 {offsets = [0], sizes = [1], strides = [1]} : vector<16xf32> to vector<1xf32>
    %squeeze3A_583 = vector.extract %slice3A_582[0] : f32 from vector<1xf32>
    %get3A_584 = arith.constant 0 : index
    %get3A_585 = tpu.vector_load %arg7[%get3A_584] {strides = array<i32>} : memref<512xf32, #tpu.memory_space<vmem>>, vector<16xf32>,
    %get3A_586 = vector.shape_cast %get3A_585 : vector<16xf32> to vector<16xf32>
    %mul3A_587 = vector.broadcast %squeeze3A_583 : f32 to vector<16xf32>
    %mul3A_588 = arith.mulf %mul3A_587, %get3A_586 : vector<16xf32>
    %add3A_589 = arith.addf %get3A_581, %mul3A_588 : vector<16xf32>
    %slice3A_590 = vector.extract_strided_slice %get3A_24 {offsets = [1], sizes = [1], strides = [1]} : vector<16xf32> to vector<1xf32>
    %squeeze3A_591 = vector.extract %slice3A_590[0] : f32 from vector<1xf32>
    %get3A_592 = arith.constant 32 : index
    %get3A_593 = tpu.vector_load %arg7[%get3A_592] {strides = array<i32>} : memref<512xf32, #tpu.memory_space<vmem>>, vector<16xf32>,
    %get3A_594 = vector.shape_cast %get3A_593 : vector<16xf32> to vector<16xf32>
    %mul3A_595 = vector.broadcast %squeeze3A_591 : f32 to vector<16xf32>
    %mul3A_596 = arith.mulf %mul3A_595, %get3A_594 : vector<16xf32>
    %add3A_597 = arith.addf %add3A_589, %mul3A_596 : vector<16xf32>
    %slice3A_598 = vector.extract_strided_slice %get3A_24 {offsets = [2], sizes = [1], strides = [1]} : vector<16xf32> to vector<1xf32>
    %squeeze3A_599 = vector.extract %slice3A_598[0] : f32 from vector<1xf32>
    %get3A_600 = arith.constant 64 : index
    %get3A_601 = tpu.vector_load %arg7[%get3A_600] {strides = array<i32>} : memref<512xf32, #tpu.memory_space<vmem>>, vector<16xf32>,
    %get3A_602 = vector.shape_cast %get3A_601 : vector<16xf32> to vector<16xf32>
    %mul3A_603 = vector.broadcast %squeeze3A_599 : f32 to vector<16xf32>
    %mul3A_604 = arith.mulf %mul3A_603, %get3A_602 : vector<16xf32>
    %add3A_605 = arith.addf %add3A_597, %mul3A_604 : vector<16xf32>
    %slice3A_606 = vector.extract_strided_slice %get3A_24 {offsets = [3], sizes = [1], strides = [1]} : vector<16xf32> to vector<1xf32>
    %squeeze3A_607 = vector.extract %slice3A_606[0] : f32 from vector<1xf32>
    %get3A_608 = arith.constant 96 : index
    %get3A_609 = tpu.vector_load %arg7[%get3A_608] {strides = array<i32>} : memref<512xf32, #tpu.memory_space<vmem>>, vector<16xf32>,
    %get3A_610 = vector.shape_cast %get3A_609 : vector<16xf32> to vector<16xf32>
    %mul3A_611 = vector.broadcast %squeeze3A_607 : f32 to vector<16xf32>
    %mul3A_612 = arith.mulf %mul3A_611, %get3A_610 : vector<16xf32>
    %add3A_613 = arith.addf %add3A_605, %mul3A_612 : vector<16xf32>
    %slice3A_614 = vector.extract_strided_slice %get3A_24 {offsets = [4], sizes = [1], strides = [1]} : vector<16xf32> to vector<1xf32>
    %squeeze3A_615 = vector.extract %slice3A_614[0] : f32 from vector<1xf32>
    %get3A_616 = arith.constant 128 : index
    %get3A_617 = tpu.vector_load %arg7[%get3A_616] {strides = array<i32>} : memref<512xf32, #tpu.memory_space<vmem>>, vector<16xf32>,
    %get3A_618 = vector.shape_cast %get3A_617 : vector<16xf32> to vector<16xf32>
    %mul3A_619 = vector.broadcast %squeeze3A_615 : f32 to vector<16xf32>
    %mul3A_620 = arith.mulf %mul3A_619, %get3A_618 : vector<16xf32>
    %add3A_621 = arith.addf %add3A_613, %mul3A_620 : vector<16xf32>
    %slice3A_622 = vector.extract_strided_slice %get3A_24 {offsets = [5], sizes = [1], strides = [1]} : vector<16xf32> to vector<1xf32>
    %squeeze3A_623 = vector.extract %slice3A_622[0] : f32 from vector<1xf32>
    %get3A_624 = arith.constant 160 : index
    %get3A_625 = tpu.vector_load %arg7[%get3A_624] {strides = array<i32>} : memref<512xf32, #tpu.memory_space<vmem>>, vector<16xf32>,
    %get3A_626 = vector.shape_cast %get3A_625 : vector<16xf32> to vector<16xf32>
    %mul3A_627 = vector.broadcast %squeeze3A_623 : f32 to vector<16xf32>
    %mul3A_628 = arith.mulf %mul3A_627, %get3A_626 : vector<16xf32>
    %add3A_629 = arith.addf %add3A_621, %mul3A_628 : vector<16xf32>
    %slice3A_630 = vector.extract_strided_slice %get3A_24 {offsets = [6], sizes = [1], strides = [1]} : vector<16xf32> to vector<1xf32>
    %squeeze3A_631 = vector.extract %slice3A_630[0] : f32 from vector<1xf32>
    %get3A_632 = arith.constant 192 : index
    %get3A_633 = tpu.vector_load %arg7[%get3A_632] {strides = array<i32>} : memref<512xf32, #tpu.memory_space<vmem>>, vector<16xf32>,
    %get3A_634 = vector.shape_cast %get3A_633 : vector<16xf32> to vector<16xf32>
    %mul3A_635 = vector.broadcast %squeeze3A_631 : f32 to vector<16xf32>
    %mul3A_636 = arith.mulf %mul3A_635, %get3A_634 : vector<16xf32>
    %add3A_637 = arith.addf %add3A_629, %mul3A_636 : vector<16xf32>
    %slice3A_638 = vector.extract_strided_slice %get3A_24 {offsets = [7], sizes = [1], strides = [1]} : vector<16xf32> to vector<1xf32>
    %squeeze3A_639 = vector.extract %slice3A_638[0] : f32 from vector<1xf32>
    %get3A_640 = arith.constant 224 : index
    %get3A_641 = tpu.vector_load %arg7[%get3A_640] {strides = array<i32>} : memref<512xf32, #tpu.memory_space<vmem>>, vector<16xf32>,
    %get3A_642 = vector.shape_cast %get3A_641 : vector<16xf32> to vector<16xf32>
    %mul3A_643 = vector.broadcast %squeeze3A_639 : f32 to vector<16xf32>
    %mul3A_644 = arith.mulf %mul3A_643, %get3A_642 : vector<16xf32>
    %add3A_645 = arith.addf %add3A_637, %mul3A_644 : vector<16xf32>
    %slice3A_646 = vector.extract_strided_slice %get3A_24 {offsets = [8], sizes = [1], strides = [1]} : vector<16xf32> to vector<1xf32>
    %squeeze3A_647 = vector.extract %slice3A_646[0] : f32 from vector<1xf32>
    %get3A_648 = arith.constant 256 : index
    %get3A_649 = tpu.vector_load %arg7[%get3A_648] {strides = array<i32>} : memref<512xf32, #tpu.memory_space<vmem>>, vector<16xf32>,
    %get3A_650 = vector.shape_cast %get3A_649 : vector<16xf32> to vector<16xf32>
    %mul3A_651 = vector.broadcast %squeeze3A_647 : f32 to vector<16xf32>
    %mul3A_652 = arith.mulf %mul3A_651, %get3A_650 : vector<16xf32>
    %add3A_653 = arith.addf %add3A_645, %mul3A_652 : vector<16xf32>
    %slice3A_654 = vector.extract_strided_slice %get3A_24 {offsets = [9], sizes = [1], strides = [1]} : vector<16xf32> to vector<1xf32>
    %squeeze3A_655 = vector.extract %slice3A_654[0] : f32 from vector<1xf32>
    %get3A_656 = arith.constant 288 : index
    %get3A_657 = tpu.vector_load %arg7[%get3A_656] {strides = array<i32>} : memref<512xf32, #tpu.memory_space<vmem>>, vector<16xf32>,
    %get3A_658 = vector.shape_cast %get3A_657 : vector<16xf32> to vector<16xf32>
    %mul3A_659 = vector.broadcast %squeeze3A_655 : f32 to vector<16xf32>
    %mul3A_660 = arith.mulf %mul3A_659, %get3A_658 : vector<16xf32>
    %add3A_661 = arith.addf %add3A_653, %mul3A_660 : vector<16xf32>
    %slice3A_662 = vector.extract_strided_slice %get3A_24 {offsets = [10], sizes = [1], strides = [1]} : vector<16xf32> to vector<1xf32>
    %squeeze3A_663 = vector.extract %slice3A_662[0] : f32 from vector<1xf32>
    %get3A_664 = arith.constant 320 : index
    %get3A_665 = tpu.vector_load %arg7[%get3A_664] {strides = array<i32>} : memref<512xf32, #tpu.memory_space<vmem>>, vector<16xf32>,
    %get3A_666 = vector.shape_cast %get3A_665 : vector<16xf32> to vector<16xf32>
    %mul3A_667 = vector.broadcast %squeeze3A_663 : f32 to vector<16xf32>
    %mul3A_668 = arith.mulf %mul3A_667, %get3A_666 : vector<16xf32>
    %add3A_669 = arith.addf %add3A_661, %mul3A_668 : vector<16xf32>
    %slice3A_670 = vector.extract_strided_slice %get3A_24 {offsets = [11], sizes = [1], strides = [1]} : vector<16xf32> to vector<1xf32>
    %squeeze3A_671 = vector.extract %slice3A_670[0] : f32 from vector<1xf32>
    %get3A_672 = arith.constant 352 : index
    %get3A_673 = tpu.vector_load %arg7[%get3A_672] {strides = array<i32>} : memref<512xf32, #tpu.memory_space<vmem>>, vector<16xf32>,
    %get3A_674 = vector.shape_cast %get3A_673 : vector<16xf32> to vector<16xf32>
    %mul3A_675 = vector.broadcast %squeeze3A_671 : f32 to vector<16xf32>
    %mul3A_676 = arith.mulf %mul3A_675, %get3A_674 : vector<16xf32>
    %add3A_677 = arith.addf %add3A_669, %mul3A_676 : vector<16xf32>
    %slice3A_678 = vector.extract_strided_slice %get3A_24 {offsets = [12], sizes = [1], strides = [1]} : vector<16xf32> to vector<1xf32>
    %squeeze3A_679 = vector.extract %slice3A_678[0] : f32 from vector<1xf32>
    %get3A_680 = arith.constant 384 : index
    %get3A_681 = tpu.vector_load %arg7[%get3A_680] {strides = array<i32>} : memref<512xf32, #tpu.memory_space<vmem>>, vector<16xf32>,
    %get3A_682 = vector.shape_cast %get3A_681 : vector<16xf32> to vector<16xf32>
    %mul3A_683 = vector.broadcast %squeeze3A_679 : f32 to vector<16xf32>
    %mul3A_684 = arith.mulf %mul3A_683, %get3A_682 : vector<16xf32>
    %add3A_685 = arith.addf %add3A_677, %mul3A_684 : vector<16xf32>
    %slice3A_686 = vector.extract_strided_slice %get3A_24 {offsets = [13], sizes = [1], strides = [1]} : vector<16xf32> to vector<1xf32>
    %squeeze3A_687 = vector.extract %slice3A_686[0] : f32 from vector<1xf32>
    %get3A_688 = arith.constant 416 : index
    %get3A_689 = tpu.vector_load %arg7[%get3A_688] {strides = array<i32>} : memref<512xf32, #tpu.memory_space<vmem>>, vector<16xf32>,
    %get3A_690 = vector.shape_cast %get3A_689 : vector<16xf32> to vector<16xf32>
    %mul3A_691 = vector.broadcast %squeeze3A_687 : f32 to vector<16xf32>
    %mul3A_692 = arith.mulf %mul3A_691, %get3A_690 : vector<16xf32>
    %add3A_693 = arith.addf %add3A_685, %mul3A_692 : vector<16xf32>
    %slice3A_694 = vector.extract_strided_slice %get3A_24 {offsets = [14], sizes = [1], strides = [1]} : vector<16xf32> to vector<1xf32>
    %squeeze3A_695 = vector.extract %slice3A_694[0] : f32 from vector<1xf32>
    %get3A_696 = arith.constant 448 : index
    %get3A_697 = tpu.vector_load %arg7[%get3A_696] {strides = array<i32>} : memref<512xf32, #tpu.memory_space<vmem>>, vector<16xf32>,
    %get3A_698 = vector.shape_cast %get3A_697 : vector<16xf32> to vector<16xf32>
    %mul3A_699 = vector.broadcast %squeeze3A_695 : f32 to vector<16xf32>
    %mul3A_700 = arith.mulf %mul3A_699, %get3A_698 : vector<16xf32>
    %add3A_701 = arith.addf %add3A_693, %mul3A_700 : vector<16xf32>
    %slice3A_702 = vector.extract_strided_slice %get3A_24 {offsets = [15], sizes = [1], strides = [1]} : vector<16xf32> to vector<1xf32>
    %squeeze3A_703 = vector.extract %slice3A_702[0] : f32 from vector<1xf32>
    %get3A_704 = arith.constant 480 : index
    %get3A_705 = tpu.vector_load %arg7[%get3A_704] {strides = array<i32>} : memref<512xf32, #tpu.memory_space<vmem>>, vector<16xf32>,
    %get3A_706 = vector.shape_cast %get3A_705 : vector<16xf32> to vector<16xf32>
    %mul3A_707 = vector.broadcast %squeeze3A_703 : f32 to vector<16xf32>
    %mul3A_708 = arith.mulf %mul3A_707, %get3A_706 : vector<16xf32>
    %add3A_709 = arith.addf %add3A_701, %mul3A_708 : vector<16xf32>
    %swap3A_710 = arith.constant 4 : i32
    %swap3A_711 = arith.index_cast %swap3A_710 : i32 to index
    %swap3A_712 = arith.constant 0 : index
    %swap3A_713 = tpu.vector_load %arg9[%swap3A_711, %swap3A_712] {strides = array<i32>} : memref<8x32xf32, #tpu.memory_space<vmem>>, vector<1x16xf32>,
    %swap3A_714 = vector.shape_cast %swap3A_713 : vector<1x16xf32> to vector<16xf32>
    %swap3A_715 = vector.shape_cast %add3A_709 : vector<16xf32> to vector<1x16xf32>
    tpu.vector_store %arg9[%swap3A_711, %swap3A_712], %swap3A_715 {strides = array<i32>} : memref<8x32xf32, #tpu.memory_space<vmem>>, vector<1x16xf32>,
    %get3A_716 = arith.constant 0 : index
    %get3A_717 = tpu.vector_load %arg8[%get3A_716] {strides = array<i32>} : memref<32xf32, #tpu.memory_space<vmem>>, vector<16xf32>,
    %get3A_718 = vector.shape_cast %get3A_717 : vector<16xf32> to vector<16xf32>
    %slice3A_719 = vector.extract_strided_slice %get3A_27 {offsets = [0], sizes = [1], strides = [1]} : vector<16xf32> to vector<1xf32>
    %squeeze3A_720 = vector.extract %slice3A_719[0] : f32 from vector<1xf32>
    %get3A_721 = arith.constant 0 : index
    %get3A_722 = tpu.vector_load %arg7[%get3A_721] {strides = array<i32>} : memref<512xf32, #tpu.memory_space<vmem>>, vector<16xf32>,
    %get3A_723 = vector.shape_cast %get3A_722 : vector<16xf32> to vector<16xf32>
    %mul3A_724 = vector.broadcast %squeeze3A_720 : f32 to vector<16xf32>
    %mul3A_725 = arith.mulf %mul3A_724, %get3A_723 : vector<16xf32>
    %add3A_726 = arith.addf %get3A_718, %mul3A_725 : vector<16xf32>
    %slice3A_727 = vector.extract_strided_slice %get3A_27 {offsets = [1], sizes = [1], strides = [1]} : vector<16xf32> to vector<1xf32>
    %squeeze3A_728 = vector.extract %slice3A_727[0] : f32 from vector<1xf32>
    %get3A_729 = arith.constant 32 : index
    %get3A_730 = tpu.vector_load %arg7[%get3A_729] {strides = array<i32>} : memref<512xf32, #tpu.memory_space<vmem>>, vector<16xf32>,
    %get3A_731 = vector.shape_cast %get3A_730 : vector<16xf32> to vector<16xf32>
    %mul3A_732 = vector.broadcast %squeeze3A_728 : f32 to vector<16xf32>
    %mul3A_733 = arith.mulf %mul3A_732, %get3A_731 : vector<16xf32>
    %add3A_734 = arith.addf %add3A_726, %mul3A_733 : vector<16xf32>
    %slice3A_735 = vector.extract_strided_slice %get3A_27 {offsets = [2], sizes = [1], strides = [1]} : vector<16xf32> to vector<1xf32>
    %squeeze3A_736 = vector.extract %slice3A_735[0] : f32 from vector<1xf32>
    %get3A_737 = arith.constant 64 : index
    %get3A_738 = tpu.vector_load %arg7[%get3A_737] {strides = array<i32>} : memref<512xf32, #tpu.memory_space<vmem>>, vector<16xf32>,
    %get3A_739 = vector.shape_cast %get3A_738 : vector<16xf32> to vector<16xf32>
    %mul3A_740 = vector.broadcast %squeeze3A_736 : f32 to vector<16xf32>
    %mul3A_741 = arith.mulf %mul3A_740, %get3A_739 : vector<16xf32>
    %add3A_742 = arith.addf %add3A_734, %mul3A_741 : vector<16xf32>
    %slice3A_743 = vector.extract_strided_slice %get3A_27 {offsets = [3], sizes = [1], strides = [1]} : vector<16xf32> to vector<1xf32>
    %squeeze3A_744 = vector.extract %slice3A_743[0] : f32 from vector<1xf32>
    %get3A_745 = arith.constant 96 : index
    %get3A_746 = tpu.vector_load %arg7[%get3A_745] {strides = array<i32>} : memref<512xf32, #tpu.memory_space<vmem>>, vector<16xf32>,
    %get3A_747 = vector.shape_cast %get3A_746 : vector<16xf32> to vector<16xf32>
    %mul3A_748 = vector.broadcast %squeeze3A_744 : f32 to vector<16xf32>
    %mul3A_749 = arith.mulf %mul3A_748, %get3A_747 : vector<16xf32>
    %add3A_750 = arith.addf %add3A_742, %mul3A_749 : vector<16xf32>
    %slice3A_751 = vector.extract_strided_slice %get3A_27 {offsets = [4], sizes = [1], strides = [1]} : vector<16xf32> to vector<1xf32>
    %squeeze3A_752 = vector.extract %slice3A_751[0] : f32 from vector<1xf32>
    %get3A_753 = arith.constant 128 : index
    %get3A_754 = tpu.vector_load %arg7[%get3A_753] {strides = array<i32>} : memref<512xf32, #tpu.memory_space<vmem>>, vector<16xf32>,
    %get3A_755 = vector.shape_cast %get3A_754 : vector<16xf32> to vector<16xf32>
    %mul3A_756 = vector.broadcast %squeeze3A_752 : f32 to vector<16xf32>
    %mul3A_757 = arith.mulf %mul3A_756, %get3A_755 : vector<16xf32>
    %add3A_758 = arith.addf %add3A_750, %mul3A_757 : vector<16xf32>
    %slice3A_759 = vector.extract_strided_slice %get3A_27 {offsets = [5], sizes = [1], strides = [1]} : vector<16xf32> to vector<1xf32>
    %squeeze3A_760 = vector.extract %slice3A_759[0] : f32 from vector<1xf32>
    %get3A_761 = arith.constant 160 : index
    %get3A_762 = tpu.vector_load %arg7[%get3A_761] {strides = array<i32>} : memref<512xf32, #tpu.memory_space<vmem>>, vector<16xf32>,
    %get3A_763 = vector.shape_cast %get3A_762 : vector<16xf32> to vector<16xf32>
    %mul3A_764 = vector.broadcast %squeeze3A_760 : f32 to vector<16xf32>
    %mul3A_765 = arith.mulf %mul3A_764, %get3A_763 : vector<16xf32>
    %add3A_766 = arith.addf %add3A_758, %mul3A_765 : vector<16xf32>
    %slice3A_767 = vector.extract_strided_slice %get3A_27 {offsets = [6], sizes = [1], strides = [1]} : vector<16xf32> to vector<1xf32>
    %squeeze3A_768 = vector.extract %slice3A_767[0] : f32 from vector<1xf32>
    %get3A_769 = arith.constant 192 : index
    %get3A_770 = tpu.vector_load %arg7[%get3A_769] {strides = array<i32>} : memref<512xf32, #tpu.memory_space<vmem>>, vector<16xf32>,
    %get3A_771 = vector.shape_cast %get3A_770 : vector<16xf32> to vector<16xf32>
    %mul3A_772 = vector.broadcast %squeeze3A_768 : f32 to vector<16xf32>
    %mul3A_773 = arith.mulf %mul3A_772, %get3A_771 : vector<16xf32>
    %add3A_774 = arith.addf %add3A_766, %mul3A_773 : vector<16xf32>
    %slice3A_775 = vector.extract_strided_slice %get3A_27 {offsets = [7], sizes = [1], strides = [1]} : vector<16xf32> to vector<1xf32>
    %squeeze3A_776 = vector.extract %slice3A_775[0] : f32 from vector<1xf32>
    %get3A_777 = arith.constant 224 : index
    %get3A_778 = tpu.vector_load %arg7[%get3A_777] {strides = array<i32>} : memref<512xf32, #tpu.memory_space<vmem>>, vector<16xf32>,
    %get3A_779 = vector.shape_cast %get3A_778 : vector<16xf32> to vector<16xf32>
    %mul3A_780 = vector.broadcast %squeeze3A_776 : f32 to vector<16xf32>
    %mul3A_781 = arith.mulf %mul3A_780, %get3A_779 : vector<16xf32>
    %add3A_782 = arith.addf %add3A_774, %mul3A_781 : vector<16xf32>
    %slice3A_783 = vector.extract_strided_slice %get3A_27 {offsets = [8], sizes = [1], strides = [1]} : vector<16xf32> to vector<1xf32>
    %squeeze3A_784 = vector.extract %slice3A_783[0] : f32 from vector<1xf32>
    %get3A_785 = arith.constant 256 : index
    %get3A_786 = tpu.vector_load %arg7[%get3A_785] {strides = array<i32>} : memref<512xf32, #tpu.memory_space<vmem>>, vector<16xf32>,
    %get3A_787 = vector.shape_cast %get3A_786 : vector<16xf32> to vector<16xf32>
    %mul3A_788 = vector.broadcast %squeeze3A_784 : f32 to vector<16xf32>
    %mul3A_789 = arith.mulf %mul3A_788, %get3A_787 : vector<16xf32>
    %add3A_790 = arith.addf %add3A_782, %mul3A_789 : vector<16xf32>
    %slice3A_791 = vector.extract_strided_slice %get3A_27 {offsets = [9], sizes = [1], strides = [1]} : vector<16xf32> to vector<1xf32>
    %squeeze3A_792 = vector.extract %slice3A_791[0] : f32 from vector<1xf32>
    %get3A_793 = arith.constant 288 : index
    %get3A_794 = tpu.vector_load %arg7[%get3A_793] {strides = array<i32>} : memref<512xf32, #tpu.memory_space<vmem>>, vector<16xf32>,
    %get3A_795 = vector.shape_cast %get3A_794 : vector<16xf32> to vector<16xf32>
    %mul3A_796 = vector.broadcast %squeeze3A_792 : f32 to vector<16xf32>
    %mul3A_797 = arith.mulf %mul3A_796, %get3A_795 : vector<16xf32>
    %add3A_798 = arith.addf %add3A_790, %mul3A_797 : vector<16xf32>
    %slice3A_799 = vector.extract_strided_slice %get3A_27 {offsets = [10], sizes = [1], strides = [1]} : vector<16xf32> to vector<1xf32>
    %squeeze3A_800 = vector.extract %slice3A_799[0] : f32 from vector<1xf32>
    %get3A_801 = arith.constant 320 : index
    %get3A_802 = tpu.vector_load %arg7[%get3A_801] {strides = array<i32>} : memref<512xf32, #tpu.memory_space<vmem>>, vector<16xf32>,
    %get3A_803 = vector.shape_cast %get3A_802 : vector<16xf32> to vector<16xf32>
    %mul3A_804 = vector.broadcast %squeeze3A_800 : f32 to vector<16xf32>
    %mul3A_805 = arith.mulf %mul3A_804, %get3A_803 : vector<16xf32>
    %add3A_806 = arith.addf %add3A_798, %mul3A_805 : vector<16xf32>
    %slice3A_807 = vector.extract_strided_slice %get3A_27 {offsets = [11], sizes = [1], strides = [1]} : vector<16xf32> to vector<1xf32>
    %squeeze3A_808 = vector.extract %slice3A_807[0] : f32 from vector<1xf32>
    %get3A_809 = arith.constant 352 : index
    %get3A_810 = tpu.vector_load %arg7[%get3A_809] {strides = array<i32>} : memref<512xf32, #tpu.memory_space<vmem>>, vector<16xf32>,
    %get3A_811 = vector.shape_cast %get3A_810 : vector<16xf32> to vector<16xf32>
    %mul3A_812 = vector.broadcast %squeeze3A_808 : f32 to vector<16xf32>
    %mul3A_813 = arith.mulf %mul3A_812, %get3A_811 : vector<16xf32>
    %add3A_814 = arith.addf %add3A_806, %mul3A_813 : vector<16xf32>
    %slice3A_815 = vector.extract_strided_slice %get3A_27 {offsets = [12], sizes = [1], strides = [1]} : vector<16xf32> to vector<1xf32>
    %squeeze3A_816 = vector.extract %slice3A_815[0] : f32 from vector<1xf32>
    %get3A_817 = arith.constant 384 : index
    %get3A_818 = tpu.vector_load %arg7[%get3A_817] {strides = array<i32>} : memref<512xf32, #tpu.memory_space<vmem>>, vector<16xf32>,
    %get3A_819 = vector.shape_cast %get3A_818 : vector<16xf32> to vector<16xf32>
    %mul3A_820 = vector.broadcast %squeeze3A_816 : f32 to vector<16xf32>
    %mul3A_821 = arith.mulf %mul3A_820, %get3A_819 : vector<16xf32>
    %add3A_822 = arith.addf %add3A_814, %mul3A_821 : vector<16xf32>
    %slice3A_823 = vector.extract_strided_slice %get3A_27 {offsets = [13], sizes = [1], strides = [1]} : vector<16xf32> to vector<1xf32>
    %squeeze3A_824 = vector.extract %slice3A_823[0] : f32 from vector<1xf32>
    %get3A_825 = arith.constant 416 : index
    %get3A_826 = tpu.vector_load %arg7[%get3A_825] {strides = array<i32>} : memref<512xf32, #tpu.memory_space<vmem>>, vector<16xf32>,
    %get3A_827 = vector.shape_cast %get3A_826 : vector<16xf32> to vector<16xf32>
    %mul3A_828 = vector.broadcast %squeeze3A_824 : f32 to vector<16xf32>
    %mul3A_829 = arith.mulf %mul3A_828, %get3A_827 : vector<16xf32>
    %add3A_830 = arith.addf %add3A_822, %mul3A_829 : vector<16xf32>
    %slice3A_831 = vector.extract_strided_slice %get3A_27 {offsets = [14], sizes = [1], strides = [1]} : vector<16xf32> to vector<1xf32>
    %squeeze3A_832 = vector.extract %slice3A_831[0] : f32 from vector<1xf32>
    %get3A_833 = arith.constant 448 : index
    %get3A_834 = tpu.vector_load %arg7[%get3A_833] {strides = array<i32>} : memref<512xf32, #tpu.memory_space<vmem>>, vector<16xf32>,
    %get3A_835 = vector.shape_cast %get3A_834 : vector<16xf32> to vector<16xf32>
    %mul3A_836 = vector.broadcast %squeeze3A_832 : f32 to vector<16xf32>
    %mul3A_837 = arith.mulf %mul3A_836, %get3A_835 : vector<16xf32>
    %add3A_838 = arith.addf %add3A_830, %mul3A_837 : vector<16xf32>
    %slice3A_839 = vector.extract_strided_slice %get3A_27 {offsets = [15], sizes = [1], strides = [1]} : vector<16xf32> to vector<1xf32>
    %squeeze3A_840 = vector.extract %slice3A_839[0] : f32 from vector<1xf32>
    %get3A_841 = arith.constant 480 : index
    %get3A_842 = tpu.vector_load %arg7[%get3A_841] {strides = array<i32>} : memref<512xf32, #tpu.memory_space<vmem>>, vector<16xf32>,
    %get3A_843 = vector.shape_cast %get3A_842 : vector<16xf32> to vector<16xf32>
    %mul3A_844 = vector.broadcast %squeeze3A_840 : f32 to vector<16xf32>
    %mul3A_845 = arith.mulf %mul3A_844, %get3A_843 : vector<16xf32>
    %add3A_846 = arith.addf %add3A_838, %mul3A_845 : vector<16xf32>
    %swap3A_847 = arith.constant 5 : i32
    %swap3A_848 = arith.index_cast %swap3A_847 : i32 to index
    %swap3A_849 = arith.constant 0 : index
    %swap3A_850 = tpu.vector_load %arg9[%swap3A_848, %swap3A_849] {strides = array<i32>} : memref<8x32xf32, #tpu.memory_space<vmem>>, vector<1x16xf32>,
    %swap3A_851 = vector.shape_cast %swap3A_850 : vector<1x16xf32> to vector<16xf32>
    %swap3A_852 = vector.shape_cast %add3A_846 : vector<16xf32> to vector<1x16xf32>
    tpu.vector_store %arg9[%swap3A_848, %swap3A_849], %swap3A_852 {strides = array<i32>} : memref<8x32xf32, #tpu.memory_space<vmem>>, vector<1x16xf32>,
    %get3A_853 = arith.constant 0 : index
    %get3A_854 = tpu.vector_load %arg8[%get3A_853] {strides = array<i32>} : memref<32xf32, #tpu.memory_space<vmem>>, vector<16xf32>,
    %get3A_855 = vector.shape_cast %get3A_854 : vector<16xf32> to vector<16xf32>
    %slice3A_856 = vector.extract_strided_slice %get3A_30 {offsets = [0], sizes = [1], strides = [1]} : vector<16xf32> to vector<1xf32>
    %squeeze3A_857 = vector.extract %slice3A_856[0] : f32 from vector<1xf32>
    %get3A_858 = arith.constant 0 : index
    %get3A_859 = tpu.vector_load %arg7[%get3A_858] {strides = array<i32>} : memref<512xf32, #tpu.memory_space<vmem>>, vector<16xf32>,
    %get3A_860 = vector.shape_cast %get3A_859 : vector<16xf32> to vector<16xf32>
    %mul3A_861 = vector.broadcast %squeeze3A_857 : f32 to vector<16xf32>
    %mul3A_862 = arith.mulf %mul3A_861, %get3A_860 : vector<16xf32>
    %add3A_863 = arith.addf %get3A_855, %mul3A_862 : vector<16xf32>
    %slice3A_864 = vector.extract_strided_slice %get3A_30 {offsets = [1], sizes = [1], strides = [1]} : vector<16xf32> to vector<1xf32>
    %squeeze3A_865 = vector.extract %slice3A_864[0] : f32 from vector<1xf32>
    %get3A_866 = arith.constant 32 : index
    %get3A_867 = tpu.vector_load %arg7[%get3A_866] {strides = array<i32>} : memref<512xf32, #tpu.memory_space<vmem>>, vector<16xf32>,
    %get3A_868 = vector.shape_cast %get3A_867 : vector<16xf32> to vector<16xf32>
    %mul3A_869 = vector.broadcast %squeeze3A_865 : f32 to vector<16xf32>
    %mul3A_870 = arith.mulf %mul3A_869, %get3A_868 : vector<16xf32>
    %add3A_871 = arith.addf %add3A_863, %mul3A_870 : vector<16xf32>
    %slice3A_872 = vector.extract_strided_slice %get3A_30 {offsets = [2], sizes = [1], strides = [1]} : vector<16xf32> to vector<1xf32>
    %squeeze3A_873 = vector.extract %slice3A_872[0] : f32 from vector<1xf32>
    %get3A_874 = arith.constant 64 : index
    %get3A_875 = tpu.vector_load %arg7[%get3A_874] {strides = array<i32>} : memref<512xf32, #tpu.memory_space<vmem>>, vector<16xf32>,
    %get3A_876 = vector.shape_cast %get3A_875 : vector<16xf32> to vector<16xf32>
    %mul3A_877 = vector.broadcast %squeeze3A_873 : f32 to vector<16xf32>
    %mul3A_878 = arith.mulf %mul3A_877, %get3A_876 : vector<16xf32>
    %add3A_879 = arith.addf %add3A_871, %mul3A_878 : vector<16xf32>
    %slice3A_880 = vector.extract_strided_slice %get3A_30 {offsets = [3], sizes = [1], strides = [1]} : vector<16xf32> to vector<1xf32>
    %squeeze3A_881 = vector.extract %slice3A_880[0] : f32 from vector<1xf32>
    %get3A_882 = arith.constant 96 : index
    %get3A_883 = tpu.vector_load %arg7[%get3A_882] {strides = array<i32>} : memref<512xf32, #tpu.memory_space<vmem>>, vector<16xf32>,
    %get3A_884 = vector.shape_cast %get3A_883 : vector<16xf32> to vector<16xf32>
    %mul3A_885 = vector.broadcast %squeeze3A_881 : f32 to vector<16xf32>
    %mul3A_886 = arith.mulf %mul3A_885, %get3A_884 : vector<16xf32>
    %add3A_887 = arith.addf %add3A_879, %mul3A_886 : vector<16xf32>
    %slice3A_888 = vector.extract_strided_slice %get3A_30 {offsets = [4], sizes = [1], strides = [1]} : vector<16xf32> to vector<1xf32>
    %squeeze3A_889 = vector.extract %slice3A_888[0] : f32 from vector<1xf32>
    %get3A_890 = arith.constant 128 : index
    %get3A_891 = tpu.vector_load %arg7[%get3A_890] {strides = array<i32>} : memref<512xf32, #tpu.memory_space<vmem>>, vector<16xf32>,
    %get3A_892 = vector.shape_cast %get3A_891 : vector<16xf32> to vector<16xf32>
    %mul3A_893 = vector.broadcast %squeeze3A_889 : f32 to vector<16xf32>
    %mul3A_894 = arith.mulf %mul3A_893, %get3A_892 : vector<16xf32>
    %add3A_895 = arith.addf %add3A_887, %mul3A_894 : vector<16xf32>
    %slice3A_896 = vector.extract_strided_slice %get3A_30 {offsets = [5], sizes = [1], strides = [1]} : vector<16xf32> to vector<1xf32>
    %squeeze3A_897 = vector.extract %slice3A_896[0] : f32 from vector<1xf32>
    %get3A_898 = arith.constant 160 : index
    %get3A_899 = tpu.vector_load %arg7[%get3A_898] {strides = array<i32>} : memref<512xf32, #tpu.memory_space<vmem>>, vector<16xf32>,
    %get3A_900 = vector.shape_cast %get3A_899 : vector<16xf32> to vector<16xf32>
    %mul3A_901 = vector.broadcast %squeeze3A_897 : f32 to vector<16xf32>
    %mul3A_902 = arith.mulf %mul3A_901, %get3A_900 : vector<16xf32>
    %add3A_903 = arith.addf %add3A_895, %mul3A_902 : vector<16xf32>
    %slice3A_904 = vector.extract_strided_slice %get3A_30 {offsets = [6], sizes = [1], strides = [1]} : vector<16xf32> to vector<1xf32>
    %squeeze3A_905 = vector.extract %slice3A_904[0] : f32 from vector<1xf32>
    %get3A_906 = arith.constant 192 : index
    %get3A_907 = tpu.vector_load %arg7[%get3A_906] {strides = array<i32>} : memref<512xf32, #tpu.memory_space<vmem>>, vector<16xf32>,
    %get3A_908 = vector.shape_cast %get3A_907 : vector<16xf32> to vector<16xf32>
    %mul3A_909 = vector.broadcast %squeeze3A_905 : f32 to vector<16xf32>
    %mul3A_910 = arith.mulf %mul3A_909, %get3A_908 : vector<16xf32>
    %add3A_911 = arith.addf %add3A_903, %mul3A_910 : vector<16xf32>
    %slice3A_912 = vector.extract_strided_slice %get3A_30 {offsets = [7], sizes = [1], strides = [1]} : vector<16xf32> to vector<1xf32>
    %squeeze3A_913 = vector.extract %slice3A_912[0] : f32 from vector<1xf32>
    %get3A_914 = arith.constant 224 : index
    %get3A_915 = tpu.vector_load %arg7[%get3A_914] {strides = array<i32>} : memref<512xf32, #tpu.memory_space<vmem>>, vector<16xf32>,
    %get3A_916 = vector.shape_cast %get3A_915 : vector<16xf32> to vector<16xf32>
    %mul3A_917 = vector.broadcast %squeeze3A_913 : f32 to vector<16xf32>
    %mul3A_918 = arith.mulf %mul3A_917, %get3A_916 : vector<16xf32>
    %add3A_919 = arith.addf %add3A_911, %mul3A_918 : vector<16xf32>
    %slice3A_920 = vector.extract_strided_slice %get3A_30 {offsets = [8], sizes = [1], strides = [1]} : vector<16xf32> to vector<1xf32>
    %squeeze3A_921 = vector.extract %slice3A_920[0] : f32 from vector<1xf32>
    %get3A_922 = arith.constant 256 : index
    %get3A_923 = tpu.vector_load %arg7[%get3A_922] {strides = array<i32>} : memref<512xf32, #tpu.memory_space<vmem>>, vector<16xf32>,
    %get3A_924 = vector.shape_cast %get3A_923 : vector<16xf32> to vector<16xf32>
    %mul3A_925 = vector.broadcast %squeeze3A_921 : f32 to vector<16xf32>
    %mul3A_926 = arith.mulf %mul3A_925, %get3A_924 : vector<16xf32>
    %add3A_927 = arith.addf %add3A_919, %mul3A_926 : vector<16xf32>
    %slice3A_928 = vector.extract_strided_slice %get3A_30 {offsets = [9], sizes = [1], strides = [1]} : vector<16xf32> to vector<1xf32>
    %squeeze3A_929 = vector.extract %slice3A_928[0] : f32 from vector<1xf32>
    %get3A_930 = arith.constant 288 : index
    %get3A_931 = tpu.vector_load %arg7[%get3A_930] {strides = array<i32>} : memref<512xf32, #tpu.memory_space<vmem>>, vector<16xf32>,
    %get3A_932 = vector.shape_cast %get3A_931 : vector<16xf32> to vector<16xf32>
    %mul3A_933 = vector.broadcast %squeeze3A_929 : f32 to vector<16xf32>
    %mul3A_934 = arith.mulf %mul3A_933, %get3A_932 : vector<16xf32>
    %add3A_935 = arith.addf %add3A_927, %mul3A_934 : vector<16xf32>
    %slice3A_936 = vector.extract_strided_slice %get3A_30 {offsets = [10], sizes = [1], strides = [1]} : vector<16xf32> to vector<1xf32>
    %squeeze3A_937 = vector.extract %slice3A_936[0] : f32 from vector<1xf32>
    %get3A_938 = arith.constant 320 : index
    %get3A_939 = tpu.vector_load %arg7[%get3A_938] {strides = array<i32>} : memref<512xf32, #tpu.memory_space<vmem>>, vector<16xf32>,
    %get3A_940 = vector.shape_cast %get3A_939 : vector<16xf32> to vector<16xf32>
    %mul3A_941 = vector.broadcast %squeeze3A_937 : f32 to vector<16xf32>
    %mul3A_942 = arith.mulf %mul3A_941, %get3A_940 : vector<16xf32>
    %add3A_943 = arith.addf %add3A_935, %mul3A_942 : vector<16xf32>
    %slice3A_944 = vector.extract_strided_slice %get3A_30 {offsets = [11], sizes = [1], strides = [1]} : vector<16xf32> to vector<1xf32>
    %squeeze3A_945 = vector.extract %slice3A_944[0] : f32 from vector<1xf32>
    %get3A_946 = arith.constant 352 : index
    %get3A_947 = tpu.vector_load %arg7[%get3A_946] {strides = array<i32>} : memref<512xf32, #tpu.memory_space<vmem>>, vector<16xf32>,
    %get3A_948 = vector.shape_cast %get3A_947 : vector<16xf32> to vector<16xf32>
    %mul3A_949 = vector.broadcast %squeeze3A_945 : f32 to vector<16xf32>
    %mul3A_950 = arith.mulf %mul3A_949, %get3A_948 : vector<16xf32>
    %add3A_951 = arith.addf %add3A_943, %mul3A_950 : vector<16xf32>
    %slice3A_952 = vector.extract_strided_slice %get3A_30 {offsets = [12], sizes = [1], strides = [1]} : vector<16xf32> to vector<1xf32>
    %squeeze3A_953 = vector.extract %slice3A_952[0] : f32 from vector<1xf32>
    %get3A_954 = arith.constant 384 : index
    %get3A_955 = tpu.vector_load %arg7[%get3A_954] {strides = array<i32>} : memref<512xf32, #tpu.memory_space<vmem>>, vector<16xf32>,
    %get3A_956 = vector.shape_cast %get3A_955 : vector<16xf32> to vector<16xf32>
    %mul3A_957 = vector.broadcast %squeeze3A_953 : f32 to vector<16xf32>
    %mul3A_958 = arith.mulf %mul3A_957, %get3A_956 : vector<16xf32>
    %add3A_959 = arith.addf %add3A_951, %mul3A_958 : vector<16xf32>
    %slice3A_960 = vector.extract_strided_slice %get3A_30 {offsets = [13], sizes = [1], strides = [1]} : vector<16xf32> to vector<1xf32>
    %squeeze3A_961 = vector.extract %slice3A_960[0] : f32 from vector<1xf32>
    %get3A_962 = arith.constant 416 : index
    %get3A_963 = tpu.vector_load %arg7[%get3A_962] {strides = array<i32>} : memref<512xf32, #tpu.memory_space<vmem>>, vector<16xf32>,
    %get3A_964 = vector.shape_cast %get3A_963 : vector<16xf32> to vector<16xf32>
    %mul3A_965 = vector.broadcast %squeeze3A_961 : f32 to vector<16xf32>
    %mul3A_966 = arith.mulf %mul3A_965, %get3A_964 : vector<16xf32>
    %add3A_967 = arith.addf %add3A_959, %mul3A_966 : vector<16xf32>
    %slice3A_968 = vector.extract_strided_slice %get3A_30 {offsets = [14], sizes = [1], strides = [1]} : vector<16xf32> to vector<1xf32>
    %squeeze3A_969 = vector.extract %slice3A_968[0] : f32 from vector<1xf32>
    %get3A_970 = arith.constant 448 : index
    %get3A_971 = tpu.vector_load %arg7[%get3A_970] {strides = array<i32>} : memref<512xf32, #tpu.memory_space<vmem>>, vector<16xf32>,
    %get3A_972 = vector.shape_cast %get3A_971 : vector<16xf32> to vector<16xf32>
    %mul3A_973 = vector.broadcast %squeeze3A_969 : f32 to vector<16xf32>
    %mul3A_974 = arith.mulf %mul3A_973, %get3A_972 : vector<16xf32>
    %add3A_975 = arith.addf %add3A_967, %mul3A_974 : vector<16xf32>
    %slice3A_976 = vector.extract_strided_slice %get3A_30 {offsets = [15], sizes = [1], strides = [1]} : vector<16xf32> to vector<1xf32>
    %squeeze3A_977 = vector.extract %slice3A_976[0] : f32 from vector<1xf32>
    %get3A_978 = arith.constant 480 : index
    %get3A_979 = tpu.vector_load %arg7[%get3A_978] {strides = array<i32>} : memref<512xf32, #tpu.memory_space<vmem>>, vector<16xf32>,
    %get3A_980 = vector.shape_cast %get3A_979 : vector<16xf32> to vector<16xf32>
    %mul3A_981 = vector.broadcast %squeeze3A_977 : f32 to vector<16xf32>
    %mul3A_982 = arith.mulf %mul3A_981, %get3A_980 : vector<16xf32>
    %add3A_983 = arith.addf %add3A_975, %mul3A_982 : vector<16xf32>
    %swap3A_984 = arith.constant 6 : i32
    %swap3A_985 = arith.index_cast %swap3A_984 : i32 to index
    %swap3A_986 = arith.constant 0 : index
    %swap3A_987 = tpu.vector_load %arg9[%swap3A_985, %swap3A_986] {strides = array<i32>} : memref<8x32xf32, #tpu.memory_space<vmem>>, vector<1x16xf32>,
    %swap3A_988 = vector.shape_cast %swap3A_987 : vector<1x16xf32> to vector<16xf32>
    %swap3A_989 = vector.shape_cast %add3A_983 : vector<16xf32> to vector<1x16xf32>
    tpu.vector_store %arg9[%swap3A_985, %swap3A_986], %swap3A_989 {strides = array<i32>} : memref<8x32xf32, #tpu.memory_space<vmem>>, vector<1x16xf32>,
    %get3A_990 = arith.constant 0 : index
    %get3A_991 = tpu.vector_load %arg8[%get3A_990] {strides = array<i32>} : memref<32xf32, #tpu.memory_space<vmem>>, vector<16xf32>,
    %get3A_992 = vector.shape_cast %get3A_991 : vector<16xf32> to vector<16xf32>
    %slice3A_993 = vector.extract_strided_slice %get3A_33 {offsets = [0], sizes = [1], strides = [1]} : vector<16xf32> to vector<1xf32>
    %squeeze3A_994 = vector.extract %slice3A_993[0] : f32 from vector<1xf32>
    %get3A_995 = arith.constant 0 : index
    %get3A_996 = tpu.vector_load %arg7[%get3A_995] {strides = array<i32>} : memref<512xf32, #tpu.memory_space<vmem>>, vector<16xf32>,
    %get3A_997 = vector.shape_cast %get3A_996 : vector<16xf32> to vector<16xf32>
    %mul3A_998 = vector.broadcast %squeeze3A_994 : f32 to vector<16xf32>
    %mul3A_999 = arith.mulf %mul3A_998, %get3A_997 : vector<16xf32>
    %add3A_1000 = arith.addf %get3A_992, %mul3A_999 : vector<16xf32>
    %slice3A_1001 = vector.extract_strided_slice %get3A_33 {offsets = [1], sizes = [1], strides = [1]} : vector<16xf32> to vector<1xf32>
    %squeeze3A_1002 = vector.extract %slice3A_1001[0] : f32 from vector<1xf32>
    %get3A_1003 = arith.constant 32 : index
    %get3A_1004 = tpu.vector_load %arg7[%get3A_1003] {strides = array<i32>} : memref<512xf32, #tpu.memory_space<vmem>>, vector<16xf32>,
    %get3A_1005 = vector.shape_cast %get3A_1004 : vector<16xf32> to vector<16xf32>
    %mul3A_1006 = vector.broadcast %squeeze3A_1002 : f32 to vector<16xf32>
    %mul3A_1007 = arith.mulf %mul3A_1006, %get3A_1005 : vector<16xf32>
    %add3A_1008 = arith.addf %add3A_1000, %mul3A_1007 : vector<16xf32>
    %slice3A_1009 = vector.extract_strided_slice %get3A_33 {offsets = [2], sizes = [1], strides = [1]} : vector<16xf32> to vector<1xf32>
    %squeeze3A_1010 = vector.extract %slice3A_1009[0] : f32 from vector<1xf32>
    %get3A_1011 = arith.constant 64 : index
    %get3A_1012 = tpu.vector_load %arg7[%get3A_1011] {strides = array<i32>} : memref<512xf32, #tpu.memory_space<vmem>>, vector<16xf32>,
    %get3A_1013 = vector.shape_cast %get3A_1012 : vector<16xf32> to vector<16xf32>
    %mul3A_1014 = vector.broadcast %squeeze3A_1010 : f32 to vector<16xf32>
    %mul3A_1015 = arith.mulf %mul3A_1014, %get3A_1013 : vector<16xf32>
    %add3A_1016 = arith.addf %add3A_1008, %mul3A_1015 : vector<16xf32>
    %slice3A_1017 = vector.extract_strided_slice %get3A_33 {offsets = [3], sizes = [1], strides = [1]} : vector<16xf32> to vector<1xf32>
    %squeeze3A_1018 = vector.extract %slice3A_1017[0] : f32 from vector<1xf32>
    %get3A_1019 = arith.constant 96 : index
    %get3A_1020 = tpu.vector_load %arg7[%get3A_1019] {strides = array<i32>} : memref<512xf32, #tpu.memory_space<vmem>>, vector<16xf32>,
    %get3A_1021 = vector.shape_cast %get3A_1020 : vector<16xf32> to vector<16xf32>
    %mul3A_1022 = vector.broadcast %squeeze3A_1018 : f32 to vector<16xf32>
    %mul3A_1023 = arith.mulf %mul3A_1022, %get3A_1021 : vector<16xf32>
    %add3A_1024 = arith.addf %add3A_1016, %mul3A_1023 : vector<16xf32>
    %slice3A_1025 = vector.extract_strided_slice %get3A_33 {offsets = [4], sizes = [1], strides = [1]} : vector<16xf32> to vector<1xf32>
    %squeeze3A_1026 = vector.extract %slice3A_1025[0] : f32 from vector<1xf32>
    %get3A_1027 = arith.constant 128 : index
    %get3A_1028 = tpu.vector_load %arg7[%get3A_1027] {strides = array<i32>} : memref<512xf32, #tpu.memory_space<vmem>>, vector<16xf32>,
    %get3A_1029 = vector.shape_cast %get3A_1028 : vector<16xf32> to vector<16xf32>
    %mul3A_1030 = vector.broadcast %squeeze3A_1026 : f32 to vector<16xf32>
    %mul3A_1031 = arith.mulf %mul3A_1030, %get3A_1029 : vector<16xf32>
    %add3A_1032 = arith.addf %add3A_1024, %mul3A_1031 : vector<16xf32>
    %slice3A_1033 = vector.extract_strided_slice %get3A_33 {offsets = [5], sizes = [1], strides = [1]} : vector<16xf32> to vector<1xf32>
    %squeeze3A_1034 = vector.extract %slice3A_1033[0] : f32 from vector<1xf32>
    %get3A_1035 = arith.constant 160 : index
    %get3A_1036 = tpu.vector_load %arg7[%get3A_1035] {strides = array<i32>} : memref<512xf32, #tpu.memory_space<vmem>>, vector<16xf32>,
    %get3A_1037 = vector.shape_cast %get3A_1036 : vector<16xf32> to vector<16xf32>
    %mul3A_1038 = vector.broadcast %squeeze3A_1034 : f32 to vector<16xf32>
    %mul3A_1039 = arith.mulf %mul3A_1038, %get3A_1037 : vector<16xf32>
    %add3A_1040 = arith.addf %add3A_1032, %mul3A_1039 : vector<16xf32>
    %slice3A_1041 = vector.extract_strided_slice %get3A_33 {offsets = [6], sizes = [1], strides = [1]} : vector<16xf32> to vector<1xf32>
    %squeeze3A_1042 = vector.extract %slice3A_1041[0] : f32 from vector<1xf32>
    %get3A_1043 = arith.constant 192 : index
    %get3A_1044 = tpu.vector_load %arg7[%get3A_1043] {strides = array<i32>} : memref<512xf32, #tpu.memory_space<vmem>>, vector<16xf32>,
    %get3A_1045 = vector.shape_cast %get3A_1044 : vector<16xf32> to vector<16xf32>
    %mul3A_1046 = vector.broadcast %squeeze3A_1042 : f32 to vector<16xf32>
    %mul3A_1047 = arith.mulf %mul3A_1046, %get3A_1045 : vector<16xf32>
    %add3A_1048 = arith.addf %add3A_1040, %mul3A_1047 : vector<16xf32>
    %slice3A_1049 = vector.extract_strided_slice %get3A_33 {offsets = [7], sizes = [1], strides = [1]} : vector<16xf32> to vector<1xf32>
    %squeeze3A_1050 = vector.extract %slice3A_1049[0] : f32 from vector<1xf32>
    %get3A_1051 = arith.constant 224 : index
    %get3A_1052 = tpu.vector_load %arg7[%get3A_1051] {strides = array<i32>} : memref<512xf32, #tpu.memory_space<vmem>>, vector<16xf32>,
    %get3A_1053 = vector.shape_cast %get3A_1052 : vector<16xf32> to vector<16xf32>
    %mul3A_1054 = vector.broadcast %squeeze3A_1050 : f32 to vector<16xf32>
    %mul3A_1055 = arith.mulf %mul3A_1054, %get3A_1053 : vector<16xf32>
    %add3A_1056 = arith.addf %add3A_1048, %mul3A_1055 : vector<16xf32>
    %slice3A_1057 = vector.extract_strided_slice %get3A_33 {offsets = [8], sizes = [1], strides = [1]} : vector<16xf32> to vector<1xf32>
    %squeeze3A_1058 = vector.extract %slice3A_1057[0] : f32 from vector<1xf32>
    %get3A_1059 = arith.constant 256 : index
    %get3A_1060 = tpu.vector_load %arg7[%get3A_1059] {strides = array<i32>} : memref<512xf32, #tpu.memory_space<vmem>>, vector<16xf32>,
    %get3A_1061 = vector.shape_cast %get3A_1060 : vector<16xf32> to vector<16xf32>
    %mul3A_1062 = vector.broadcast %squeeze3A_1058 : f32 to vector<16xf32>
    %mul3A_1063 = arith.mulf %mul3A_1062, %get3A_1061 : vector<16xf32>
    %add3A_1064 = arith.addf %add3A_1056, %mul3A_1063 : vector<16xf32>
    %slice3A_1065 = vector.extract_strided_slice %get3A_33 {offsets = [9], sizes = [1], strides = [1]} : vector<16xf32> to vector<1xf32>
    %squeeze3A_1066 = vector.extract %slice3A_1065[0] : f32 from vector<1xf32>
    %get3A_1067 = arith.constant 288 : index
    %get3A_1068 = tpu.vector_load %arg7[%get3A_1067] {strides = array<i32>} : memref<512xf32, #tpu.memory_space<vmem>>, vector<16xf32>,
    %get3A_1069 = vector.shape_cast %get3A_1068 : vector<16xf32> to vector<16xf32>
    %mul3A_1070 = vector.broadcast %squeeze3A_1066 : f32 to vector<16xf32>
    %mul3A_1071 = arith.mulf %mul3A_1070, %get3A_1069 : vector<16xf32>
    %add3A_1072 = arith.addf %add3A_1064, %mul3A_1071 : vector<16xf32>
    %slice3A_1073 = vector.extract_strided_slice %get3A_33 {offsets = [10], sizes = [1], strides = [1]} : vector<16xf32> to vector<1xf32>
    %squeeze3A_1074 = vector.extract %slice3A_1073[0] : f32 from vector<1xf32>
    %get3A_1075 = arith.constant 320 : index
    %get3A_1076 = tpu.vector_load %arg7[%get3A_1075] {strides = array<i32>} : memref<512xf32, #tpu.memory_space<vmem>>, vector<16xf32>,
    %get3A_1077 = vector.shape_cast %get3A_1076 : vector<16xf32> to vector<16xf32>
    %mul3A_1078 = vector.broadcast %squeeze3A_1074 : f32 to vector<16xf32>
    %mul3A_1079 = arith.mulf %mul3A_1078, %get3A_1077 : vector<16xf32>
    %add3A_1080 = arith.addf %add3A_1072, %mul3A_1079 : vector<16xf32>
    %slice3A_1081 = vector.extract_strided_slice %get3A_33 {offsets = [11], sizes = [1], strides = [1]} : vector<16xf32> to vector<1xf32>
    %squeeze3A_1082 = vector.extract %slice3A_1081[0] : f32 from vector<1xf32>
    %get3A_1083 = arith.constant 352 : index
    %get3A_1084 = tpu.vector_load %arg7[%get3A_1083] {strides = array<i32>} : memref<512xf32, #tpu.memory_space<vmem>>, vector<16xf32>,
    %get3A_1085 = vector.shape_cast %get3A_1084 : vector<16xf32> to vector<16xf32>
    %mul3A_1086 = vector.broadcast %squeeze3A_1082 : f32 to vector<16xf32>
    %mul3A_1087 = arith.mulf %mul3A_1086, %get3A_1085 : vector<16xf32>
    %add3A_1088 = arith.addf %add3A_1080, %mul3A_1087 : vector<16xf32>
    %slice3A_1089 = vector.extract_strided_slice %get3A_33 {offsets = [12], sizes = [1], strides = [1]} : vector<16xf32> to vector<1xf32>
    %squeeze3A_1090 = vector.extract %slice3A_1089[0] : f32 from vector<1xf32>
    %get3A_1091 = arith.constant 384 : index
    %get3A_1092 = tpu.vector_load %arg7[%get3A_1091] {strides = array<i32>} : memref<512xf32, #tpu.memory_space<vmem>>, vector<16xf32>,
    %get3A_1093 = vector.shape_cast %get3A_1092 : vector<16xf32> to vector<16xf32>
    %mul3A_1094 = vector.broadcast %squeeze3A_1090 : f32 to vector<16xf32>
    %mul3A_1095 = arith.mulf %mul3A_1094, %get3A_1093 : vector<16xf32>
    %add3A_1096 = arith.addf %add3A_1088, %mul3A_1095 : vector<16xf32>
    %slice3A_1097 = vector.extract_strided_slice %get3A_33 {offsets = [13], sizes = [1], strides = [1]} : vector<16xf32> to vector<1xf32>
    %squeeze3A_1098 = vector.extract %slice3A_1097[0] : f32 from vector<1xf32>
    %get3A_1099 = arith.constant 416 : index
    %get3A_1100 = tpu.vector_load %arg7[%get3A_1099] {strides = array<i32>} : memref<512xf32, #tpu.memory_space<vmem>>, vector<16xf32>,
    %get3A_1101 = vector.shape_cast %get3A_1100 : vector<16xf32> to vector<16xf32>
    %mul3A_1102 = vector.broadcast %squeeze3A_1098 : f32 to vector<16xf32>
    %mul3A_1103 = arith.mulf %mul3A_1102, %get3A_1101 : vector<16xf32>
    %add3A_1104 = arith.addf %add3A_1096, %mul3A_1103 : vector<16xf32>
    %slice3A_1105 = vector.extract_strided_slice %get3A_33 {offsets = [14], sizes = [1], strides = [1]} : vector<16xf32> to vector<1xf32>
    %squeeze3A_1106 = vector.extract %slice3A_1105[0] : f32 from vector<1xf32>
    %get3A_1107 = arith.constant 448 : index
    %get3A_1108 = tpu.vector_load %arg7[%get3A_1107] {strides = array<i32>} : memref<512xf32, #tpu.memory_space<vmem>>, vector<16xf32>,
    %get3A_1109 = vector.shape_cast %get3A_1108 : vector<16xf32> to vector<16xf32>
    %mul3A_1110 = vector.broadcast %squeeze3A_1106 : f32 to vector<16xf32>
    %mul3A_1111 = arith.mulf %mul3A_1110, %get3A_1109 : vector<16xf32>
    %add3A_1112 = arith.addf %add3A_1104, %mul3A_1111 : vector<16xf32>
    %slice3A_1113 = vector.extract_strided_slice %get3A_33 {offsets = [15], sizes = [1], strides = [1]} : vector<16xf32> to vector<1xf32>
    %squeeze3A_1114 = vector.extract %slice3A_1113[0] : f32 from vector<1xf32>
    %get3A_1115 = arith.constant 480 : index
    %get3A_1116 = tpu.vector_load %arg7[%get3A_1115] {strides = array<i32>} : memref<512xf32, #tpu.memory_space<vmem>>, vector<16xf32>,
    %get3A_1117 = vector.shape_cast %get3A_1116 : vector<16xf32> to vector<16xf32>
    %mul3A_1118 = vector.broadcast %squeeze3A_1114 : f32 to vector<16xf32>
    %mul3A_1119 = arith.mulf %mul3A_1118, %get3A_1117 : vector<16xf32>
    %add3A_1120 = arith.addf %add3A_1112, %mul3A_1119 : vector<16xf32>
    %swap3A_1121 = arith.constant 7 : i32
    %swap3A_1122 = arith.index_cast %swap3A_1121 : i32 to index
    %swap3A_1123 = arith.constant 0 : index
    %swap3A_1124 = tpu.vector_load %arg9[%swap3A_1122, %swap3A_1123] {strides = array<i32>} : memref<8x32xf32, #tpu.memory_space<vmem>>, vector<1x16xf32>,
    %swap3A_1125 = vector.shape_cast %swap3A_1124 : vector<1x16xf32> to vector<16xf32>
    %swap3A_1126 = vector.shape_cast %add3A_1120 : vector<16xf32> to vector<1x16xf32>
    tpu.vector_store %arg9[%swap3A_1122, %swap3A_1123], %swap3A_1126 {strides = array<i32>} : memref<8x32xf32, #tpu.memory_space<vmem>>, vector<1x16xf32>,
    %get3A_1127 = arith.constant 16 : index
    %get3A_1128 = tpu.vector_load %arg8[%get3A_1127] {strides = array<i32>} : memref<32xf32, #tpu.memory_space<vmem>>, vector<16xf32>,
    %get3A_1129 = vector.shape_cast %get3A_1128 : vector<16xf32> to vector<16xf32>
    %slice3A_1130 = vector.extract_strided_slice %get3A_12 {offsets = [0], sizes = [1], strides = [1]} : vector<16xf32> to vector<1xf32>
    %squeeze3A_1131 = vector.extract %slice3A_1130[0] : f32 from vector<1xf32>
    %get3A_1132 = arith.constant 16 : index
    %get3A_1133 = tpu.vector_load %arg7[%get3A_1132] {strides = array<i32>} : memref<512xf32, #tpu.memory_space<vmem>>, vector<16xf32>,
    %get3A_1134 = vector.shape_cast %get3A_1133 : vector<16xf32> to vector<16xf32>
    %mul3A_1135 = vector.broadcast %squeeze3A_1131 : f32 to vector<16xf32>
    %mul3A_1136 = arith.mulf %mul3A_1135, %get3A_1134 : vector<16xf32>
    %add3A_1137 = arith.addf %get3A_1129, %mul3A_1136 : vector<16xf32>
    %slice3A_1138 = vector.extract_strided_slice %get3A_12 {offsets = [1], sizes = [1], strides = [1]} : vector<16xf32> to vector<1xf32>
    %squeeze3A_1139 = vector.extract %slice3A_1138[0] : f32 from vector<1xf32>
    %get3A_1140 = arith.constant 48 : index
    %get3A_1141 = tpu.vector_load %arg7[%get3A_1140] {strides = array<i32>} : memref<512xf32, #tpu.memory_space<vmem>>, vector<16xf32>,
    %get3A_1142 = vector.shape_cast %get3A_1141 : vector<16xf32> to vector<16xf32>
    %mul3A_1143 = vector.broadcast %squeeze3A_1139 : f32 to vector<16xf32>
    %mul3A_1144 = arith.mulf %mul3A_1143, %get3A_1142 : vector<16xf32>
    %add3A_1145 = arith.addf %add3A_1137, %mul3A_1144 : vector<16xf32>
    %slice3A_1146 = vector.extract_strided_slice %get3A_12 {offsets = [2], sizes = [1], strides = [1]} : vector<16xf32> to vector<1xf32>
    %squeeze3A_1147 = vector.extract %slice3A_1146[0] : f32 from vector<1xf32>
    %get3A_1148 = arith.constant 80 : index
    %get3A_1149 = tpu.vector_load %arg7[%get3A_1148] {strides = array<i32>} : memref<512xf32, #tpu.memory_space<vmem>>, vector<16xf32>,
    %get3A_1150 = vector.shape_cast %get3A_1149 : vector<16xf32> to vector<16xf32>
    %mul3A_1151 = vector.broadcast %squeeze3A_1147 : f32 to vector<16xf32>
    %mul3A_1152 = arith.mulf %mul3A_1151, %get3A_1150 : vector<16xf32>
    %add3A_1153 = arith.addf %add3A_1145, %mul3A_1152 : vector<16xf32>
    %slice3A_1154 = vector.extract_strided_slice %get3A_12 {offsets = [3], sizes = [1], strides = [1]} : vector<16xf32> to vector<1xf32>
    %squeeze3A_1155 = vector.extract %slice3A_1154[0] : f32 from vector<1xf32>
    %get3A_1156 = arith.constant 112 : index
    %get3A_1157 = tpu.vector_load %arg7[%get3A_1156] {strides = array<i32>} : memref<512xf32, #tpu.memory_space<vmem>>, vector<16xf32>,
    %get3A_1158 = vector.shape_cast %get3A_1157 : vector<16xf32> to vector<16xf32>
    %mul3A_1159 = vector.broadcast %squeeze3A_1155 : f32 to vector<16xf32>
    %mul3A_1160 = arith.mulf %mul3A_1159, %get3A_1158 : vector<16xf32>
    %add3A_1161 = arith.addf %add3A_1153, %mul3A_1160 : vector<16xf32>
    %slice3A_1162 = vector.extract_strided_slice %get3A_12 {offsets = [4], sizes = [1], strides = [1]} : vector<16xf32> to vector<1xf32>
    %squeeze3A_1163 = vector.extract %slice3A_1162[0] : f32 from vector<1xf32>
    %get3A_1164 = arith.constant 144 : index
    %get3A_1165 = tpu.vector_load %arg7[%get3A_1164] {strides = array<i32>} : memref<512xf32, #tpu.memory_space<vmem>>, vector<16xf32>,
    %get3A_1166 = vector.shape_cast %get3A_1165 : vector<16xf32> to vector<16xf32>
    %mul3A_1167 = vector.broadcast %squeeze3A_1163 : f32 to vector<16xf32>
    %mul3A_1168 = arith.mulf %mul3A_1167, %get3A_1166 : vector<16xf32>
    %add3A_1169 = arith.addf %add3A_1161, %mul3A_1168 : vector<16xf32>
    %slice3A_1170 = vector.extract_strided_slice %get3A_12 {offsets = [5], sizes = [1], strides = [1]} : vector<16xf32> to vector<1xf32>
    %squeeze3A_1171 = vector.extract %slice3A_1170[0] : f32 from vector<1xf32>
    %get3A_1172 = arith.constant 176 : index
    %get3A_1173 = tpu.vector_load %arg7[%get3A_1172] {strides = array<i32>} : memref<512xf32, #tpu.memory_space<vmem>>, vector<16xf32>,
    %get3A_1174 = vector.shape_cast %get3A_1173 : vector<16xf32> to vector<16xf32>
    %mul3A_1175 = vector.broadcast %squeeze3A_1171 : f32 to vector<16xf32>
    %mul3A_1176 = arith.mulf %mul3A_1175, %get3A_1174 : vector<16xf32>
    %add3A_1177 = arith.addf %add3A_1169, %mul3A_1176 : vector<16xf32>
    %slice3A_1178 = vector.extract_strided_slice %get3A_12 {offsets = [6], sizes = [1], strides = [1]} : vector<16xf32> to vector<1xf32>
    %squeeze3A_1179 = vector.extract %slice3A_1178[0] : f32 from vector<1xf32>
    %get3A_1180 = arith.constant 208 : index
    %get3A_1181 = tpu.vector_load %arg7[%get3A_1180] {strides = array<i32>} : memref<512xf32, #tpu.memory_space<vmem>>, vector<16xf32>,
    %get3A_1182 = vector.shape_cast %get3A_1181 : vector<16xf32> to vector<16xf32>
    %mul3A_1183 = vector.broadcast %squeeze3A_1179 : f32 to vector<16xf32>
    %mul3A_1184 = arith.mulf %mul3A_1183, %get3A_1182 : vector<16xf32>
    %add3A_1185 = arith.addf %add3A_1177, %mul3A_1184 : vector<16xf32>
    %slice3A_1186 = vector.extract_strided_slice %get3A_12 {offsets = [7], sizes = [1], strides = [1]} : vector<16xf32> to vector<1xf32>
    %squeeze3A_1187 = vector.extract %slice3A_1186[0] : f32 from vector<1xf32>
    %get3A_1188 = arith.constant 240 : index
    %get3A_1189 = tpu.vector_load %arg7[%get3A_1188] {strides = array<i32>} : memref<512xf32, #tpu.memory_space<vmem>>, vector<16xf32>,
    %get3A_1190 = vector.shape_cast %get3A_1189 : vector<16xf32> to vector<16xf32>
    %mul3A_1191 = vector.broadcast %squeeze3A_1187 : f32 to vector<16xf32>
    %mul3A_1192 = arith.mulf %mul3A_1191, %get3A_1190 : vector<16xf32>
    %add3A_1193 = arith.addf %add3A_1185, %mul3A_1192 : vector<16xf32>
    %slice3A_1194 = vector.extract_strided_slice %get3A_12 {offsets = [8], sizes = [1], strides = [1]} : vector<16xf32> to vector<1xf32>
    %squeeze3A_1195 = vector.extract %slice3A_1194[0] : f32 from vector<1xf32>
    %get3A_1196 = arith.constant 272 : index
    %get3A_1197 = tpu.vector_load %arg7[%get3A_1196] {strides = array<i32>} : memref<512xf32, #tpu.memory_space<vmem>>, vector<16xf32>,
    %get3A_1198 = vector.shape_cast %get3A_1197 : vector<16xf32> to vector<16xf32>
    %mul3A_1199 = vector.broadcast %squeeze3A_1195 : f32 to vector<16xf32>
    %mul3A_1200 = arith.mulf %mul3A_1199, %get3A_1198 : vector<16xf32>
    %add3A_1201 = arith.addf %add3A_1193, %mul3A_1200 : vector<16xf32>
    %slice3A_1202 = vector.extract_strided_slice %get3A_12 {offsets = [9], sizes = [1], strides = [1]} : vector<16xf32> to vector<1xf32>
    %squeeze3A_1203 = vector.extract %slice3A_1202[0] : f32 from vector<1xf32>
    %get3A_1204 = arith.constant 304 : index
    %get3A_1205 = tpu.vector_load %arg7[%get3A_1204] {strides = array<i32>} : memref<512xf32, #tpu.memory_space<vmem>>, vector<16xf32>,
    %get3A_1206 = vector.shape_cast %get3A_1205 : vector<16xf32> to vector<16xf32>
    %mul3A_1207 = vector.broadcast %squeeze3A_1203 : f32 to vector<16xf32>
    %mul3A_1208 = arith.mulf %mul3A_1207, %get3A_1206 : vector<16xf32>
    %add3A_1209 = arith.addf %add3A_1201, %mul3A_1208 : vector<16xf32>
    %slice3A_1210 = vector.extract_strided_slice %get3A_12 {offsets = [10], sizes = [1], strides = [1]} : vector<16xf32> to vector<1xf32>
    %squeeze3A_1211 = vector.extract %slice3A_1210[0] : f32 from vector<1xf32>
    %get3A_1212 = arith.constant 336 : index
    %get3A_1213 = tpu.vector_load %arg7[%get3A_1212] {strides = array<i32>} : memref<512xf32, #tpu.memory_space<vmem>>, vector<16xf32>,
    %get3A_1214 = vector.shape_cast %get3A_1213 : vector<16xf32> to vector<16xf32>
    %mul3A_1215 = vector.broadcast %squeeze3A_1211 : f32 to vector<16xf32>
    %mul3A_1216 = arith.mulf %mul3A_1215, %get3A_1214 : vector<16xf32>
    %add3A_1217 = arith.addf %add3A_1209, %mul3A_1216 : vector<16xf32>
    %slice3A_1218 = vector.extract_strided_slice %get3A_12 {offsets = [11], sizes = [1], strides = [1]} : vector<16xf32> to vector<1xf32>
    %squeeze3A_1219 = vector.extract %slice3A_1218[0] : f32 from vector<1xf32>
    %get3A_1220 = arith.constant 368 : index
    %get3A_1221 = tpu.vector_load %arg7[%get3A_1220] {strides = array<i32>} : memref<512xf32, #tpu.memory_space<vmem>>, vector<16xf32>,
    %get3A_1222 = vector.shape_cast %get3A_1221 : vector<16xf32> to vector<16xf32>
    %mul3A_1223 = vector.broadcast %squeeze3A_1219 : f32 to vector<16xf32>
    %mul3A_1224 = arith.mulf %mul3A_1223, %get3A_1222 : vector<16xf32>
    %add3A_1225 = arith.addf %add3A_1217, %mul3A_1224 : vector<16xf32>
    %slice3A_1226 = vector.extract_strided_slice %get3A_12 {offsets = [12], sizes = [1], strides = [1]} : vector<16xf32> to vector<1xf32>
    %squeeze3A_1227 = vector.extract %slice3A_1226[0] : f32 from vector<1xf32>
    %get3A_1228 = arith.constant 400 : index
    %get3A_1229 = tpu.vector_load %arg7[%get3A_1228] {strides = array<i32>} : memref<512xf32, #tpu.memory_space<vmem>>, vector<16xf32>,
    %get3A_1230 = vector.shape_cast %get3A_1229 : vector<16xf32> to vector<16xf32>
    %mul3A_1231 = vector.broadcast %squeeze3A_1227 : f32 to vector<16xf32>
    %mul3A_1232 = arith.mulf %mul3A_1231, %get3A_1230 : vector<16xf32>
    %add3A_1233 = arith.addf %add3A_1225, %mul3A_1232 : vector<16xf32>
    %slice3A_1234 = vector.extract_strided_slice %get3A_12 {offsets = [13], sizes = [1], strides = [1]} : vector<16xf32> to vector<1xf32>
    %squeeze3A_1235 = vector.extract %slice3A_1234[0] : f32 from vector<1xf32>
    %get3A_1236 = arith.constant 432 : index
    %get3A_1237 = tpu.vector_load %arg7[%get3A_1236] {strides = array<i32>} : memref<512xf32, #tpu.memory_space<vmem>>, vector<16xf32>,
    %get3A_1238 = vector.shape_cast %get3A_1237 : vector<16xf32> to vector<16xf32>
    %mul3A_1239 = vector.broadcast %squeeze3A_1235 : f32 to vector<16xf32>
    %mul3A_1240 = arith.mulf %mul3A_1239, %get3A_1238 : vector<16xf32>
    %add3A_1241 = arith.addf %add3A_1233, %mul3A_1240 : vector<16xf32>
    %slice3A_1242 = vector.extract_strided_slice %get3A_12 {offsets = [14], sizes = [1], strides = [1]} : vector<16xf32> to vector<1xf32>
    %squeeze3A_1243 = vector.extract %slice3A_1242[0] : f32 from vector<1xf32>
    %get3A_1244 = arith.constant 464 : index
    %get3A_1245 = tpu.vector_load %arg7[%get3A_1244] {strides = array<i32>} : memref<512xf32, #tpu.memory_space<vmem>>, vector<16xf32>,
    %get3A_1246 = vector.shape_cast %get3A_1245 : vector<16xf32> to vector<16xf32>
    %mul3A_1247 = vector.broadcast %squeeze3A_1243 : f32 to vector<16xf32>
    %mul3A_1248 = arith.mulf %mul3A_1247, %get3A_1246 : vector<16xf32>
    %add3A_1249 = arith.addf %add3A_1241, %mul3A_1248 : vector<16xf32>
    %slice3A_1250 = vector.extract_strided_slice %get3A_12 {offsets = [15], sizes = [1], strides = [1]} : vector<16xf32> to vector<1xf32>
    %squeeze3A_1251 = vector.extract %slice3A_1250[0] : f32 from vector<1xf32>
    %get3A_1252 = arith.constant 496 : index
    %get3A_1253 = tpu.vector_load %arg7[%get3A_1252] {strides = array<i32>} : memref<512xf32, #tpu.memory_space<vmem>>, vector<16xf32>,
    %get3A_1254 = vector.shape_cast %get3A_1253 : vector<16xf32> to vector<16xf32>
    %mul3A_1255 = vector.broadcast %squeeze3A_1251 : f32 to vector<16xf32>
    %mul3A_1256 = arith.mulf %mul3A_1255, %get3A_1254 : vector<16xf32>
    %add3A_1257 = arith.addf %add3A_1249, %mul3A_1256 : vector<16xf32>
    %swap3A_1258 = arith.constant 0 : i32
    %swap3A_1259 = arith.index_cast %swap3A_1258 : i32 to index
    %swap3A_1260 = arith.constant 16 : index
    %swap3A_1261 = tpu.vector_load %arg9[%swap3A_1259, %swap3A_1260] {strides = array<i32>} : memref<8x32xf32, #tpu.memory_space<vmem>>, vector<1x16xf32>,
    %swap3A_1262 = vector.shape_cast %swap3A_1261 : vector<1x16xf32> to vector<16xf32>
    %swap3A_1263 = vector.shape_cast %add3A_1257 : vector<16xf32> to vector<1x16xf32>
    tpu.vector_store %arg9[%swap3A_1259, %swap3A_1260], %swap3A_1263 {strides = array<i32>} : memref<8x32xf32, #tpu.memory_space<vmem>>, vector<1x16xf32>,
    %get3A_1264 = arith.constant 16 : index
    %get3A_1265 = tpu.vector_load %arg8[%get3A_1264] {strides = array<i32>} : memref<32xf32, #tpu.memory_space<vmem>>, vector<16xf32>,
    %get3A_1266 = vector.shape_cast %get3A_1265 : vector<16xf32> to vector<16xf32>
    %slice3A_1267 = vector.extract_strided_slice %get3A_15 {offsets = [0], sizes = [1], strides = [1]} : vector<16xf32> to vector<1xf32>
    %squeeze3A_1268 = vector.extract %slice3A_1267[0] : f32 from vector<1xf32>
    %get3A_1269 = arith.constant 16 : index
    %get3A_1270 = tpu.vector_load %arg7[%get3A_1269] {strides = array<i32>} : memref<512xf32, #tpu.memory_space<vmem>>, vector<16xf32>,
    %get3A_1271 = vector.shape_cast %get3A_1270 : vector<16xf32> to vector<16xf32>
    %mul3A_1272 = vector.broadcast %squeeze3A_1268 : f32 to vector<16xf32>
    %mul3A_1273 = arith.mulf %mul3A_1272, %get3A_1271 : vector<16xf32>
    %add3A_1274 = arith.addf %get3A_1266, %mul3A_1273 : vector<16xf32>
    %slice3A_1275 = vector.extract_strided_slice %get3A_15 {offsets = [1], sizes = [1], strides = [1]} : vector<16xf32> to vector<1xf32>
    %squeeze3A_1276 = vector.extract %slice3A_1275[0] : f32 from vector<1xf32>
    %get3A_1277 = arith.constant 48 : index
    %get3A_1278 = tpu.vector_load %arg7[%get3A_1277] {strides = array<i32>} : memref<512xf32, #tpu.memory_space<vmem>>, vector<16xf32>,
    %get3A_1279 = vector.shape_cast %get3A_1278 : vector<16xf32> to vector<16xf32>
    %mul3A_1280 = vector.broadcast %squeeze3A_1276 : f32 to vector<16xf32>
    %mul3A_1281 = arith.mulf %mul3A_1280, %get3A_1279 : vector<16xf32>
    %add3A_1282 = arith.addf %add3A_1274, %mul3A_1281 : vector<16xf32>
    %slice3A_1283 = vector.extract_strided_slice %get3A_15 {offsets = [2], sizes = [1], strides = [1]} : vector<16xf32> to vector<1xf32>
    %squeeze3A_1284 = vector.extract %slice3A_1283[0] : f32 from vector<1xf32>
    %get3A_1285 = arith.constant 80 : index
    %get3A_1286 = tpu.vector_load %arg7[%get3A_1285] {strides = array<i32>} : memref<512xf32, #tpu.memory_space<vmem>>, vector<16xf32>,
    %get3A_1287 = vector.shape_cast %get3A_1286 : vector<16xf32> to vector<16xf32>
    %mul3A_1288 = vector.broadcast %squeeze3A_1284 : f32 to vector<16xf32>
    %mul3A_1289 = arith.mulf %mul3A_1288, %get3A_1287 : vector<16xf32>
    %add3A_1290 = arith.addf %add3A_1282, %mul3A_1289 : vector<16xf32>
    %slice3A_1291 = vector.extract_strided_slice %get3A_15 {offsets = [3], sizes = [1], strides = [1]} : vector<16xf32> to vector<1xf32>
    %squeeze3A_1292 = vector.extract %slice3A_1291[0] : f32 from vector<1xf32>
    %get3A_1293 = arith.constant 112 : index
    %get3A_1294 = tpu.vector_load %arg7[%get3A_1293] {strides = array<i32>} : memref<512xf32, #tpu.memory_space<vmem>>, vector<16xf32>,
    %get3A_1295 = vector.shape_cast %get3A_1294 : vector<16xf32> to vector<16xf32>
    %mul3A_1296 = vector.broadcast %squeeze3A_1292 : f32 to vector<16xf32>
    %mul3A_1297 = arith.mulf %mul3A_1296, %get3A_1295 : vector<16xf32>
    %add3A_1298 = arith.addf %add3A_1290, %mul3A_1297 : vector<16xf32>
    %slice3A_1299 = vector.extract_strided_slice %get3A_15 {offsets = [4], sizes = [1], strides = [1]} : vector<16xf32> to vector<1xf32>
    %squeeze3A_1300 = vector.extract %slice3A_1299[0] : f32 from vector<1xf32>
    %get3A_1301 = arith.constant 144 : index
    %get3A_1302 = tpu.vector_load %arg7[%get3A_1301] {strides = array<i32>} : memref<512xf32, #tpu.memory_space<vmem>>, vector<16xf32>,
    %get3A_1303 = vector.shape_cast %get3A_1302 : vector<16xf32> to vector<16xf32>
    %mul3A_1304 = vector.broadcast %squeeze3A_1300 : f32 to vector<16xf32>
    %mul3A_1305 = arith.mulf %mul3A_1304, %get3A_1303 : vector<16xf32>
    %add3A_1306 = arith.addf %add3A_1298, %mul3A_1305 : vector<16xf32>
    %slice3A_1307 = vector.extract_strided_slice %get3A_15 {offsets = [5], sizes = [1], strides = [1]} : vector<16xf32> to vector<1xf32>
    %squeeze3A_1308 = vector.extract %slice3A_1307[0] : f32 from vector<1xf32>
    %get3A_1309 = arith.constant 176 : index
    %get3A_1310 = tpu.vector_load %arg7[%get3A_1309] {strides = array<i32>} : memref<512xf32, #tpu.memory_space<vmem>>, vector<16xf32>,
    %get3A_1311 = vector.shape_cast %get3A_1310 : vector<16xf32> to vector<16xf32>
    %mul3A_1312 = vector.broadcast %squeeze3A_1308 : f32 to vector<16xf32>
    %mul3A_1313 = arith.mulf %mul3A_1312, %get3A_1311 : vector<16xf32>
    %add3A_1314 = arith.addf %add3A_1306, %mul3A_1313 : vector<16xf32>
    %slice3A_1315 = vector.extract_strided_slice %get3A_15 {offsets = [6], sizes = [1], strides = [1]} : vector<16xf32> to vector<1xf32>
    %squeeze3A_1316 = vector.extract %slice3A_1315[0] : f32 from vector<1xf32>
    %get3A_1317 = arith.constant 208 : index
    %get3A_1318 = tpu.vector_load %arg7[%get3A_1317] {strides = array<i32>} : memref<512xf32, #tpu.memory_space<vmem>>, vector<16xf32>,
    %get3A_1319 = vector.shape_cast %get3A_1318 : vector<16xf32> to vector<16xf32>
    %mul3A_1320 = vector.broadcast %squeeze3A_1316 : f32 to vector<16xf32>
    %mul3A_1321 = arith.mulf %mul3A_1320, %get3A_1319 : vector<16xf32>
    %add3A_1322 = arith.addf %add3A_1314, %mul3A_1321 : vector<16xf32>
    %slice3A_1323 = vector.extract_strided_slice %get3A_15 {offsets = [7], sizes = [1], strides = [1]} : vector<16xf32> to vector<1xf32>
    %squeeze3A_1324 = vector.extract %slice3A_1323[0] : f32 from vector<1xf32>
    %get3A_1325 = arith.constant 240 : index
    %get3A_1326 = tpu.vector_load %arg7[%get3A_1325] {strides = array<i32>} : memref<512xf32, #tpu.memory_space<vmem>>, vector<16xf32>,
    %get3A_1327 = vector.shape_cast %get3A_1326 : vector<16xf32> to vector<16xf32>
    %mul3A_1328 = vector.broadcast %squeeze3A_1324 : f32 to vector<16xf32>
    %mul3A_1329 = arith.mulf %mul3A_1328, %get3A_1327 : vector<16xf32>
    %add3A_1330 = arith.addf %add3A_1322, %mul3A_1329 : vector<16xf32>
    %slice3A_1331 = vector.extract_strided_slice %get3A_15 {offsets = [8], sizes = [1], strides = [1]} : vector<16xf32> to vector<1xf32>
    %squeeze3A_1332 = vector.extract %slice3A_1331[0] : f32 from vector<1xf32>
    %get3A_1333 = arith.constant 272 : index
    %get3A_1334 = tpu.vector_load %arg7[%get3A_1333] {strides = array<i32>} : memref<512xf32, #tpu.memory_space<vmem>>, vector<16xf32>,
    %get3A_1335 = vector.shape_cast %get3A_1334 : vector<16xf32> to vector<16xf32>
    %mul3A_1336 = vector.broadcast %squeeze3A_1332 : f32 to vector<16xf32>
    %mul3A_1337 = arith.mulf %mul3A_1336, %get3A_1335 : vector<16xf32>
    %add3A_1338 = arith.addf %add3A_1330, %mul3A_1337 : vector<16xf32>
    %slice3A_1339 = vector.extract_strided_slice %get3A_15 {offsets = [9], sizes = [1], strides = [1]} : vector<16xf32> to vector<1xf32>
    %squeeze3A_1340 = vector.extract %slice3A_1339[0] : f32 from vector<1xf32>
    %get3A_1341 = arith.constant 304 : index
    %get3A_1342 = tpu.vector_load %arg7[%get3A_1341] {strides = array<i32>} : memref<512xf32, #tpu.memory_space<vmem>>, vector<16xf32>,
    %get3A_1343 = vector.shape_cast %get3A_1342 : vector<16xf32> to vector<16xf32>
    %mul3A_1344 = vector.broadcast %squeeze3A_1340 : f32 to vector<16xf32>
    %mul3A_1345 = arith.mulf %mul3A_1344, %get3A_1343 : vector<16xf32>
    %add3A_1346 = arith.addf %add3A_1338, %mul3A_1345 : vector<16xf32>
    %slice3A_1347 = vector.extract_strided_slice %get3A_15 {offsets = [10], sizes = [1], strides = [1]} : vector<16xf32> to vector<1xf32>
    %squeeze3A_1348 = vector.extract %slice3A_1347[0] : f32 from vector<1xf32>
    %get3A_1349 = arith.constant 336 : index
    %get3A_1350 = tpu.vector_load %arg7[%get3A_1349] {strides = array<i32>} : memref<512xf32, #tpu.memory_space<vmem>>, vector<16xf32>,
    %get3A_1351 = vector.shape_cast %get3A_1350 : vector<16xf32> to vector<16xf32>
    %mul3A_1352 = vector.broadcast %squeeze3A_1348 : f32 to vector<16xf32>
    %mul3A_1353 = arith.mulf %mul3A_1352, %get3A_1351 : vector<16xf32>
    %add3A_1354 = arith.addf %add3A_1346, %mul3A_1353 : vector<16xf32>
    %slice3A_1355 = vector.extract_strided_slice %get3A_15 {offsets = [11], sizes = [1], strides = [1]} : vector<16xf32> to vector<1xf32>
    %squeeze3A_1356 = vector.extract %slice3A_1355[0] : f32 from vector<1xf32>
    %get3A_1357 = arith.constant 368 : index
    %get3A_1358 = tpu.vector_load %arg7[%get3A_1357] {strides = array<i32>} : memref<512xf32, #tpu.memory_space<vmem>>, vector<16xf32>,
    %get3A_1359 = vector.shape_cast %get3A_1358 : vector<16xf32> to vector<16xf32>
    %mul3A_1360 = vector.broadcast %squeeze3A_1356 : f32 to vector<16xf32>
    %mul3A_1361 = arith.mulf %mul3A_1360, %get3A_1359 : vector<16xf32>
    %add3A_1362 = arith.addf %add3A_1354, %mul3A_1361 : vector<16xf32>
    %slice3A_1363 = vector.extract_strided_slice %get3A_15 {offsets = [12], sizes = [1], strides = [1]} : vector<16xf32> to vector<1xf32>
    %squeeze3A_1364 = vector.extract %slice3A_1363[0] : f32 from vector<1xf32>
    %get3A_1365 = arith.constant 400 : index
    %get3A_1366 = tpu.vector_load %arg7[%get3A_1365] {strides = array<i32>} : memref<512xf32, #tpu.memory_space<vmem>>, vector<16xf32>,
    %get3A_1367 = vector.shape_cast %get3A_1366 : vector<16xf32> to vector<16xf32>
    %mul3A_1368 = vector.broadcast %squeeze3A_1364 : f32 to vector<16xf32>
    %mul3A_1369 = arith.mulf %mul3A_1368, %get3A_1367 : vector<16xf32>
    %add3A_1370 = arith.addf %add3A_1362, %mul3A_1369 : vector<16xf32>
    %slice3A_1371 = vector.extract_strided_slice %get3A_15 {offsets = [13], sizes = [1], strides = [1]} : vector<16xf32> to vector<1xf32>
    %squeeze3A_1372 = vector.extract %slice3A_1371[0] : f32 from vector<1xf32>
    %get3A_1373 = arith.constant 432 : index
    %get3A_1374 = tpu.vector_load %arg7[%get3A_1373] {strides = array<i32>} : memref<512xf32, #tpu.memory_space<vmem>>, vector<16xf32>,
    %get3A_1375 = vector.shape_cast %get3A_1374 : vector<16xf32> to vector<16xf32>
    %mul3A_1376 = vector.broadcast %squeeze3A_1372 : f32 to vector<16xf32>
    %mul3A_1377 = arith.mulf %mul3A_1376, %get3A_1375 : vector<16xf32>
    %add3A_1378 = arith.addf %add3A_1370, %mul3A_1377 : vector<16xf32>
    %slice3A_1379 = vector.extract_strided_slice %get3A_15 {offsets = [14], sizes = [1], strides = [1]} : vector<16xf32> to vector<1xf32>
    %squeeze3A_1380 = vector.extract %slice3A_1379[0] : f32 from vector<1xf32>
    %get3A_1381 = arith.constant 464 : index
    %get3A_1382 = tpu.vector_load %arg7[%get3A_1381] {strides = array<i32>} : memref<512xf32, #tpu.memory_space<vmem>>, vector<16xf32>,
    %get3A_1383 = vector.shape_cast %get3A_1382 : vector<16xf32> to vector<16xf32>
    %mul3A_1384 = vector.broadcast %squeeze3A_1380 : f32 to vector<16xf32>
    %mul3A_1385 = arith.mulf %mul3A_1384, %get3A_1383 : vector<16xf32>
    %add3A_1386 = arith.addf %add3A_1378, %mul3A_1385 : vector<16xf32>
    %slice3A_1387 = vector.extract_strided_slice %get3A_15 {offsets = [15], sizes = [1], strides = [1]} : vector<16xf32> to vector<1xf32>
    %squeeze3A_1388 = vector.extract %slice3A_1387[0] : f32 from vector<1xf32>
    %get3A_1389 = arith.constant 496 : index
    %get3A_1390 = tpu.vector_load %arg7[%get3A_1389] {strides = array<i32>} : memref<512xf32, #tpu.memory_space<vmem>>, vector<16xf32>,
    %get3A_1391 = vector.shape_cast %get3A_1390 : vector<16xf32> to vector<16xf32>
    %mul3A_1392 = vector.broadcast %squeeze3A_1388 : f32 to vector<16xf32>
    %mul3A_1393 = arith.mulf %mul3A_1392, %get3A_1391 : vector<16xf32>
    %add3A_1394 = arith.addf %add3A_1386, %mul3A_1393 : vector<16xf32>
    %swap3A_1395 = arith.constant 1 : i32
    %swap3A_1396 = arith.index_cast %swap3A_1395 : i32 to index
    %swap3A_1397 = arith.constant 16 : index
    %swap3A_1398 = tpu.vector_load %arg9[%swap3A_1396, %swap3A_1397] {strides = array<i32>} : memref<8x32xf32, #tpu.memory_space<vmem>>, vector<1x16xf32>,
    %swap3A_1399 = vector.shape_cast %swap3A_1398 : vector<1x16xf32> to vector<16xf32>
    %swap3A_1400 = vector.shape_cast %add3A_1394 : vector<16xf32> to vector<1x16xf32>
    tpu.vector_store %arg9[%swap3A_1396, %swap3A_1397], %swap3A_1400 {strides = array<i32>} : memref<8x32xf32, #tpu.memory_space<vmem>>, vector<1x16xf32>,
    %get3A_1401 = arith.constant 16 : index
    %get3A_1402 = tpu.vector_load %arg8[%get3A_1401] {strides = array<i32>} : memref<32xf32, #tpu.memory_space<vmem>>, vector<16xf32>,
    %get3A_1403 = vector.shape_cast %get3A_1402 : vector<16xf32> to vector<16xf32>
    %slice3A_1404 = vector.extract_strided_slice %get3A_18 {offsets = [0], sizes = [1], strides = [1]} : vector<16xf32> to vector<1xf32>
    %squeeze3A_1405 = vector.extract %slice3A_1404[0] : f32 from vector<1xf32>
    %get3A_1406 = arith.constant 16 : index
    %get3A_1407 = tpu.vector_load %arg7[%get3A_1406] {strides = array<i32>} : memref<512xf32, #tpu.memory_space<vmem>>, vector<16xf32>,
    %get3A_1408 = vector.shape_cast %get3A_1407 : vector<16xf32> to vector<16xf32>
    %mul3A_1409 = vector.broadcast %squeeze3A_1405 : f32 to vector<16xf32>
    %mul3A_1410 = arith.mulf %mul3A_1409, %get3A_1408 : vector<16xf32>
    %add3A_1411 = arith.addf %get3A_1403, %mul3A_1410 : vector<16xf32>
    %slice3A_1412 = vector.extract_strided_slice %get3A_18 {offsets = [1], sizes = [1], strides = [1]} : vector<16xf32> to vector<1xf32>
    %squeeze3A_1413 = vector.extract %slice3A_1412[0] : f32 from vector<1xf32>
    %get3A_1414 = arith.constant 48 : index
    %get3A_1415 = tpu.vector_load %arg7[%get3A_1414] {strides = array<i32>} : memref<512xf32, #tpu.memory_space<vmem>>, vector<16xf32>,
    %get3A_1416 = vector.shape_cast %get3A_1415 : vector<16xf32> to vector<16xf32>
    %mul3A_1417 = vector.broadcast %squeeze3A_1413 : f32 to vector<16xf32>
    %mul3A_1418 = arith.mulf %mul3A_1417, %get3A_1416 : vector<16xf32>
    %add3A_1419 = arith.addf %add3A_1411, %mul3A_1418 : vector<16xf32>
    %slice3A_1420 = vector.extract_strided_slice %get3A_18 {offsets = [2], sizes = [1], strides = [1]} : vector<16xf32> to vector<1xf32>
    %squeeze3A_1421 = vector.extract %slice3A_1420[0] : f32 from vector<1xf32>
    %get3A_1422 = arith.constant 80 : index
    %get3A_1423 = tpu.vector_load %arg7[%get3A_1422] {strides = array<i32>} : memref<512xf32, #tpu.memory_space<vmem>>, vector<16xf32>,
    %get3A_1424 = vector.shape_cast %get3A_1423 : vector<16xf32> to vector<16xf32>
    %mul3A_1425 = vector.broadcast %squeeze3A_1421 : f32 to vector<16xf32>
    %mul3A_1426 = arith.mulf %mul3A_1425, %get3A_1424 : vector<16xf32>
    %add3A_1427 = arith.addf %add3A_1419, %mul3A_1426 : vector<16xf32>
    %slice3A_1428 = vector.extract_strided_slice %get3A_18 {offsets = [3], sizes = [1], strides = [1]} : vector<16xf32> to vector<1xf32>
    %squeeze3A_1429 = vector.extract %slice3A_1428[0] : f32 from vector<1xf32>
    %get3A_1430 = arith.constant 112 : index
    %get3A_1431 = tpu.vector_load %arg7[%get3A_1430] {strides = array<i32>} : memref<512xf32, #tpu.memory_space<vmem>>, vector<16xf32>,
    %get3A_1432 = vector.shape_cast %get3A_1431 : vector<16xf32> to vector<16xf32>
    %mul3A_1433 = vector.broadcast %squeeze3A_1429 : f32 to vector<16xf32>
    %mul3A_1434 = arith.mulf %mul3A_1433, %get3A_1432 : vector<16xf32>
    %add3A_1435 = arith.addf %add3A_1427, %mul3A_1434 : vector<16xf32>
    %slice3A_1436 = vector.extract_strided_slice %get3A_18 {offsets = [4], sizes = [1], strides = [1]} : vector<16xf32> to vector<1xf32>
    %squeeze3A_1437 = vector.extract %slice3A_1436[0] : f32 from vector<1xf32>
    %get3A_1438 = arith.constant 144 : index
    %get3A_1439 = tpu.vector_load %arg7[%get3A_1438] {strides = array<i32>} : memref<512xf32, #tpu.memory_space<vmem>>, vector<16xf32>,
    %get3A_1440 = vector.shape_cast %get3A_1439 : vector<16xf32> to vector<16xf32>
    %mul3A_1441 = vector.broadcast %squeeze3A_1437 : f32 to vector<16xf32>
    %mul3A_1442 = arith.mulf %mul3A_1441, %get3A_1440 : vector<16xf32>
    %add3A_1443 = arith.addf %add3A_1435, %mul3A_1442 : vector<16xf32>
    %slice3A_1444 = vector.extract_strided_slice %get3A_18 {offsets = [5], sizes = [1], strides = [1]} : vector<16xf32> to vector<1xf32>
    %squeeze3A_1445 = vector.extract %slice3A_1444[0] : f32 from vector<1xf32>
    %get3A_1446 = arith.constant 176 : index
    %get3A_1447 = tpu.vector_load %arg7[%get3A_1446] {strides = array<i32>} : memref<512xf32, #tpu.memory_space<vmem>>, vector<16xf32>,
    %get3A_1448 = vector.shape_cast %get3A_1447 : vector<16xf32> to vector<16xf32>
    %mul3A_1449 = vector.broadcast %squeeze3A_1445 : f32 to vector<16xf32>
    %mul3A_1450 = arith.mulf %mul3A_1449, %get3A_1448 : vector<16xf32>
    %add3A_1451 = arith.addf %add3A_1443, %mul3A_1450 : vector<16xf32>
    %slice3A_1452 = vector.extract_strided_slice %get3A_18 {offsets = [6], sizes = [1], strides = [1]} : vector<16xf32> to vector<1xf32>
    %squeeze3A_1453 = vector.extract %slice3A_1452[0] : f32 from vector<1xf32>
    %get3A_1454 = arith.constant 208 : index
    %get3A_1455 = tpu.vector_load %arg7[%get3A_1454] {strides = array<i32>} : memref<512xf32, #tpu.memory_space<vmem>>, vector<16xf32>,
    %get3A_1456 = vector.shape_cast %get3A_1455 : vector<16xf32> to vector<16xf32>
    %mul3A_1457 = vector.broadcast %squeeze3A_1453 : f32 to vector<16xf32>
    %mul3A_1458 = arith.mulf %mul3A_1457, %get3A_1456 : vector<16xf32>
    %add3A_1459 = arith.addf %add3A_1451, %mul3A_1458 : vector<16xf32>
    %slice3A_1460 = vector.extract_strided_slice %get3A_18 {offsets = [7], sizes = [1], strides = [1]} : vector<16xf32> to vector<1xf32>
    %squeeze3A_1461 = vector.extract %slice3A_1460[0] : f32 from vector<1xf32>
    %get3A_1462 = arith.constant 240 : index
    %get3A_1463 = tpu.vector_load %arg7[%get3A_1462] {strides = array<i32>} : memref<512xf32, #tpu.memory_space<vmem>>, vector<16xf32>,
    %get3A_1464 = vector.shape_cast %get3A_1463 : vector<16xf32> to vector<16xf32>
    %mul3A_1465 = vector.broadcast %squeeze3A_1461 : f32 to vector<16xf32>
    %mul3A_1466 = arith.mulf %mul3A_1465, %get3A_1464 : vector<16xf32>
    %add3A_1467 = arith.addf %add3A_1459, %mul3A_1466 : vector<16xf32>
    %slice3A_1468 = vector.extract_strided_slice %get3A_18 {offsets = [8], sizes = [1], strides = [1]} : vector<16xf32> to vector<1xf32>
    %squeeze3A_1469 = vector.extract %slice3A_1468[0] : f32 from vector<1xf32>
    %get3A_1470 = arith.constant 272 : index
    %get3A_1471 = tpu.vector_load %arg7[%get3A_1470] {strides = array<i32>} : memref<512xf32, #tpu.memory_space<vmem>>, vector<16xf32>,
    %get3A_1472 = vector.shape_cast %get3A_1471 : vector<16xf32> to vector<16xf32>
    %mul3A_1473 = vector.broadcast %squeeze3A_1469 : f32 to vector<16xf32>
    %mul3A_1474 = arith.mulf %mul3A_1473, %get3A_1472 : vector<16xf32>
    %add3A_1475 = arith.addf %add3A_1467, %mul3A_1474 : vector<16xf32>
    %slice3A_1476 = vector.extract_strided_slice %get3A_18 {offsets = [9], sizes = [1], strides = [1]} : vector<16xf32> to vector<1xf32>
    %squeeze3A_1477 = vector.extract %slice3A_1476[0] : f32 from vector<1xf32>
    %get3A_1478 = arith.constant 304 : index
    %get3A_1479 = tpu.vector_load %arg7[%get3A_1478] {strides = array<i32>} : memref<512xf32, #tpu.memory_space<vmem>>, vector<16xf32>,
    %get3A_1480 = vector.shape_cast %get3A_1479 : vector<16xf32> to vector<16xf32>
    %mul3A_1481 = vector.broadcast %squeeze3A_1477 : f32 to vector<16xf32>
    %mul3A_1482 = arith.mulf %mul3A_1481, %get3A_1480 : vector<16xf32>
    %add3A_1483 = arith.addf %add3A_1475, %mul3A_1482 : vector<16xf32>
    %slice3A_1484 = vector.extract_strided_slice %get3A_18 {offsets = [10], sizes = [1], strides = [1]} : vector<16xf32> to vector<1xf32>
    %squeeze3A_1485 = vector.extract %slice3A_1484[0] : f32 from vector<1xf32>
    %get3A_1486 = arith.constant 336 : index
    %get3A_1487 = tpu.vector_load %arg7[%get3A_1486] {strides = array<i32>} : memref<512xf32, #tpu.memory_space<vmem>>, vector<16xf32>,
    %get3A_1488 = vector.shape_cast %get3A_1487 : vector<16xf32> to vector<16xf32>
    %mul3A_1489 = vector.broadcast %squeeze3A_1485 : f32 to vector<16xf32>
    %mul3A_1490 = arith.mulf %mul3A_1489, %get3A_1488 : vector<16xf32>
    %add3A_1491 = arith.addf %add3A_1483, %mul3A_1490 : vector<16xf32>
    %slice3A_1492 = vector.extract_strided_slice %get3A_18 {offsets = [11], sizes = [1], strides = [1]} : vector<16xf32> to vector<1xf32>
    %squeeze3A_1493 = vector.extract %slice3A_1492[0] : f32 from vector<1xf32>
    %get3A_1494 = arith.constant 368 : index
    %get3A_1495 = tpu.vector_load %arg7[%get3A_1494] {strides = array<i32>} : memref<512xf32, #tpu.memory_space<vmem>>, vector<16xf32>,
    %get3A_1496 = vector.shape_cast %get3A_1495 : vector<16xf32> to vector<16xf32>
    %mul3A_1497 = vector.broadcast %squeeze3A_1493 : f32 to vector<16xf32>
    %mul3A_1498 = arith.mulf %mul3A_1497, %get3A_1496 : vector<16xf32>
    %add3A_1499 = arith.addf %add3A_1491, %mul3A_1498 : vector<16xf32>
    %slice3A_1500 = vector.extract_strided_slice %get3A_18 {offsets = [12], sizes = [1], strides = [1]} : vector<16xf32> to vector<1xf32>
    %squeeze3A_1501 = vector.extract %slice3A_1500[0] : f32 from vector<1xf32>
    %get3A_1502 = arith.constant 400 : index
    %get3A_1503 = tpu.vector_load %arg7[%get3A_1502] {strides = array<i32>} : memref<512xf32, #tpu.memory_space<vmem>>, vector<16xf32>,
    %get3A_1504 = vector.shape_cast %get3A_1503 : vector<16xf32> to vector<16xf32>
    %mul3A_1505 = vector.broadcast %squeeze3A_1501 : f32 to vector<16xf32>
    %mul3A_1506 = arith.mulf %mul3A_1505, %get3A_1504 : vector<16xf32>
    %add3A_1507 = arith.addf %add3A_1499, %mul3A_1506 : vector<16xf32>
    %slice3A_1508 = vector.extract_strided_slice %get3A_18 {offsets = [13], sizes = [1], strides = [1]} : vector<16xf32> to vector<1xf32>
    %squeeze3A_1509 = vector.extract %slice3A_1508[0] : f32 from vector<1xf32>
    %get3A_1510 = arith.constant 432 : index
    %get3A_1511 = tpu.vector_load %arg7[%get3A_1510] {strides = array<i32>} : memref<512xf32, #tpu.memory_space<vmem>>, vector<16xf32>,
    %get3A_1512 = vector.shape_cast %get3A_1511 : vector<16xf32> to vector<16xf32>
    %mul3A_1513 = vector.broadcast %squeeze3A_1509 : f32 to vector<16xf32>
    %mul3A_1514 = arith.mulf %mul3A_1513, %get3A_1512 : vector<16xf32>
    %add3A_1515 = arith.addf %add3A_1507, %mul3A_1514 : vector<16xf32>
    %slice3A_1516 = vector.extract_strided_slice %get3A_18 {offsets = [14], sizes = [1], strides = [1]} : vector<16xf32> to vector<1xf32>
    %squeeze3A_1517 = vector.extract %slice3A_1516[0] : f32 from vector<1xf32>
    %get3A_1518 = arith.constant 464 : index
    %get3A_1519 = tpu.vector_load %arg7[%get3A_1518] {strides = array<i32>} : memref<512xf32, #tpu.memory_space<vmem>>, vector<16xf32>,
    %get3A_1520 = vector.shape_cast %get3A_1519 : vector<16xf32> to vector<16xf32>
    %mul3A_1521 = vector.broadcast %squeeze3A_1517 : f32 to vector<16xf32>
    %mul3A_1522 = arith.mulf %mul3A_1521, %get3A_1520 : vector<16xf32>
    %add3A_1523 = arith.addf %add3A_1515, %mul3A_1522 : vector<16xf32>
    %slice3A_1524 = vector.extract_strided_slice %get3A_18 {offsets = [15], sizes = [1], strides = [1]} : vector<16xf32> to vector<1xf32>
    %squeeze3A_1525 = vector.extract %slice3A_1524[0] : f32 from vector<1xf32>
    %get3A_1526 = arith.constant 496 : index
    %get3A_1527 = tpu.vector_load %arg7[%get3A_1526] {strides = array<i32>} : memref<512xf32, #tpu.memory_space<vmem>>, vector<16xf32>,
    %get3A_1528 = vector.shape_cast %get3A_1527 : vector<16xf32> to vector<16xf32>
    %mul3A_1529 = vector.broadcast %squeeze3A_1525 : f32 to vector<16xf32>
    %mul3A_1530 = arith.mulf %mul3A_1529, %get3A_1528 : vector<16xf32>
    %add3A_1531 = arith.addf %add3A_1523, %mul3A_1530 : vector<16xf32>
    %swap3A_1532 = arith.constant 2 : i32
    %swap3A_1533 = arith.index_cast %swap3A_1532 : i32 to index
    %swap3A_1534 = arith.constant 16 : index
    %swap3A_1535 = tpu.vector_load %arg9[%swap3A_1533, %swap3A_1534] {strides = array<i32>} : memref<8x32xf32, #tpu.memory_space<vmem>>, vector<1x16xf32>,
    %swap3A_1536 = vector.shape_cast %swap3A_1535 : vector<1x16xf32> to vector<16xf32>
    %swap3A_1537 = vector.shape_cast %add3A_1531 : vector<16xf32> to vector<1x16xf32>
    tpu.vector_store %arg9[%swap3A_1533, %swap3A_1534], %swap3A_1537 {strides = array<i32>} : memref<8x32xf32, #tpu.memory_space<vmem>>, vector<1x16xf32>,
    %get3A_1538 = arith.constant 16 : index
    %get3A_1539 = tpu.vector_load %arg8[%get3A_1538] {strides = array<i32>} : memref<32xf32, #tpu.memory_space<vmem>>, vector<16xf32>,
    %get3A_1540 = vector.shape_cast %get3A_1539 : vector<16xf32> to vector<16xf32>
    %slice3A_1541 = vector.extract_strided_slice %get3A_21 {offsets = [0], sizes = [1], strides = [1]} : vector<16xf32> to vector<1xf32>
    %squeeze3A_1542 = vector.extract %slice3A_1541[0] : f32 from vector<1xf32>
    %get3A_1543 = arith.constant 16 : index
    %get3A_1544 = tpu.vector_load %arg7[%get3A_1543] {strides = array<i32>} : memref<512xf32, #tpu.memory_space<vmem>>, vector<16xf32>,
    %get3A_1545 = vector.shape_cast %get3A_1544 : vector<16xf32> to vector<16xf32>
    %mul3A_1546 = vector.broadcast %squeeze3A_1542 : f32 to vector<16xf32>
    %mul3A_1547 = arith.mulf %mul3A_1546, %get3A_1545 : vector<16xf32>
    %add3A_1548 = arith.addf %get3A_1540, %mul3A_1547 : vector<16xf32>
    %slice3A_1549 = vector.extract_strided_slice %get3A_21 {offsets = [1], sizes = [1], strides = [1]} : vector<16xf32> to vector<1xf32>
    %squeeze3A_1550 = vector.extract %slice3A_1549[0] : f32 from vector<1xf32>
    %get3A_1551 = arith.constant 48 : index
    %get3A_1552 = tpu.vector_load %arg7[%get3A_1551] {strides = array<i32>} : memref<512xf32, #tpu.memory_space<vmem>>, vector<16xf32>,
    %get3A_1553 = vector.shape_cast %get3A_1552 : vector<16xf32> to vector<16xf32>
    %mul3A_1554 = vector.broadcast %squeeze3A_1550 : f32 to vector<16xf32>
    %mul3A_1555 = arith.mulf %mul3A_1554, %get3A_1553 : vector<16xf32>
    %add3A_1556 = arith.addf %add3A_1548, %mul3A_1555 : vector<16xf32>
    %slice3A_1557 = vector.extract_strided_slice %get3A_21 {offsets = [2], sizes = [1], strides = [1]} : vector<16xf32> to vector<1xf32>
    %squeeze3A_1558 = vector.extract %slice3A_1557[0] : f32 from vector<1xf32>
    %get3A_1559 = arith.constant 80 : index
    %get3A_1560 = tpu.vector_load %arg7[%get3A_1559] {strides = array<i32>} : memref<512xf32, #tpu.memory_space<vmem>>, vector<16xf32>,
    %get3A_1561 = vector.shape_cast %get3A_1560 : vector<16xf32> to vector<16xf32>
    %mul3A_1562 = vector.broadcast %squeeze3A_1558 : f32 to vector<16xf32>
    %mul3A_1563 = arith.mulf %mul3A_1562, %get3A_1561 : vector<16xf32>
    %add3A_1564 = arith.addf %add3A_1556, %mul3A_1563 : vector<16xf32>
    %slice3A_1565 = vector.extract_strided_slice %get3A_21 {offsets = [3], sizes = [1], strides = [1]} : vector<16xf32> to vector<1xf32>
    %squeeze3A_1566 = vector.extract %slice3A_1565[0] : f32 from vector<1xf32>
    %get3A_1567 = arith.constant 112 : index
    %get3A_1568 = tpu.vector_load %arg7[%get3A_1567] {strides = array<i32>} : memref<512xf32, #tpu.memory_space<vmem>>, vector<16xf32>,
    %get3A_1569 = vector.shape_cast %get3A_1568 : vector<16xf32> to vector<16xf32>
    %mul3A_1570 = vector.broadcast %squeeze3A_1566 : f32 to vector<16xf32>
    %mul3A_1571 = arith.mulf %mul3A_1570, %get3A_1569 : vector<16xf32>
    %add3A_1572 = arith.addf %add3A_1564, %mul3A_1571 : vector<16xf32>
    %slice3A_1573 = vector.extract_strided_slice %get3A_21 {offsets = [4], sizes = [1], strides = [1]} : vector<16xf32> to vector<1xf32>
    %squeeze3A_1574 = vector.extract %slice3A_1573[0] : f32 from vector<1xf32>
    %get3A_1575 = arith.constant 144 : index
    %get3A_1576 = tpu.vector_load %arg7[%get3A_1575] {strides = array<i32>} : memref<512xf32, #tpu.memory_space<vmem>>, vector<16xf32>,
    %get3A_1577 = vector.shape_cast %get3A_1576 : vector<16xf32> to vector<16xf32>
    %mul3A_1578 = vector.broadcast %squeeze3A_1574 : f32 to vector<16xf32>
    %mul3A_1579 = arith.mulf %mul3A_1578, %get3A_1577 : vector<16xf32>
    %add3A_1580 = arith.addf %add3A_1572, %mul3A_1579 : vector<16xf32>
    %slice3A_1581 = vector.extract_strided_slice %get3A_21 {offsets = [5], sizes = [1], strides = [1]} : vector<16xf32> to vector<1xf32>
    %squeeze3A_1582 = vector.extract %slice3A_1581[0] : f32 from vector<1xf32>
    %get3A_1583 = arith.constant 176 : index
    %get3A_1584 = tpu.vector_load %arg7[%get3A_1583] {strides = array<i32>} : memref<512xf32, #tpu.memory_space<vmem>>, vector<16xf32>,
    %get3A_1585 = vector.shape_cast %get3A_1584 : vector<16xf32> to vector<16xf32>
    %mul3A_1586 = vector.broadcast %squeeze3A_1582 : f32 to vector<16xf32>
    %mul3A_1587 = arith.mulf %mul3A_1586, %get3A_1585 : vector<16xf32>
    %add3A_1588 = arith.addf %add3A_1580, %mul3A_1587 : vector<16xf32>
    %slice3A_1589 = vector.extract_strided_slice %get3A_21 {offsets = [6], sizes = [1], strides = [1]} : vector<16xf32> to vector<1xf32>
    %squeeze3A_1590 = vector.extract %slice3A_1589[0] : f32 from vector<1xf32>
    %get3A_1591 = arith.constant 208 : index
    %get3A_1592 = tpu.vector_load %arg7[%get3A_1591] {strides = array<i32>} : memref<512xf32, #tpu.memory_space<vmem>>, vector<16xf32>,
    %get3A_1593 = vector.shape_cast %get3A_1592 : vector<16xf32> to vector<16xf32>
    %mul3A_1594 = vector.broadcast %squeeze3A_1590 : f32 to vector<16xf32>
    %mul3A_1595 = arith.mulf %mul3A_1594, %get3A_1593 : vector<16xf32>
    %add3A_1596 = arith.addf %add3A_1588, %mul3A_1595 : vector<16xf32>
    %slice3A_1597 = vector.extract_strided_slice %get3A_21 {offsets = [7], sizes = [1], strides = [1]} : vector<16xf32> to vector<1xf32>
    %squeeze3A_1598 = vector.extract %slice3A_1597[0] : f32 from vector<1xf32>
    %get3A_1599 = arith.constant 240 : index
    %get3A_1600 = tpu.vector_load %arg7[%get3A_1599] {strides = array<i32>} : memref<512xf32, #tpu.memory_space<vmem>>, vector<16xf32>,
    %get3A_1601 = vector.shape_cast %get3A_1600 : vector<16xf32> to vector<16xf32>
    %mul3A_1602 = vector.broadcast %squeeze3A_1598 : f32 to vector<16xf32>
    %mul3A_1603 = arith.mulf %mul3A_1602, %get3A_1601 : vector<16xf32>
    %add3A_1604 = arith.addf %add3A_1596, %mul3A_1603 : vector<16xf32>
    %slice3A_1605 = vector.extract_strided_slice %get3A_21 {offsets = [8], sizes = [1], strides = [1]} : vector<16xf32> to vector<1xf32>
    %squeeze3A_1606 = vector.extract %slice3A_1605[0] : f32 from vector<1xf32>
    %get3A_1607 = arith.constant 272 : index
    %get3A_1608 = tpu.vector_load %arg7[%get3A_1607] {strides = array<i32>} : memref<512xf32, #tpu.memory_space<vmem>>, vector<16xf32>,
    %get3A_1609 = vector.shape_cast %get3A_1608 : vector<16xf32> to vector<16xf32>
    %mul3A_1610 = vector.broadcast %squeeze3A_1606 : f32 to vector<16xf32>
    %mul3A_1611 = arith.mulf %mul3A_1610, %get3A_1609 : vector<16xf32>
    %add3A_1612 = arith.addf %add3A_1604, %mul3A_1611 : vector<16xf32>
    %slice3A_1613 = vector.extract_strided_slice %get3A_21 {offsets = [9], sizes = [1], strides = [1]} : vector<16xf32> to vector<1xf32>
    %squeeze3A_1614 = vector.extract %slice3A_1613[0] : f32 from vector<1xf32>
    %get3A_1615 = arith.constant 304 : index
    %get3A_1616 = tpu.vector_load %arg7[%get3A_1615] {strides = array<i32>} : memref<512xf32, #tpu.memory_space<vmem>>, vector<16xf32>,
    %get3A_1617 = vector.shape_cast %get3A_1616 : vector<16xf32> to vector<16xf32>
    %mul3A_1618 = vector.broadcast %squeeze3A_1614 : f32 to vector<16xf32>
    %mul3A_1619 = arith.mulf %mul3A_1618, %get3A_1617 : vector<16xf32>
    %add3A_1620 = arith.addf %add3A_1612, %mul3A_1619 : vector<16xf32>
    %slice3A_1621 = vector.extract_strided_slice %get3A_21 {offsets = [10], sizes = [1], strides = [1]} : vector<16xf32> to vector<1xf32>
    %squeeze3A_1622 = vector.extract %slice3A_1621[0] : f32 from vector<1xf32>
    %get3A_1623 = arith.constant 336 : index
    %get3A_1624 = tpu.vector_load %arg7[%get3A_1623] {strides = array<i32>} : memref<512xf32, #tpu.memory_space<vmem>>, vector<16xf32>,
    %get3A_1625 = vector.shape_cast %get3A_1624 : vector<16xf32> to vector<16xf32>
    %mul3A_1626 = vector.broadcast %squeeze3A_1622 : f32 to vector<16xf32>
    %mul3A_1627 = arith.mulf %mul3A_1626, %get3A_1625 : vector<16xf32>
    %add3A_1628 = arith.addf %add3A_1620, %mul3A_1627 : vector<16xf32>
    %slice3A_1629 = vector.extract_strided_slice %get3A_21 {offsets = [11], sizes = [1], strides = [1]} : vector<16xf32> to vector<1xf32>
    %squeeze3A_1630 = vector.extract %slice3A_1629[0] : f32 from vector<1xf32>
    %get3A_1631 = arith.constant 368 : index
    %get3A_1632 = tpu.vector_load %arg7[%get3A_1631] {strides = array<i32>} : memref<512xf32, #tpu.memory_space<vmem>>, vector<16xf32>,
    %get3A_1633 = vector.shape_cast %get3A_1632 : vector<16xf32> to vector<16xf32>
    %mul3A_1634 = vector.broadcast %squeeze3A_1630 : f32 to vector<16xf32>
    %mul3A_1635 = arith.mulf %mul3A_1634, %get3A_1633 : vector<16xf32>
    %add3A_1636 = arith.addf %add3A_1628, %mul3A_1635 : vector<16xf32>
    %slice3A_1637 = vector.extract_strided_slice %get3A_21 {offsets = [12], sizes = [1], strides = [1]} : vector<16xf32> to vector<1xf32>
    %squeeze3A_1638 = vector.extract %slice3A_1637[0] : f32 from vector<1xf32>
    %get3A_1639 = arith.constant 400 : index
    %get3A_1640 = tpu.vector_load %arg7[%get3A_1639] {strides = array<i32>} : memref<512xf32, #tpu.memory_space<vmem>>, vector<16xf32>,
    %get3A_1641 = vector.shape_cast %get3A_1640 : vector<16xf32> to vector<16xf32>
    %mul3A_1642 = vector.broadcast %squeeze3A_1638 : f32 to vector<16xf32>
    %mul3A_1643 = arith.mulf %mul3A_1642, %get3A_1641 : vector<16xf32>
    %add3A_1644 = arith.addf %add3A_1636, %mul3A_1643 : vector<16xf32>
    %slice3A_1645 = vector.extract_strided_slice %get3A_21 {offsets = [13], sizes = [1], strides = [1]} : vector<16xf32> to vector<1xf32>
    %squeeze3A_1646 = vector.extract %slice3A_1645[0] : f32 from vector<1xf32>
    %get3A_1647 = arith.constant 432 : index
    %get3A_1648 = tpu.vector_load %arg7[%get3A_1647] {strides = array<i32>} : memref<512xf32, #tpu.memory_space<vmem>>, vector<16xf32>,
    %get3A_1649 = vector.shape_cast %get3A_1648 : vector<16xf32> to vector<16xf32>
    %mul3A_1650 = vector.broadcast %squeeze3A_1646 : f32 to vector<16xf32>
    %mul3A_1651 = arith.mulf %mul3A_1650, %get3A_1649 : vector<16xf32>
    %add3A_1652 = arith.addf %add3A_1644, %mul3A_1651 : vector<16xf32>
    %slice3A_1653 = vector.extract_strided_slice %get3A_21 {offsets = [14], sizes = [1], strides = [1]} : vector<16xf32> to vector<1xf32>
    %squeeze3A_1654 = vector.extract %slice3A_1653[0] : f32 from vector<1xf32>
    %get3A_1655 = arith.constant 464 : index
    %get3A_1656 = tpu.vector_load %arg7[%get3A_1655] {strides = array<i32>} : memref<512xf32, #tpu.memory_space<vmem>>, vector<16xf32>,
    %get3A_1657 = vector.shape_cast %get3A_1656 : vector<16xf32> to vector<16xf32>
    %mul3A_1658 = vector.broadcast %squeeze3A_1654 : f32 to vector<16xf32>
    %mul3A_1659 = arith.mulf %mul3A_1658, %get3A_1657 : vector<16xf32>
    %add3A_1660 = arith.addf %add3A_1652, %mul3A_1659 : vector<16xf32>
    %slice3A_1661 = vector.extract_strided_slice %get3A_21 {offsets = [15], sizes = [1], strides = [1]} : vector<16xf32> to vector<1xf32>
    %squeeze3A_1662 = vector.extract %slice3A_1661[0] : f32 from vector<1xf32>
    %get3A_1663 = arith.constant 496 : index
    %get3A_1664 = tpu.vector_load %arg7[%get3A_1663] {strides = array<i32>} : memref<512xf32, #tpu.memory_space<vmem>>, vector<16xf32>,
    %get3A_1665 = vector.shape_cast %get3A_1664 : vector<16xf32> to vector<16xf32>
    %mul3A_1666 = vector.broadcast %squeeze3A_1662 : f32 to vector<16xf32>
    %mul3A_1667 = arith.mulf %mul3A_1666, %get3A_1665 : vector<16xf32>
    %add3A_1668 = arith.addf %add3A_1660, %mul3A_1667 : vector<16xf32>
    %swap3A_1669 = arith.constant 3 : i32
    %swap3A_1670 = arith.index_cast %swap3A_1669 : i32 to index
    %swap3A_1671 = arith.constant 16 : index
    %swap3A_1672 = tpu.vector_load %arg9[%swap3A_1670, %swap3A_1671] {strides = array<i32>} : memref<8x32xf32, #tpu.memory_space<vmem>>, vector<1x16xf32>,
    %swap3A_1673 = vector.shape_cast %swap3A_1672 : vector<1x16xf32> to vector<16xf32>
    %swap3A_1674 = vector.shape_cast %add3A_1668 : vector<16xf32> to vector<1x16xf32>
    tpu.vector_store %arg9[%swap3A_1670, %swap3A_1671], %swap3A_1674 {strides = array<i32>} : memref<8x32xf32, #tpu.memory_space<vmem>>, vector<1x16xf32>,
    %get3A_1675 = arith.constant 16 : index
    %get3A_1676 = tpu.vector_load %arg8[%get3A_1675] {strides = array<i32>} : memref<32xf32, #tpu.memory_space<vmem>>, vector<16xf32>,
    %get3A_1677 = vector.shape_cast %get3A_1676 : vector<16xf32> to vector<16xf32>
    %slice3A_1678 = vector.extract_strided_slice %get3A_24 {offsets = [0], sizes = [1], strides = [1]} : vector<16xf32> to vector<1xf32>
    %squeeze3A_1679 = vector.extract %slice3A_1678[0] : f32 from vector<1xf32>
    %get3A_1680 = arith.constant 16 : index
    %get3A_1681 = tpu.vector_load %arg7[%get3A_1680] {strides = array<i32>} : memref<512xf32, #tpu.memory_space<vmem>>, vector<16xf32>,
    %get3A_1682 = vector.shape_cast %get3A_1681 : vector<16xf32> to vector<16xf32>
    %mul3A_1683 = vector.broadcast %squeeze3A_1679 : f32 to vector<16xf32>
    %mul3A_1684 = arith.mulf %mul3A_1683, %get3A_1682 : vector<16xf32>
    %add3A_1685 = arith.addf %get3A_1677, %mul3A_1684 : vector<16xf32>
    %slice3A_1686 = vector.extract_strided_slice %get3A_24 {offsets = [1], sizes = [1], strides = [1]} : vector<16xf32> to vector<1xf32>
    %squeeze3A_1687 = vector.extract %slice3A_1686[0] : f32 from vector<1xf32>
    %get3A_1688 = arith.constant 48 : index
    %get3A_1689 = tpu.vector_load %arg7[%get3A_1688] {strides = array<i32>} : memref<512xf32, #tpu.memory_space<vmem>>, vector<16xf32>,
    %get3A_1690 = vector.shape_cast %get3A_1689 : vector<16xf32> to vector<16xf32>
    %mul3A_1691 = vector.broadcast %squeeze3A_1687 : f32 to vector<16xf32>
    %mul3A_1692 = arith.mulf %mul3A_1691, %get3A_1690 : vector<16xf32>
    %add3A_1693 = arith.addf %add3A_1685, %mul3A_1692 : vector<16xf32>
    %slice3A_1694 = vector.extract_strided_slice %get3A_24 {offsets = [2], sizes = [1], strides = [1]} : vector<16xf32> to vector<1xf32>
    %squeeze3A_1695 = vector.extract %slice3A_1694[0] : f32 from vector<1xf32>
    %get3A_1696 = arith.constant 80 : index
    %get3A_1697 = tpu.vector_load %arg7[%get3A_1696] {strides = array<i32>} : memref<512xf32, #tpu.memory_space<vmem>>, vector<16xf32>,
    %get3A_1698 = vector.shape_cast %get3A_1697 : vector<16xf32> to vector<16xf32>
    %mul3A_1699 = vector.broadcast %squeeze3A_1695 : f32 to vector<16xf32>
    %mul3A_1700 = arith.mulf %mul3A_1699, %get3A_1698 : vector<16xf32>
    %add3A_1701 = arith.addf %add3A_1693, %mul3A_1700 : vector<16xf32>
    %slice3A_1702 = vector.extract_strided_slice %get3A_24 {offsets = [3], sizes = [1], strides = [1]} : vector<16xf32> to vector<1xf32>
    %squeeze3A_1703 = vector.extract %slice3A_1702[0] : f32 from vector<1xf32>
    %get3A_1704 = arith.constant 112 : index
    %get3A_1705 = tpu.vector_load %arg7[%get3A_1704] {strides = array<i32>} : memref<512xf32, #tpu.memory_space<vmem>>, vector<16xf32>,
    %get3A_1706 = vector.shape_cast %get3A_1705 : vector<16xf32> to vector<16xf32>
    %mul3A_1707 = vector.broadcast %squeeze3A_1703 : f32 to vector<16xf32>
    %mul3A_1708 = arith.mulf %mul3A_1707, %get3A_1706 : vector<16xf32>
    %add3A_1709 = arith.addf %add3A_1701, %mul3A_1708 : vector<16xf32>
    %slice3A_1710 = vector.extract_strided_slice %get3A_24 {offsets = [4], sizes = [1], strides = [1]} : vector<16xf32> to vector<1xf32>
    %squeeze3A_1711 = vector.extract %slice3A_1710[0] : f32 from vector<1xf32>
    %get3A_1712 = arith.constant 144 : index
    %get3A_1713 = tpu.vector_load %arg7[%get3A_1712] {strides = array<i32>} : memref<512xf32, #tpu.memory_space<vmem>>, vector<16xf32>,
    %get3A_1714 = vector.shape_cast %get3A_1713 : vector<16xf32> to vector<16xf32>
    %mul3A_1715 = vector.broadcast %squeeze3A_1711 : f32 to vector<16xf32>
    %mul3A_1716 = arith.mulf %mul3A_1715, %get3A_1714 : vector<16xf32>
    %add3A_1717 = arith.addf %add3A_1709, %mul3A_1716 : vector<16xf32>
    %slice3A_1718 = vector.extract_strided_slice %get3A_24 {offsets = [5], sizes = [1], strides = [1]} : vector<16xf32> to vector<1xf32>
    %squeeze3A_1719 = vector.extract %slice3A_1718[0] : f32 from vector<1xf32>
    %get3A_1720 = arith.constant 176 : index
    %get3A_1721 = tpu.vector_load %arg7[%get3A_1720] {strides = array<i32>} : memref<512xf32, #tpu.memory_space<vmem>>, vector<16xf32>,
    %get3A_1722 = vector.shape_cast %get3A_1721 : vector<16xf32> to vector<16xf32>
    %mul3A_1723 = vector.broadcast %squeeze3A_1719 : f32 to vector<16xf32>
    %mul3A_1724 = arith.mulf %mul3A_1723, %get3A_1722 : vector<16xf32>
    %add3A_1725 = arith.addf %add3A_1717, %mul3A_1724 : vector<16xf32>
    %slice3A_1726 = vector.extract_strided_slice %get3A_24 {offsets = [6], sizes = [1], strides = [1]} : vector<16xf32> to vector<1xf32>
    %squeeze3A_1727 = vector.extract %slice3A_1726[0] : f32 from vector<1xf32>
    %get3A_1728 = arith.constant 208 : index
    %get3A_1729 = tpu.vector_load %arg7[%get3A_1728] {strides = array<i32>} : memref<512xf32, #tpu.memory_space<vmem>>, vector<16xf32>,
    %get3A_1730 = vector.shape_cast %get3A_1729 : vector<16xf32> to vector<16xf32>
    %mul3A_1731 = vector.broadcast %squeeze3A_1727 : f32 to vector<16xf32>
    %mul3A_1732 = arith.mulf %mul3A_1731, %get3A_1730 : vector<16xf32>
    %add3A_1733 = arith.addf %add3A_1725, %mul3A_1732 : vector<16xf32>
    %slice3A_1734 = vector.extract_strided_slice %get3A_24 {offsets = [7], sizes = [1], strides = [1]} : vector<16xf32> to vector<1xf32>
    %squeeze3A_1735 = vector.extract %slice3A_1734[0] : f32 from vector<1xf32>
    %get3A_1736 = arith.constant 240 : index
    %get3A_1737 = tpu.vector_load %arg7[%get3A_1736] {strides = array<i32>} : memref<512xf32, #tpu.memory_space<vmem>>, vector<16xf32>,
    %get3A_1738 = vector.shape_cast %get3A_1737 : vector<16xf32> to vector<16xf32>
    %mul3A_1739 = vector.broadcast %squeeze3A_1735 : f32 to vector<16xf32>
    %mul3A_1740 = arith.mulf %mul3A_1739, %get3A_1738 : vector<16xf32>
    %add3A_1741 = arith.addf %add3A_1733, %mul3A_1740 : vector<16xf32>
    %slice3A_1742 = vector.extract_strided_slice %get3A_24 {offsets = [8], sizes = [1], strides = [1]} : vector<16xf32> to vector<1xf32>
    %squeeze3A_1743 = vector.extract %slice3A_1742[0] : f32 from vector<1xf32>
    %get3A_1744 = arith.constant 272 : index
    %get3A_1745 = tpu.vector_load %arg7[%get3A_1744] {strides = array<i32>} : memref<512xf32, #tpu.memory_space<vmem>>, vector<16xf32>,
    %get3A_1746 = vector.shape_cast %get3A_1745 : vector<16xf32> to vector<16xf32>
    %mul3A_1747 = vector.broadcast %squeeze3A_1743 : f32 to vector<16xf32>
    %mul3A_1748 = arith.mulf %mul3A_1747, %get3A_1746 : vector<16xf32>
    %add3A_1749 = arith.addf %add3A_1741, %mul3A_1748 : vector<16xf32>
    %slice3A_1750 = vector.extract_strided_slice %get3A_24 {offsets = [9], sizes = [1], strides = [1]} : vector<16xf32> to vector<1xf32>
    %squeeze3A_1751 = vector.extract %slice3A_1750[0] : f32 from vector<1xf32>
    %get3A_1752 = arith.constant 304 : index
    %get3A_1753 = tpu.vector_load %arg7[%get3A_1752] {strides = array<i32>} : memref<512xf32, #tpu.memory_space<vmem>>, vector<16xf32>,
    %get3A_1754 = vector.shape_cast %get3A_1753 : vector<16xf32> to vector<16xf32>
    %mul3A_1755 = vector.broadcast %squeeze3A_1751 : f32 to vector<16xf32>
    %mul3A_1756 = arith.mulf %mul3A_1755, %get3A_1754 : vector<16xf32>
    %add3A_1757 = arith.addf %add3A_1749, %mul3A_1756 : vector<16xf32>
    %slice3A_1758 = vector.extract_strided_slice %get3A_24 {offsets = [10], sizes = [1], strides = [1]} : vector<16xf32> to vector<1xf32>
    %squeeze3A_1759 = vector.extract %slice3A_1758[0] : f32 from vector<1xf32>
    %get3A_1760 = arith.constant 336 : index
    %get3A_1761 = tpu.vector_load %arg7[%get3A_1760] {strides = array<i32>} : memref<512xf32, #tpu.memory_space<vmem>>, vector<16xf32>,
    %get3A_1762 = vector.shape_cast %get3A_1761 : vector<16xf32> to vector<16xf32>
    %mul3A_1763 = vector.broadcast %squeeze3A_1759 : f32 to vector<16xf32>
    %mul3A_1764 = arith.mulf %mul3A_1763, %get3A_1762 : vector<16xf32>
    %add3A_1765 = arith.addf %add3A_1757, %mul3A_1764 : vector<16xf32>
    %slice3A_1766 = vector.extract_strided_slice %get3A_24 {offsets = [11], sizes = [1], strides = [1]} : vector<16xf32> to vector<1xf32>
    %squeeze3A_1767 = vector.extract %slice3A_1766[0] : f32 from vector<1xf32>
    %get3A_1768 = arith.constant 368 : index
    %get3A_1769 = tpu.vector_load %arg7[%get3A_1768] {strides = array<i32>} : memref<512xf32, #tpu.memory_space<vmem>>, vector<16xf32>,
    %get3A_1770 = vector.shape_cast %get3A_1769 : vector<16xf32> to vector<16xf32>
    %mul3A_1771 = vector.broadcast %squeeze3A_1767 : f32 to vector<16xf32>
    %mul3A_1772 = arith.mulf %mul3A_1771, %get3A_1770 : vector<16xf32>
    %add3A_1773 = arith.addf %add3A_1765, %mul3A_1772 : vector<16xf32>
    %slice3A_1774 = vector.extract_strided_slice %get3A_24 {offsets = [12], sizes = [1], strides = [1]} : vector<16xf32> to vector<1xf32>
    %squeeze3A_1775 = vector.extract %slice3A_1774[0] : f32 from vector<1xf32>
    %get3A_1776 = arith.constant 400 : index
    %get3A_1777 = tpu.vector_load %arg7[%get3A_1776] {strides = array<i32>} : memref<512xf32, #tpu.memory_space<vmem>>, vector<16xf32>,
    %get3A_1778 = vector.shape_cast %get3A_1777 : vector<16xf32> to vector<16xf32>
    %mul3A_1779 = vector.broadcast %squeeze3A_1775 : f32 to vector<16xf32>
    %mul3A_1780 = arith.mulf %mul3A_1779, %get3A_1778 : vector<16xf32>
    %add3A_1781 = arith.addf %add3A_1773, %mul3A_1780 : vector<16xf32>
    %slice3A_1782 = vector.extract_strided_slice %get3A_24 {offsets = [13], sizes = [1], strides = [1]} : vector<16xf32> to vector<1xf32>
    %squeeze3A_1783 = vector.extract %slice3A_1782[0] : f32 from vector<1xf32>
    %get3A_1784 = arith.constant 432 : index
    %get3A_1785 = tpu.vector_load %arg7[%get3A_1784] {strides = array<i32>} : memref<512xf32, #tpu.memory_space<vmem>>, vector<16xf32>,
    %get3A_1786 = vector.shape_cast %get3A_1785 : vector<16xf32> to vector<16xf32>
    %mul3A_1787 = vector.broadcast %squeeze3A_1783 : f32 to vector<16xf32>
    %mul3A_1788 = arith.mulf %mul3A_1787, %get3A_1786 : vector<16xf32>
    %add3A_1789 = arith.addf %add3A_1781, %mul3A_1788 : vector<16xf32>
    %slice3A_1790 = vector.extract_strided_slice %get3A_24 {offsets = [14], sizes = [1], strides = [1]} : vector<16xf32> to vector<1xf32>
    %squeeze3A_1791 = vector.extract %slice3A_1790[0] : f32 from vector<1xf32>
    %get3A_1792 = arith.constant 464 : index
    %get3A_1793 = tpu.vector_load %arg7[%get3A_1792] {strides = array<i32>} : memref<512xf32, #tpu.memory_space<vmem>>, vector<16xf32>,
    %get3A_1794 = vector.shape_cast %get3A_1793 : vector<16xf32> to vector<16xf32>
    %mul3A_1795 = vector.broadcast %squeeze3A_1791 : f32 to vector<16xf32>
    %mul3A_1796 = arith.mulf %mul3A_1795, %get3A_1794 : vector<16xf32>
    %add3A_1797 = arith.addf %add3A_1789, %mul3A_1796 : vector<16xf32>
    %slice3A_1798 = vector.extract_strided_slice %get3A_24 {offsets = [15], sizes = [1], strides = [1]} : vector<16xf32> to vector<1xf32>
    %squeeze3A_1799 = vector.extract %slice3A_1798[0] : f32 from vector<1xf32>
    %get3A_1800 = arith.constant 496 : index
    %get3A_1801 = tpu.vector_load %arg7[%get3A_1800] {strides = array<i32>} : memref<512xf32, #tpu.memory_space<vmem>>, vector<16xf32>,
    %get3A_1802 = vector.shape_cast %get3A_1801 : vector<16xf32> to vector<16xf32>
    %mul3A_1803 = vector.broadcast %squeeze3A_1799 : f32 to vector<16xf32>
    %mul3A_1804 = arith.mulf %mul3A_1803, %get3A_1802 : vector<16xf32>
    %add3A_1805 = arith.addf %add3A_1797, %mul3A_1804 : vector<16xf32>
    %swap3A_1806 = arith.constant 4 : i32
    %swap3A_1807 = arith.index_cast %swap3A_1806 : i32 to index
    %swap3A_1808 = arith.constant 16 : index
    %swap3A_1809 = tpu.vector_load %arg9[%swap3A_1807, %swap3A_1808] {strides = array<i32>} : memref<8x32xf32, #tpu.memory_space<vmem>>, vector<1x16xf32>,
    %swap3A_1810 = vector.shape_cast %swap3A_1809 : vector<1x16xf32> to vector<16xf32>
    %swap3A_1811 = vector.shape_cast %add3A_1805 : vector<16xf32> to vector<1x16xf32>
    tpu.vector_store %arg9[%swap3A_1807, %swap3A_1808], %swap3A_1811 {strides = array<i32>} : memref<8x32xf32, #tpu.memory_space<vmem>>, vector<1x16xf32>,
    %get3A_1812 = arith.constant 16 : index
    %get3A_1813 = tpu.vector_load %arg8[%get3A_1812] {strides = array<i32>} : memref<32xf32, #tpu.memory_space<vmem>>, vector<16xf32>,
    %get3A_1814 = vector.shape_cast %get3A_1813 : vector<16xf32> to vector<16xf32>
    %slice3A_1815 = vector.extract_strided_slice %get3A_27 {offsets = [0], sizes = [1], strides = [1]} : vector<16xf32> to vector<1xf32>
    %squeeze3A_1816 = vector.extract %slice3A_1815[0] : f32 from vector<1xf32>
    %get3A_1817 = arith.constant 16 : index
    %get3A_1818 = tpu.vector_load %arg7[%get3A_1817] {strides = array<i32>} : memref<512xf32, #tpu.memory_space<vmem>>, vector<16xf32>,
    %get3A_1819 = vector.shape_cast %get3A_1818 : vector<16xf32> to vector<16xf32>
    %mul3A_1820 = vector.broadcast %squeeze3A_1816 : f32 to vector<16xf32>
    %mul3A_1821 = arith.mulf %mul3A_1820, %get3A_1819 : vector<16xf32>
    %add3A_1822 = arith.addf %get3A_1814, %mul3A_1821 : vector<16xf32>
    %slice3A_1823 = vector.extract_strided_slice %get3A_27 {offsets = [1], sizes = [1], strides = [1]} : vector<16xf32> to vector<1xf32>
    %squeeze3A_1824 = vector.extract %slice3A_1823[0] : f32 from vector<1xf32>
    %get3A_1825 = arith.constant 48 : index
    %get3A_1826 = tpu.vector_load %arg7[%get3A_1825] {strides = array<i32>} : memref<512xf32, #tpu.memory_space<vmem>>, vector<16xf32>,
    %get3A_1827 = vector.shape_cast %get3A_1826 : vector<16xf32> to vector<16xf32>
    %mul3A_1828 = vector.broadcast %squeeze3A_1824 : f32 to vector<16xf32>
    %mul3A_1829 = arith.mulf %mul3A_1828, %get3A_1827 : vector<16xf32>
    %add3A_1830 = arith.addf %add3A_1822, %mul3A_1829 : vector<16xf32>
    %slice3A_1831 = vector.extract_strided_slice %get3A_27 {offsets = [2], sizes = [1], strides = [1]} : vector<16xf32> to vector<1xf32>
    %squeeze3A_1832 = vector.extract %slice3A_1831[0] : f32 from vector<1xf32>
    %get3A_1833 = arith.constant 80 : index
    %get3A_1834 = tpu.vector_load %arg7[%get3A_1833] {strides = array<i32>} : memref<512xf32, #tpu.memory_space<vmem>>, vector<16xf32>,
    %get3A_1835 = vector.shape_cast %get3A_1834 : vector<16xf32> to vector<16xf32>
    %mul3A_1836 = vector.broadcast %squeeze3A_1832 : f32 to vector<16xf32>
    %mul3A_1837 = arith.mulf %mul3A_1836, %get3A_1835 : vector<16xf32>
    %add3A_1838 = arith.addf %add3A_1830, %mul3A_1837 : vector<16xf32>
    %slice3A_1839 = vector.extract_strided_slice %get3A_27 {offsets = [3], sizes = [1], strides = [1]} : vector<16xf32> to vector<1xf32>
    %squeeze3A_1840 = vector.extract %slice3A_1839[0] : f32 from vector<1xf32>
    %get3A_1841 = arith.constant 112 : index
    %get3A_1842 = tpu.vector_load %arg7[%get3A_1841] {strides = array<i32>} : memref<512xf32, #tpu.memory_space<vmem>>, vector<16xf32>,
    %get3A_1843 = vector.shape_cast %get3A_1842 : vector<16xf32> to vector<16xf32>
    %mul3A_1844 = vector.broadcast %squeeze3A_1840 : f32 to vector<16xf32>
    %mul3A_1845 = arith.mulf %mul3A_1844, %get3A_1843 : vector<16xf32>
    %add3A_1846 = arith.addf %add3A_1838, %mul3A_1845 : vector<16xf32>
    %slice3A_1847 = vector.extract_strided_slice %get3A_27 {offsets = [4], sizes = [1], strides = [1]} : vector<16xf32> to vector<1xf32>
    %squeeze3A_1848 = vector.extract %slice3A_1847[0] : f32 from vector<1xf32>
    %get3A_1849 = arith.constant 144 : index
    %get3A_1850 = tpu.vector_load %arg7[%get3A_1849] {strides = array<i32>} : memref<512xf32, #tpu.memory_space<vmem>>, vector<16xf32>,
    %get3A_1851 = vector.shape_cast %get3A_1850 : vector<16xf32> to vector<16xf32>
    %mul3A_1852 = vector.broadcast %squeeze3A_1848 : f32 to vector<16xf32>
    %mul3A_1853 = arith.mulf %mul3A_1852, %get3A_1851 : vector<16xf32>
    %add3A_1854 = arith.addf %add3A_1846, %mul3A_1853 : vector<16xf32>
    %slice3A_1855 = vector.extract_strided_slice %get3A_27 {offsets = [5], sizes = [1], strides = [1]} : vector<16xf32> to vector<1xf32>
    %squeeze3A_1856 = vector.extract %slice3A_1855[0] : f32 from vector<1xf32>
    %get3A_1857 = arith.constant 176 : index
    %get3A_1858 = tpu.vector_load %arg7[%get3A_1857] {strides = array<i32>} : memref<512xf32, #tpu.memory_space<vmem>>, vector<16xf32>,
    %get3A_1859 = vector.shape_cast %get3A_1858 : vector<16xf32> to vector<16xf32>
    %mul3A_1860 = vector.broadcast %squeeze3A_1856 : f32 to vector<16xf32>
    %mul3A_1861 = arith.mulf %mul3A_1860, %get3A_1859 : vector<16xf32>
    %add3A_1862 = arith.addf %add3A_1854, %mul3A_1861 : vector<16xf32>
    %slice3A_1863 = vector.extract_strided_slice %get3A_27 {offsets = [6], sizes = [1], strides = [1]} : vector<16xf32> to vector<1xf32>
    %squeeze3A_1864 = vector.extract %slice3A_1863[0] : f32 from vector<1xf32>
    %get3A_1865 = arith.constant 208 : index
    %get3A_1866 = tpu.vector_load %arg7[%get3A_1865] {strides = array<i32>} : memref<512xf32, #tpu.memory_space<vmem>>, vector<16xf32>,
    %get3A_1867 = vector.shape_cast %get3A_1866 : vector<16xf32> to vector<16xf32>
    %mul3A_1868 = vector.broadcast %squeeze3A_1864 : f32 to vector<16xf32>
    %mul3A_1869 = arith.mulf %mul3A_1868, %get3A_1867 : vector<16xf32>
    %add3A_1870 = arith.addf %add3A_1862, %mul3A_1869 : vector<16xf32>
    %slice3A_1871 = vector.extract_strided_slice %get3A_27 {offsets = [7], sizes = [1], strides = [1]} : vector<16xf32> to vector<1xf32>
    %squeeze3A_1872 = vector.extract %slice3A_1871[0] : f32 from vector<1xf32>
    %get3A_1873 = arith.constant 240 : index
    %get3A_1874 = tpu.vector_load %arg7[%get3A_1873] {strides = array<i32>} : memref<512xf32, #tpu.memory_space<vmem>>, vector<16xf32>,
    %get3A_1875 = vector.shape_cast %get3A_1874 : vector<16xf32> to vector<16xf32>
    %mul3A_1876 = vector.broadcast %squeeze3A_1872 : f32 to vector<16xf32>
    %mul3A_1877 = arith.mulf %mul3A_1876, %get3A_1875 : vector<16xf32>
    %add3A_1878 = arith.addf %add3A_1870, %mul3A_1877 : vector<16xf32>
    %slice3A_1879 = vector.extract_strided_slice %get3A_27 {offsets = [8], sizes = [1], strides = [1]} : vector<16xf32> to vector<1xf32>
    %squeeze3A_1880 = vector.extract %slice3A_1879[0] : f32 from vector<1xf32>
    %get3A_1881 = arith.constant 272 : index
    %get3A_1882 = tpu.vector_load %arg7[%get3A_1881] {strides = array<i32>} : memref<512xf32, #tpu.memory_space<vmem>>, vector<16xf32>,
    %get3A_1883 = vector.shape_cast %get3A_1882 : vector<16xf32> to vector<16xf32>
    %mul3A_1884 = vector.broadcast %squeeze3A_1880 : f32 to vector<16xf32>
    %mul3A_1885 = arith.mulf %mul3A_1884, %get3A_1883 : vector<16xf32>
    %add3A_1886 = arith.addf %add3A_1878, %mul3A_1885 : vector<16xf32>
    %slice3A_1887 = vector.extract_strided_slice %get3A_27 {offsets = [9], sizes = [1], strides = [1]} : vector<16xf32> to vector<1xf32>
    %squeeze3A_1888 = vector.extract %slice3A_1887[0] : f32 from vector<1xf32>
    %get3A_1889 = arith.constant 304 : index
    %get3A_1890 = tpu.vector_load %arg7[%get3A_1889] {strides = array<i32>} : memref<512xf32, #tpu.memory_space<vmem>>, vector<16xf32>,
    %get3A_1891 = vector.shape_cast %get3A_1890 : vector<16xf32> to vector<16xf32>
    %mul3A_1892 = vector.broadcast %squeeze3A_1888 : f32 to vector<16xf32>
    %mul3A_1893 = arith.mulf %mul3A_1892, %get3A_1891 : vector<16xf32>
    %add3A_1894 = arith.addf %add3A_1886, %mul3A_1893 : vector<16xf32>
    %slice3A_1895 = vector.extract_strided_slice %get3A_27 {offsets = [10], sizes = [1], strides = [1]} : vector<16xf32> to vector<1xf32>
    %squeeze3A_1896 = vector.extract %slice3A_1895[0] : f32 from vector<1xf32>
    %get3A_1897 = arith.constant 336 : index
    %get3A_1898 = tpu.vector_load %arg7[%get3A_1897] {strides = array<i32>} : memref<512xf32, #tpu.memory_space<vmem>>, vector<16xf32>,
    %get3A_1899 = vector.shape_cast %get3A_1898 : vector<16xf32> to vector<16xf32>
    %mul3A_1900 = vector.broadcast %squeeze3A_1896 : f32 to vector<16xf32>
    %mul3A_1901 = arith.mulf %mul3A_1900, %get3A_1899 : vector<16xf32>
    %add3A_1902 = arith.addf %add3A_1894, %mul3A_1901 : vector<16xf32>
    %slice3A_1903 = vector.extract_strided_slice %get3A_27 {offsets = [11], sizes = [1], strides = [1]} : vector<16xf32> to vector<1xf32>
    %squeeze3A_1904 = vector.extract %slice3A_1903[0] : f32 from vector<1xf32>
    %get3A_1905 = arith.constant 368 : index
    %get3A_1906 = tpu.vector_load %arg7[%get3A_1905] {strides = array<i32>} : memref<512xf32, #tpu.memory_space<vmem>>, vector<16xf32>,
    %get3A_1907 = vector.shape_cast %get3A_1906 : vector<16xf32> to vector<16xf32>
    %mul3A_1908 = vector.broadcast %squeeze3A_1904 : f32 to vector<16xf32>
    %mul3A_1909 = arith.mulf %mul3A_1908, %get3A_1907 : vector<16xf32>
    %add3A_1910 = arith.addf %add3A_1902, %mul3A_1909 : vector<16xf32>
    %slice3A_1911 = vector.extract_strided_slice %get3A_27 {offsets = [12], sizes = [1], strides = [1]} : vector<16xf32> to vector<1xf32>
    %squeeze3A_1912 = vector.extract %slice3A_1911[0] : f32 from vector<1xf32>
    %get3A_1913 = arith.constant 400 : index
    %get3A_1914 = tpu.vector_load %arg7[%get3A_1913] {strides = array<i32>} : memref<512xf32, #tpu.memory_space<vmem>>, vector<16xf32>,
    %get3A_1915 = vector.shape_cast %get3A_1914 : vector<16xf32> to vector<16xf32>
    %mul3A_1916 = vector.broadcast %squeeze3A_1912 : f32 to vector<16xf32>
    %mul3A_1917 = arith.mulf %mul3A_1916, %get3A_1915 : vector<16xf32>
    %add3A_1918 = arith.addf %add3A_1910, %mul3A_1917 : vector<16xf32>
    %slice3A_1919 = vector.extract_strided_slice %get3A_27 {offsets = [13], sizes = [1], strides = [1]} : vector<16xf32> to vector<1xf32>
    %squeeze3A_1920 = vector.extract %slice3A_1919[0] : f32 from vector<1xf32>
    %get3A_1921 = arith.constant 432 : index
    %get3A_1922 = tpu.vector_load %arg7[%get3A_1921] {strides = array<i32>} : memref<512xf32, #tpu.memory_space<vmem>>, vector<16xf32>,
    %get3A_1923 = vector.shape_cast %get3A_1922 : vector<16xf32> to vector<16xf32>
    %mul3A_1924 = vector.broadcast %squeeze3A_1920 : f32 to vector<16xf32>
    %mul3A_1925 = arith.mulf %mul3A_1924, %get3A_1923 : vector<16xf32>
    %add3A_1926 = arith.addf %add3A_1918, %mul3A_1925 : vector<16xf32>
    %slice3A_1927 = vector.extract_strided_slice %get3A_27 {offsets = [14], sizes = [1], strides = [1]} : vector<16xf32> to vector<1xf32>
    %squeeze3A_1928 = vector.extract %slice3A_1927[0] : f32 from vector<1xf32>
    %get3A_1929 = arith.constant 464 : index
    %get3A_1930 = tpu.vector_load %arg7[%get3A_1929] {strides = array<i32>} : memref<512xf32, #tpu.memory_space<vmem>>, vector<16xf32>,
    %get3A_1931 = vector.shape_cast %get3A_1930 : vector<16xf32> to vector<16xf32>
    %mul3A_1932 = vector.broadcast %squeeze3A_1928 : f32 to vector<16xf32>
    %mul3A_1933 = arith.mulf %mul3A_1932, %get3A_1931 : vector<16xf32>
    %add3A_1934 = arith.addf %add3A_1926, %mul3A_1933 : vector<16xf32>
    %slice3A_1935 = vector.extract_strided_slice %get3A_27 {offsets = [15], sizes = [1], strides = [1]} : vector<16xf32> to vector<1xf32>
    %squeeze3A_1936 = vector.extract %slice3A_1935[0] : f32 from vector<1xf32>
    %get3A_1937 = arith.constant 496 : index
    %get3A_1938 = tpu.vector_load %arg7[%get3A_1937] {strides = array<i32>} : memref<512xf32, #tpu.memory_space<vmem>>, vector<16xf32>,
    %get3A_1939 = vector.shape_cast %get3A_1938 : vector<16xf32> to vector<16xf32>
    %mul3A_1940 = vector.broadcast %squeeze3A_1936 : f32 to vector<16xf32>
    %mul3A_1941 = arith.mulf %mul3A_1940, %get3A_1939 : vector<16xf32>
    %add3A_1942 = arith.addf %add3A_1934, %mul3A_1941 : vector<16xf32>
    %swap3A_1943 = arith.constant 5 : i32
    %swap3A_1944 = arith.index_cast %swap3A_1943 : i32 to index
    %swap3A_1945 = arith.constant 16 : index
    %swap3A_1946 = tpu.vector_load %arg9[%swap3A_1944, %swap3A_1945] {strides = array<i32>} : memref<8x32xf32, #tpu.memory_space<vmem>>, vector<1x16xf32>,
    %swap3A_1947 = vector.shape_cast %swap3A_1946 : vector<1x16xf32> to vector<16xf32>
    %swap3A_1948 = vector.shape_cast %add3A_1942 : vector<16xf32> to vector<1x16xf32>
    tpu.vector_store %arg9[%swap3A_1944, %swap3A_1945], %swap3A_1948 {strides = array<i32>} : memref<8x32xf32, #tpu.memory_space<vmem>>, vector<1x16xf32>,
    %get3A_1949 = arith.constant 16 : index
    %get3A_1950 = tpu.vector_load %arg8[%get3A_1949] {strides = array<i32>} : memref<32xf32, #tpu.memory_space<vmem>>, vector<16xf32>,
    %get3A_1951 = vector.shape_cast %get3A_1950 : vector<16xf32> to vector<16xf32>
    %slice3A_1952 = vector.extract_strided_slice %get3A_30 {offsets = [0], sizes = [1], strides = [1]} : vector<16xf32> to vector<1xf32>
    %squeeze3A_1953 = vector.extract %slice3A_1952[0] : f32 from vector<1xf32>
    %get3A_1954 = arith.constant 16 : index
    %get3A_1955 = tpu.vector_load %arg7[%get3A_1954] {strides = array<i32>} : memref<512xf32, #tpu.memory_space<vmem>>, vector<16xf32>,
    %get3A_1956 = vector.shape_cast %get3A_1955 : vector<16xf32> to vector<16xf32>
    %mul3A_1957 = vector.broadcast %squeeze3A_1953 : f32 to vector<16xf32>
    %mul3A_1958 = arith.mulf %mul3A_1957, %get3A_1956 : vector<16xf32>
    %add3A_1959 = arith.addf %get3A_1951, %mul3A_1958 : vector<16xf32>
    %slice3A_1960 = vector.extract_strided_slice %get3A_30 {offsets = [1], sizes = [1], strides = [1]} : vector<16xf32> to vector<1xf32>
    %squeeze3A_1961 = vector.extract %slice3A_1960[0] : f32 from vector<1xf32>
    %get3A_1962 = arith.constant 48 : index
    %get3A_1963 = tpu.vector_load %arg7[%get3A_1962] {strides = array<i32>} : memref<512xf32, #tpu.memory_space<vmem>>, vector<16xf32>,
    %get3A_1964 = vector.shape_cast %get3A_1963 : vector<16xf32> to vector<16xf32>
    %mul3A_1965 = vector.broadcast %squeeze3A_1961 : f32 to vector<16xf32>
    %mul3A_1966 = arith.mulf %mul3A_1965, %get3A_1964 : vector<16xf32>
    %add3A_1967 = arith.addf %add3A_1959, %mul3A_1966 : vector<16xf32>
    %slice3A_1968 = vector.extract_strided_slice %get3A_30 {offsets = [2], sizes = [1], strides = [1]} : vector<16xf32> to vector<1xf32>
    %squeeze3A_1969 = vector.extract %slice3A_1968[0] : f32 from vector<1xf32>
    %get3A_1970 = arith.constant 80 : index
    %get3A_1971 = tpu.vector_load %arg7[%get3A_1970] {strides = array<i32>} : memref<512xf32, #tpu.memory_space<vmem>>, vector<16xf32>,
    %get3A_1972 = vector.shape_cast %get3A_1971 : vector<16xf32> to vector<16xf32>
    %mul3A_1973 = vector.broadcast %squeeze3A_1969 : f32 to vector<16xf32>
    %mul3A_1974 = arith.mulf %mul3A_1973, %get3A_1972 : vector<16xf32>
    %add3A_1975 = arith.addf %add3A_1967, %mul3A_1974 : vector<16xf32>
    %slice3A_1976 = vector.extract_strided_slice %get3A_30 {offsets = [3], sizes = [1], strides = [1]} : vector<16xf32> to vector<1xf32>
    %squeeze3A_1977 = vector.extract %slice3A_1976[0] : f32 from vector<1xf32>
    %get3A_1978 = arith.constant 112 : index
    %get3A_1979 = tpu.vector_load %arg7[%get3A_1978] {strides = array<i32>} : memref<512xf32, #tpu.memory_space<vmem>>, vector<16xf32>,
    %get3A_1980 = vector.shape_cast %get3A_1979 : vector<16xf32> to vector<16xf32>
    %mul3A_1981 = vector.broadcast %squeeze3A_1977 : f32 to vector<16xf32>
    %mul3A_1982 = arith.mulf %mul3A_1981, %get3A_1980 : vector<16xf32>
    %add3A_1983 = arith.addf %add3A_1975, %mul3A_1982 : vector<16xf32>
    %slice3A_1984 = vector.extract_strided_slice %get3A_30 {offsets = [4], sizes = [1], strides = [1]} : vector<16xf32> to vector<1xf32>
    %squeeze3A_1985 = vector.extract %slice3A_1984[0] : f32 from vector<1xf32>
    %get3A_1986 = arith.constant 144 : index
    %get3A_1987 = tpu.vector_load %arg7[%get3A_1986] {strides = array<i32>} : memref<512xf32, #tpu.memory_space<vmem>>, vector<16xf32>,
    %get3A_1988 = vector.shape_cast %get3A_1987 : vector<16xf32> to vector<16xf32>
    %mul3A_1989 = vector.broadcast %squeeze3A_1985 : f32 to vector<16xf32>
    %mul3A_1990 = arith.mulf %mul3A_1989, %get3A_1988 : vector<16xf32>
    %add3A_1991 = arith.addf %add3A_1983, %mul3A_1990 : vector<16xf32>
    %slice3A_1992 = vector.extract_strided_slice %get3A_30 {offsets = [5], sizes = [1], strides = [1]} : vector<16xf32> to vector<1xf32>
    %squeeze3A_1993 = vector.extract %slice3A_1992[0] : f32 from vector<1xf32>
    %get3A_1994 = arith.constant 176 : index
    %get3A_1995 = tpu.vector_load %arg7[%get3A_1994] {strides = array<i32>} : memref<512xf32, #tpu.memory_space<vmem>>, vector<16xf32>,
    %get3A_1996 = vector.shape_cast %get3A_1995 : vector<16xf32> to vector<16xf32>
    %mul3A_1997 = vector.broadcast %squeeze3A_1993 : f32 to vector<16xf32>
    %mul3A_1998 = arith.mulf %mul3A_1997, %get3A_1996 : vector<16xf32>
    %add3A_1999 = arith.addf %add3A_1991, %mul3A_1998 : vector<16xf32>
    %slice3A_2000 = vector.extract_strided_slice %get3A_30 {offsets = [6], sizes = [1], strides = [1]} : vector<16xf32> to vector<1xf32>
    %squeeze3A_2001 = vector.extract %slice3A_2000[0] : f32 from vector<1xf32>
    %get3A_2002 = arith.constant 208 : index
    %get3A_2003 = tpu.vector_load %arg7[%get3A_2002] {strides = array<i32>} : memref<512xf32, #tpu.memory_space<vmem>>, vector<16xf32>,
    %get3A_2004 = vector.shape_cast %get3A_2003 : vector<16xf32> to vector<16xf32>
    %mul3A_2005 = vector.broadcast %squeeze3A_2001 : f32 to vector<16xf32>
    %mul3A_2006 = arith.mulf %mul3A_2005, %get3A_2004 : vector<16xf32>
    %add3A_2007 = arith.addf %add3A_1999, %mul3A_2006 : vector<16xf32>
    %slice3A_2008 = vector.extract_strided_slice %get3A_30 {offsets = [7], sizes = [1], strides = [1]} : vector<16xf32> to vector<1xf32>
    %squeeze3A_2009 = vector.extract %slice3A_2008[0] : f32 from vector<1xf32>
    %get3A_2010 = arith.constant 240 : index
    %get3A_2011 = tpu.vector_load %arg7[%get3A_2010] {strides = array<i32>} : memref<512xf32, #tpu.memory_space<vmem>>, vector<16xf32>,
    %get3A_2012 = vector.shape_cast %get3A_2011 : vector<16xf32> to vector<16xf32>
    %mul3A_2013 = vector.broadcast %squeeze3A_2009 : f32 to vector<16xf32>
    %mul3A_2014 = arith.mulf %mul3A_2013, %get3A_2012 : vector<16xf32>
    %add3A_2015 = arith.addf %add3A_2007, %mul3A_2014 : vector<16xf32>
    %slice3A_2016 = vector.extract_strided_slice %get3A_30 {offsets = [8], sizes = [1], strides = [1]} : vector<16xf32> to vector<1xf32>
    %squeeze3A_2017 = vector.extract %slice3A_2016[0] : f32 from vector<1xf32>
    %get3A_2018 = arith.constant 272 : index
    %get3A_2019 = tpu.vector_load %arg7[%get3A_2018] {strides = array<i32>} : memref<512xf32, #tpu.memory_space<vmem>>, vector<16xf32>,
    %get3A_2020 = vector.shape_cast %get3A_2019 : vector<16xf32> to vector<16xf32>
    %mul3A_2021 = vector.broadcast %squeeze3A_2017 : f32 to vector<16xf32>
    %mul3A_2022 = arith.mulf %mul3A_2021, %get3A_2020 : vector<16xf32>
    %add3A_2023 = arith.addf %add3A_2015, %mul3A_2022 : vector<16xf32>
    %slice3A_2024 = vector.extract_strided_slice %get3A_30 {offsets = [9], sizes = [1], strides = [1]} : vector<16xf32> to vector<1xf32>
    %squeeze3A_2025 = vector.extract %slice3A_2024[0] : f32 from vector<1xf32>
    %get3A_2026 = arith.constant 304 : index
    %get3A_2027 = tpu.vector_load %arg7[%get3A_2026] {strides = array<i32>} : memref<512xf32, #tpu.memory_space<vmem>>, vector<16xf32>,
    %get3A_2028 = vector.shape_cast %get3A_2027 : vector<16xf32> to vector<16xf32>
    %mul3A_2029 = vector.broadcast %squeeze3A_2025 : f32 to vector<16xf32>
    %mul3A_2030 = arith.mulf %mul3A_2029, %get3A_2028 : vector<16xf32>
    %add3A_2031 = arith.addf %add3A_2023, %mul3A_2030 : vector<16xf32>
    %slice3A_2032 = vector.extract_strided_slice %get3A_30 {offsets = [10], sizes = [1], strides = [1]} : vector<16xf32> to vector<1xf32>
    %squeeze3A_2033 = vector.extract %slice3A_2032[0] : f32 from vector<1xf32>
    %get3A_2034 = arith.constant 336 : index
    %get3A_2035 = tpu.vector_load %arg7[%get3A_2034] {strides = array<i32>} : memref<512xf32, #tpu.memory_space<vmem>>, vector<16xf32>,
    %get3A_2036 = vector.shape_cast %get3A_2035 : vector<16xf32> to vector<16xf32>
    %mul3A_2037 = vector.broadcast %squeeze3A_2033 : f32 to vector<16xf32>
    %mul3A_2038 = arith.mulf %mul3A_2037, %get3A_2036 : vector<16xf32>
    %add3A_2039 = arith.addf %add3A_2031, %mul3A_2038 : vector<16xf32>
    %slice3A_2040 = vector.extract_strided_slice %get3A_30 {offsets = [11], sizes = [1], strides = [1]} : vector<16xf32> to vector<1xf32>
    %squeeze3A_2041 = vector.extract %slice3A_2040[0] : f32 from vector<1xf32>
    %get3A_2042 = arith.constant 368 : index
    %get3A_2043 = tpu.vector_load %arg7[%get3A_2042] {strides = array<i32>} : memref<512xf32, #tpu.memory_space<vmem>>, vector<16xf32>,
    %get3A_2044 = vector.shape_cast %get3A_2043 : vector<16xf32> to vector<16xf32>
    %mul3A_2045 = vector.broadcast %squeeze3A_2041 : f32 to vector<16xf32>
    %mul3A_2046 = arith.mulf %mul3A_2045, %get3A_2044 : vector<16xf32>
    %add3A_2047 = arith.addf %add3A_2039, %mul3A_2046 : vector<16xf32>
    %slice3A_2048 = vector.extract_strided_slice %get3A_30 {offsets = [12], sizes = [1], strides = [1]} : vector<16xf32> to vector<1xf32>
    %squeeze3A_2049 = vector.extract %slice3A_2048[0] : f32 from vector<1xf32>
    %get3A_2050 = arith.constant 400 : index
    %get3A_2051 = tpu.vector_load %arg7[%get3A_2050] {strides = array<i32>} : memref<512xf32, #tpu.memory_space<vmem>>, vector<16xf32>,
    %get3A_2052 = vector.shape_cast %get3A_2051 : vector<16xf32> to vector<16xf32>
    %mul3A_2053 = vector.broadcast %squeeze3A_2049 : f32 to vector<16xf32>
    %mul3A_2054 = arith.mulf %mul3A_2053, %get3A_2052 : vector<16xf32>
    %add3A_2055 = arith.addf %add3A_2047, %mul3A_2054 : vector<16xf32>
    %slice3A_2056 = vector.extract_strided_slice %get3A_30 {offsets = [13], sizes = [1], strides = [1]} : vector<16xf32> to vector<1xf32>
    %squeeze3A_2057 = vector.extract %slice3A_2056[0] : f32 from vector<1xf32>
    %get3A_2058 = arith.constant 432 : index
    %get3A_2059 = tpu.vector_load %arg7[%get3A_2058] {strides = array<i32>} : memref<512xf32, #tpu.memory_space<vmem>>, vector<16xf32>,
    %get3A_2060 = vector.shape_cast %get3A_2059 : vector<16xf32> to vector<16xf32>
    %mul3A_2061 = vector.broadcast %squeeze3A_2057 : f32 to vector<16xf32>
    %mul3A_2062 = arith.mulf %mul3A_2061, %get3A_2060 : vector<16xf32>
    %add3A_2063 = arith.addf %add3A_2055, %mul3A_2062 : vector<16xf32>
    %slice3A_2064 = vector.extract_strided_slice %get3A_30 {offsets = [14], sizes = [1], strides = [1]} : vector<16xf32> to vector<1xf32>
    %squeeze3A_2065 = vector.extract %slice3A_2064[0] : f32 from vector<1xf32>
    %get3A_2066 = arith.constant 464 : index
    %get3A_2067 = tpu.vector_load %arg7[%get3A_2066] {strides = array<i32>} : memref<512xf32, #tpu.memory_space<vmem>>, vector<16xf32>,
    %get3A_2068 = vector.shape_cast %get3A_2067 : vector<16xf32> to vector<16xf32>
    %mul3A_2069 = vector.broadcast %squeeze3A_2065 : f32 to vector<16xf32>
    %mul3A_2070 = arith.mulf %mul3A_2069, %get3A_2068 : vector<16xf32>
    %add3A_2071 = arith.addf %add3A_2063, %mul3A_2070 : vector<16xf32>
    %slice3A_2072 = vector.extract_strided_slice %get3A_30 {offsets = [15], sizes = [1], strides = [1]} : vector<16xf32> to vector<1xf32>
    %squeeze3A_2073 = vector.extract %slice3A_2072[0] : f32 from vector<1xf32>
    %get3A_2074 = arith.constant 496 : index
    %get3A_2075 = tpu.vector_load %arg7[%get3A_2074] {strides = array<i32>} : memref<512xf32, #tpu.memory_space<vmem>>, vector<16xf32>,
    %get3A_2076 = vector.shape_cast %get3A_2075 : vector<16xf32> to vector<16xf32>
    %mul3A_2077 = vector.broadcast %squeeze3A_2073 : f32 to vector<16xf32>
    %mul3A_2078 = arith.mulf %mul3A_2077, %get3A_2076 : vector<16xf32>
    %add3A_2079 = arith.addf %add3A_2071, %mul3A_2078 : vector<16xf32>
    %swap3A_2080 = arith.constant 6 : i32
    %swap3A_2081 = arith.index_cast %swap3A_2080 : i32 to index
    %swap3A_2082 = arith.constant 16 : index
    %swap3A_2083 = tpu.vector_load %arg9[%swap3A_2081, %swap3A_2082] {strides = array<i32>} : memref<8x32xf32, #tpu.memory_space<vmem>>, vector<1x16xf32>,
    %swap3A_2084 = vector.shape_cast %swap3A_2083 : vector<1x16xf32> to vector<16xf32>
    %swap3A_2085 = vector.shape_cast %add3A_2079 : vector<16xf32> to vector<1x16xf32>
    tpu.vector_store %arg9[%swap3A_2081, %swap3A_2082], %swap3A_2085 {strides = array<i32>} : memref<8x32xf32, #tpu.memory_space<vmem>>, vector<1x16xf32>,
    %get3A_2086 = arith.constant 16 : index
    %get3A_2087 = tpu.vector_load %arg8[%get3A_2086] {strides = array<i32>} : memref<32xf32, #tpu.memory_space<vmem>>, vector<16xf32>,
    %get3A_2088 = vector.shape_cast %get3A_2087 : vector<16xf32> to vector<16xf32>
    %slice3A_2089 = vector.extract_strided_slice %get3A_33 {offsets = [0], sizes = [1], strides = [1]} : vector<16xf32> to vector<1xf32>
    %squeeze3A_2090 = vector.extract %slice3A_2089[0] : f32 from vector<1xf32>
    %get3A_2091 = arith.constant 16 : index
    %get3A_2092 = tpu.vector_load %arg7[%get3A_2091] {strides = array<i32>} : memref<512xf32, #tpu.memory_space<vmem>>, vector<16xf32>,
    %get3A_2093 = vector.shape_cast %get3A_2092 : vector<16xf32> to vector<16xf32>
    %mul3A_2094 = vector.broadcast %squeeze3A_2090 : f32 to vector<16xf32>
    %mul3A_2095 = arith.mulf %mul3A_2094, %get3A_2093 : vector<16xf32>
    %add3A_2096 = arith.addf %get3A_2088, %mul3A_2095 : vector<16xf32>
    %slice3A_2097 = vector.extract_strided_slice %get3A_33 {offsets = [1], sizes = [1], strides = [1]} : vector<16xf32> to vector<1xf32>
    %squeeze3A_2098 = vector.extract %slice3A_2097[0] : f32 from vector<1xf32>
    %get3A_2099 = arith.constant 48 : index
    %get3A_2100 = tpu.vector_load %arg7[%get3A_2099] {strides = array<i32>} : memref<512xf32, #tpu.memory_space<vmem>>, vector<16xf32>,
    %get3A_2101 = vector.shape_cast %get3A_2100 : vector<16xf32> to vector<16xf32>
    %mul3A_2102 = vector.broadcast %squeeze3A_2098 : f32 to vector<16xf32>
    %mul3A_2103 = arith.mulf %mul3A_2102, %get3A_2101 : vector<16xf32>
    %add3A_2104 = arith.addf %add3A_2096, %mul3A_2103 : vector<16xf32>
    %slice3A_2105 = vector.extract_strided_slice %get3A_33 {offsets = [2], sizes = [1], strides = [1]} : vector<16xf32> to vector<1xf32>
    %squeeze3A_2106 = vector.extract %slice3A_2105[0] : f32 from vector<1xf32>
    %get3A_2107 = arith.constant 80 : index
    %get3A_2108 = tpu.vector_load %arg7[%get3A_2107] {strides = array<i32>} : memref<512xf32, #tpu.memory_space<vmem>>, vector<16xf32>,
    %get3A_2109 = vector.shape_cast %get3A_2108 : vector<16xf32> to vector<16xf32>
    %mul3A_2110 = vector.broadcast %squeeze3A_2106 : f32 to vector<16xf32>
    %mul3A_2111 = arith.mulf %mul3A_2110, %get3A_2109 : vector<16xf32>
    %add3A_2112 = arith.addf %add3A_2104, %mul3A_2111 : vector<16xf32>
    %slice3A_2113 = vector.extract_strided_slice %get3A_33 {offsets = [3], sizes = [1], strides = [1]} : vector<16xf32> to vector<1xf32>
    %squeeze3A_2114 = vector.extract %slice3A_2113[0] : f32 from vector<1xf32>
    %get3A_2115 = arith.constant 112 : index
    %get3A_2116 = tpu.vector_load %arg7[%get3A_2115] {strides = array<i32>} : memref<512xf32, #tpu.memory_space<vmem>>, vector<16xf32>,
    %get3A_2117 = vector.shape_cast %get3A_2116 : vector<16xf32> to vector<16xf32>
    %mul3A_2118 = vector.broadcast %squeeze3A_2114 : f32 to vector<16xf32>
    %mul3A_2119 = arith.mulf %mul3A_2118, %get3A_2117 : vector<16xf32>
    %add3A_2120 = arith.addf %add3A_2112, %mul3A_2119 : vector<16xf32>
    %slice3A_2121 = vector.extract_strided_slice %get3A_33 {offsets = [4], sizes = [1], strides = [1]} : vector<16xf32> to vector<1xf32>
    %squeeze3A_2122 = vector.extract %slice3A_2121[0] : f32 from vector<1xf32>
    %get3A_2123 = arith.constant 144 : index
    %get3A_2124 = tpu.vector_load %arg7[%get3A_2123] {strides = array<i32>} : memref<512xf32, #tpu.memory_space<vmem>>, vector<16xf32>,
    %get3A_2125 = vector.shape_cast %get3A_2124 : vector<16xf32> to vector<16xf32>
    %mul3A_2126 = vector.broadcast %squeeze3A_2122 : f32 to vector<16xf32>
    %mul3A_2127 = arith.mulf %mul3A_2126, %get3A_2125 : vector<16xf32>
    %add3A_2128 = arith.addf %add3A_2120, %mul3A_2127 : vector<16xf32>
    %slice3A_2129 = vector.extract_strided_slice %get3A_33 {offsets = [5], sizes = [1], strides = [1]} : vector<16xf32> to vector<1xf32>
    %squeeze3A_2130 = vector.extract %slice3A_2129[0] : f32 from vector<1xf32>
    %get3A_2131 = arith.constant 176 : index
    %get3A_2132 = tpu.vector_load %arg7[%get3A_2131] {strides = array<i32>} : memref<512xf32, #tpu.memory_space<vmem>>, vector<16xf32>,
    %get3A_2133 = vector.shape_cast %get3A_2132 : vector<16xf32> to vector<16xf32>
    %mul3A_2134 = vector.broadcast %squeeze3A_2130 : f32 to vector<16xf32>
    %mul3A_2135 = arith.mulf %mul3A_2134, %get3A_2133 : vector<16xf32>
    %add3A_2136 = arith.addf %add3A_2128, %mul3A_2135 : vector<16xf32>
    %slice3A_2137 = vector.extract_strided_slice %get3A_33 {offsets = [6], sizes = [1], strides = [1]} : vector<16xf32> to vector<1xf32>
    %squeeze3A_2138 = vector.extract %slice3A_2137[0] : f32 from vector<1xf32>
    %get3A_2139 = arith.constant 208 : index
    %get3A_2140 = tpu.vector_load %arg7[%get3A_2139] {strides = array<i32>} : memref<512xf32, #tpu.memory_space<vmem>>, vector<16xf32>,
    %get3A_2141 = vector.shape_cast %get3A_2140 : vector<16xf32> to vector<16xf32>
    %mul3A_2142 = vector.broadcast %squeeze3A_2138 : f32 to vector<16xf32>
    %mul3A_2143 = arith.mulf %mul3A_2142, %get3A_2141 : vector<16xf32>
    %add3A_2144 = arith.addf %add3A_2136, %mul3A_2143 : vector<16xf32>
    %slice3A_2145 = vector.extract_strided_slice %get3A_33 {offsets = [7], sizes = [1], strides = [1]} : vector<16xf32> to vector<1xf32>
    %squeeze3A_2146 = vector.extract %slice3A_2145[0] : f32 from vector<1xf32>
    %get3A_2147 = arith.constant 240 : index
    %get3A_2148 = tpu.vector_load %arg7[%get3A_2147] {strides = array<i32>} : memref<512xf32, #tpu.memory_space<vmem>>, vector<16xf32>,
    %get3A_2149 = vector.shape_cast %get3A_2148 : vector<16xf32> to vector<16xf32>
    %mul3A_2150 = vector.broadcast %squeeze3A_2146 : f32 to vector<16xf32>
    %mul3A_2151 = arith.mulf %mul3A_2150, %get3A_2149 : vector<16xf32>
    %add3A_2152 = arith.addf %add3A_2144, %mul3A_2151 : vector<16xf32>
    %slice3A_2153 = vector.extract_strided_slice %get3A_33 {offsets = [8], sizes = [1], strides = [1]} : vector<16xf32> to vector<1xf32>
    %squeeze3A_2154 = vector.extract %slice3A_2153[0] : f32 from vector<1xf32>
    %get3A_2155 = arith.constant 272 : index
    %get3A_2156 = tpu.vector_load %arg7[%get3A_2155] {strides = array<i32>} : memref<512xf32, #tpu.memory_space<vmem>>, vector<16xf32>,
    %get3A_2157 = vector.shape_cast %get3A_2156 : vector<16xf32> to vector<16xf32>
    %mul3A_2158 = vector.broadcast %squeeze3A_2154 : f32 to vector<16xf32>
    %mul3A_2159 = arith.mulf %mul3A_2158, %get3A_2157 : vector<16xf32>
    %add3A_2160 = arith.addf %add3A_2152, %mul3A_2159 : vector<16xf32>
    %slice3A_2161 = vector.extract_strided_slice %get3A_33 {offsets = [9], sizes = [1], strides = [1]} : vector<16xf32> to vector<1xf32>
    %squeeze3A_2162 = vector.extract %slice3A_2161[0] : f32 from vector<1xf32>
    %get3A_2163 = arith.constant 304 : index
    %get3A_2164 = tpu.vector_load %arg7[%get3A_2163] {strides = array<i32>} : memref<512xf32, #tpu.memory_space<vmem>>, vector<16xf32>,
    %get3A_2165 = vector.shape_cast %get3A_2164 : vector<16xf32> to vector<16xf32>
    %mul3A_2166 = vector.broadcast %squeeze3A_2162 : f32 to vector<16xf32>
    %mul3A_2167 = arith.mulf %mul3A_2166, %get3A_2165 : vector<16xf32>
    %add3A_2168 = arith.addf %add3A_2160, %mul3A_2167 : vector<16xf32>
    %slice3A_2169 = vector.extract_strided_slice %get3A_33 {offsets = [10], sizes = [1], strides = [1]} : vector<16xf32> to vector<1xf32>
    %squeeze3A_2170 = vector.extract %slice3A_2169[0] : f32 from vector<1xf32>
    %get3A_2171 = arith.constant 336 : index
    %get3A_2172 = tpu.vector_load %arg7[%get3A_2171] {strides = array<i32>} : memref<512xf32, #tpu.memory_space<vmem>>, vector<16xf32>,
    %get3A_2173 = vector.shape_cast %get3A_2172 : vector<16xf32> to vector<16xf32>
    %mul3A_2174 = vector.broadcast %squeeze3A_2170 : f32 to vector<16xf32>
    %mul3A_2175 = arith.mulf %mul3A_2174, %get3A_2173 : vector<16xf32>
    %add3A_2176 = arith.addf %add3A_2168, %mul3A_2175 : vector<16xf32>
    %slice3A_2177 = vector.extract_strided_slice %get3A_33 {offsets = [11], sizes = [1], strides = [1]} : vector<16xf32> to vector<1xf32>
    %squeeze3A_2178 = vector.extract %slice3A_2177[0] : f32 from vector<1xf32>
    %get3A_2179 = arith.constant 368 : index
    %get3A_2180 = tpu.vector_load %arg7[%get3A_2179] {strides = array<i32>} : memref<512xf32, #tpu.memory_space<vmem>>, vector<16xf32>,
    %get3A_2181 = vector.shape_cast %get3A_2180 : vector<16xf32> to vector<16xf32>
    %mul3A_2182 = vector.broadcast %squeeze3A_2178 : f32 to vector<16xf32>
    %mul3A_2183 = arith.mulf %mul3A_2182, %get3A_2181 : vector<16xf32>
    %add3A_2184 = arith.addf %add3A_2176, %mul3A_2183 : vector<16xf32>
    %slice3A_2185 = vector.extract_strided_slice %get3A_33 {offsets = [12], sizes = [1], strides = [1]} : vector<16xf32> to vector<1xf32>
    %squeeze3A_2186 = vector.extract %slice3A_2185[0] : f32 from vector<1xf32>
    %get3A_2187 = arith.constant 400 : index
    %get3A_2188 = tpu.vector_load %arg7[%get3A_2187] {strides = array<i32>} : memref<512xf32, #tpu.memory_space<vmem>>, vector<16xf32>,
    %get3A_2189 = vector.shape_cast %get3A_2188 : vector<16xf32> to vector<16xf32>
    %mul3A_2190 = vector.broadcast %squeeze3A_2186 : f32 to vector<16xf32>
    %mul3A_2191 = arith.mulf %mul3A_2190, %get3A_2189 : vector<16xf32>
    %add3A_2192 = arith.addf %add3A_2184, %mul3A_2191 : vector<16xf32>
    %slice3A_2193 = vector.extract_strided_slice %get3A_33 {offsets = [13], sizes = [1], strides = [1]} : vector<16xf32> to vector<1xf32>
    %squeeze3A_2194 = vector.extract %slice3A_2193[0] : f32 from vector<1xf32>
    %get3A_2195 = arith.constant 432 : index
    %get3A_2196 = tpu.vector_load %arg7[%get3A_2195] {strides = array<i32>} : memref<512xf32, #tpu.memory_space<vmem>>, vector<16xf32>,
    %get3A_2197 = vector.shape_cast %get3A_2196 : vector<16xf32> to vector<16xf32>
    %mul3A_2198 = vector.broadcast %squeeze3A_2194 : f32 to vector<16xf32>
    %mul3A_2199 = arith.mulf %mul3A_2198, %get3A_2197 : vector<16xf32>
    %add3A_2200 = arith.addf %add3A_2192, %mul3A_2199 : vector<16xf32>
    %slice3A_2201 = vector.extract_strided_slice %get3A_33 {offsets = [14], sizes = [1], strides = [1]} : vector<16xf32> to vector<1xf32>
    %squeeze3A_2202 = vector.extract %slice3A_2201[0] : f32 from vector<1xf32>
    %get3A_2203 = arith.constant 464 : index
    %get3A_2204 = tpu.vector_load %arg7[%get3A_2203] {strides = array<i32>} : memref<512xf32, #tpu.memory_space<vmem>>, vector<16xf32>,
    %get3A_2205 = vector.shape_cast %get3A_2204 : vector<16xf32> to vector<16xf32>
    %mul3A_2206 = vector.broadcast %squeeze3A_2202 : f32 to vector<16xf32>
    %mul3A_2207 = arith.mulf %mul3A_2206, %get3A_2205 : vector<16xf32>
    %add3A_2208 = arith.addf %add3A_2200, %mul3A_2207 : vector<16xf32>
    %slice3A_2209 = vector.extract_strided_slice %get3A_33 {offsets = [15], sizes = [1], strides = [1]} : vector<16xf32> to vector<1xf32>
    %squeeze3A_2210 = vector.extract %slice3A_2209[0] : f32 from vector<1xf32>
    %get3A_2211 = arith.constant 496 : index
    %get3A_2212 = tpu.vector_load %arg7[%get3A_2211] {strides = array<i32>} : memref<512xf32, #tpu.memory_space<vmem>>, vector<16xf32>,
    %get3A_2213 = vector.shape_cast %get3A_2212 : vector<16xf32> to vector<16xf32>
    %mul3A_2214 = vector.broadcast %squeeze3A_2210 : f32 to vector<16xf32>
    %mul3A_2215 = arith.mulf %mul3A_2214, %get3A_2213 : vector<16xf32>
    %add3A_2216 = arith.addf %add3A_2208, %mul3A_2215 : vector<16xf32>
    %swap3A_2217 = arith.constant 7 : i32
    %swap3A_2218 = arith.index_cast %swap3A_2217 : i32 to index
    %swap3A_2219 = arith.constant 16 : index
    %swap3A_2220 = tpu.vector_load %arg9[%swap3A_2218, %swap3A_2219] {strides = array<i32>} : memref<8x32xf32, #tpu.memory_space<vmem>>, vector<1x16xf32>,
    %swap3A_2221 = vector.shape_cast %swap3A_2220 : vector<1x16xf32> to vector<16xf32>
    %swap3A_2222 = vector.shape_cast %add3A_2216 : vector<16xf32> to vector<1x16xf32>
    tpu.vector_store %arg9[%swap3A_2218, %swap3A_2219], %swap3A_2222 {strides = array<i32>} : memref<8x32xf32, #tpu.memory_space<vmem>>, vector<1x16xf32>,
    %add3A_2223 = arith.constant 0 : i32
    %add3A_2224 = arith.addi %add3A_2223, %mul3A_2 : i32
    %dma_start3A_2225 = arith.constant 0 : i32
    %dma_start3A_2226 = arith.constant 0 : i32
    %dma_start3A_2227 = tpu.memref_slice %arg9[%dma_start3A_2225, %dma_start3A_2226] : memref<8x32xf32, #tpu.memory_space<vmem>> -> memref<1x32xf32, #tpu.memory_space<vmem>>
    %dma_start3A_2228 = tpu.memref_squeeze %dma_start3A_2227 : memref<1x32xf32, #tpu.memory_space<vmem>> -> memref<32xf32, #tpu.memory_space<vmem>>
    %dma_start3A_2229 = tpu.memref_slice %arg5[%add3A_2224] : memref<8192xf32, #tpu.memory_space<hbm>> -> memref<32xf32, #tpu.memory_space<hbm>>
    %dma_start3A_2230 = tpu.memref_slice %arg5[%add3A_2224] : memref<8192xf32, #tpu.memory_space<hbm>> -> memref<32xf32, #tpu.memory_space<hbm>>
    %dma_start3A_2231 = arith.constant 0 : i32
    %dma_start3A_2232 = tpu.memref_slice %arg9[%dma_start3A_2225, %dma_start3A_2231] : memref<8x32xf32, #tpu.memory_space<vmem>> -> memref<1x32xf32, #tpu.memory_space<vmem>>
    %dma_start3A_2233 = tpu.memref_squeeze %dma_start3A_2232 : memref<1x32xf32, #tpu.memory_space<vmem>> -> memref<32xf32, #tpu.memory_space<vmem>>
    tpu.enqueue_dma source(%dma_start3A_2233 : memref<32xf32, #tpu.memory_space<vmem>>) target(%dma_start3A_2230 : memref<32xf32, #tpu.memory_space<hbm>>) target_semaphore(%arg10 : memref<!tpu.dma_semaphore, #tpu.memory_space<semaphore_mem>>)
    %add3A_2234 = arith.constant 1024 : i32
    %add3A_2235 = arith.addi %add3A_2234, %mul3A_2 : i32
    %dma_start3A_2236 = arith.constant 1 : i32
    %dma_start3A_2237 = arith.constant 0 : i32
    %dma_start3A_2238 = tpu.memref_slice %arg9[%dma_start3A_2236, %dma_start3A_2237] : memref<8x32xf32, #tpu.memory_space<vmem>> -> memref<1x32xf32, #tpu.memory_space<vmem>>
    %dma_start3A_2239 = tpu.memref_squeeze %dma_start3A_2238 : memref<1x32xf32, #tpu.memory_space<vmem>> -> memref<32xf32, #tpu.memory_space<vmem>>
    %dma_start3A_2240 = tpu.memref_slice %arg5[%add3A_2235] : memref<8192xf32, #tpu.memory_space<hbm>> -> memref<32xf32, #tpu.memory_space<hbm>>
    %dma_start3A_2241 = tpu.memref_slice %arg5[%add3A_2235] : memref<8192xf32, #tpu.memory_space<hbm>> -> memref<32xf32, #tpu.memory_space<hbm>>
    %dma_start3A_2242 = arith.constant 0 : i32
    %dma_start3A_2243 = tpu.memref_slice %arg9[%dma_start3A_2236, %dma_start3A_2242] : memref<8x32xf32, #tpu.memory_space<vmem>> -> memref<1x32xf32, #tpu.memory_space<vmem>>
    %dma_start3A_2244 = tpu.memref_squeeze %dma_start3A_2243 : memref<1x32xf32, #tpu.memory_space<vmem>> -> memref<32xf32, #tpu.memory_space<vmem>>
    tpu.enqueue_dma source(%dma_start3A_2244 : memref<32xf32, #tpu.memory_space<vmem>>) target(%dma_start3A_2241 : memref<32xf32, #tpu.memory_space<hbm>>) target_semaphore(%arg10 : memref<!tpu.dma_semaphore, #tpu.memory_space<semaphore_mem>>)
    %add3A_2245 = arith.constant 2048 : i32
    %add3A_2246 = arith.addi %add3A_2245, %mul3A_2 : i32
    %dma_start3A_2247 = arith.constant 2 : i32
    %dma_start3A_2248 = arith.constant 0 : i32
    %dma_start3A_2249 = tpu.memref_slice %arg9[%dma_start3A_2247, %dma_start3A_2248] : memref<8x32xf32, #tpu.memory_space<vmem>> -> memref<1x32xf32, #tpu.memory_space<vmem>>
    %dma_start3A_2250 = tpu.memref_squeeze %dma_start3A_2249 : memref<1x32xf32, #tpu.memory_space<vmem>> -> memref<32xf32, #tpu.memory_space<vmem>>
    %dma_start3A_2251 = tpu.memref_slice %arg5[%add3A_2246] : memref<8192xf32, #tpu.memory_space<hbm>> -> memref<32xf32, #tpu.memory_space<hbm>>
    %dma_start3A_2252 = tpu.memref_slice %arg5[%add3A_2246] : memref<8192xf32, #tpu.memory_space<hbm>> -> memref<32xf32, #tpu.memory_space<hbm>>
    %dma_start3A_2253 = arith.constant 0 : i32
    %dma_start3A_2254 = tpu.memref_slice %arg9[%dma_start3A_2247, %dma_start3A_2253] : memref<8x32xf32, #tpu.memory_space<vmem>> -> memref<1x32xf32, #tpu.memory_space<vmem>>
    %dma_start3A_2255 = tpu.memref_squeeze %dma_start3A_2254 : memref<1x32xf32, #tpu.memory_space<vmem>> -> memref<32xf32, #tpu.memory_space<vmem>>
    tpu.enqueue_dma source(%dma_start3A_2255 : memref<32xf32, #tpu.memory_space<vmem>>) target(%dma_start3A_2252 : memref<32xf32, #tpu.memory_space<hbm>>) target_semaphore(%arg10 : memref<!tpu.dma_semaphore, #tpu.memory_space<semaphore_mem>>)
    %add3A_2256 = arith.constant 3072 : i32
    %add3A_2257 = arith.addi %add3A_2256, %mul3A_2 : i32
    %dma_start3A_2258 = arith.constant 3 : i32
    %dma_start3A_2259 = arith.constant 0 : i32
    %dma_start3A_2260 = tpu.memref_slice %arg9[%dma_start3A_2258, %dma_start3A_2259] : memref<8x32xf32, #tpu.memory_space<vmem>> -> memref<1x32xf32, #tpu.memory_space<vmem>>
    %dma_start3A_2261 = tpu.memref_squeeze %dma_start3A_2260 : memref<1x32xf32, #tpu.memory_space<vmem>> -> memref<32xf32, #tpu.memory_space<vmem>>
    %dma_start3A_2262 = tpu.memref_slice %arg5[%add3A_2257] : memref<8192xf32, #tpu.memory_space<hbm>> -> memref<32xf32, #tpu.memory_space<hbm>>
    %dma_start3A_2263 = tpu.memref_slice %arg5[%add3A_2257] : memref<8192xf32, #tpu.memory_space<hbm>> -> memref<32xf32, #tpu.memory_space<hbm>>
    %dma_start3A_2264 = arith.constant 0 : i32
    %dma_start3A_2265 = tpu.memref_slice %arg9[%dma_start3A_2258, %dma_start3A_2264] : memref<8x32xf32, #tpu.memory_space<vmem>> -> memref<1x32xf32, #tpu.memory_space<vmem>>
    %dma_start3A_2266 = tpu.memref_squeeze %dma_start3A_2265 : memref<1x32xf32, #tpu.memory_space<vmem>> -> memref<32xf32, #tpu.memory_space<vmem>>
    tpu.enqueue_dma source(%dma_start3A_2266 : memref<32xf32, #tpu.memory_space<vmem>>) target(%dma_start3A_2263 : memref<32xf32, #tpu.memory_space<hbm>>) target_semaphore(%arg10 : memref<!tpu.dma_semaphore, #tpu.memory_space<semaphore_mem>>)
    %add3A_2267 = arith.constant 4096 : i32
    %add3A_2268 = arith.addi %add3A_2267, %mul3A_2 : i32
    %dma_start3A_2269 = arith.constant 4 : i32
    %dma_start3A_2270 = arith.constant 0 : i32
    %dma_start3A_2271 = tpu.memref_slice %arg9[%dma_start3A_2269, %dma_start3A_2270] : memref<8x32xf32, #tpu.memory_space<vmem>> -> memref<1x32xf32, #tpu.memory_space<vmem>>
    %dma_start3A_2272 = tpu.memref_squeeze %dma_start3A_2271 : memref<1x32xf32, #tpu.memory_space<vmem>> -> memref<32xf32, #tpu.memory_space<vmem>>
    %dma_start3A_2273 = tpu.memref_slice %arg5[%add3A_2268] : memref<8192xf32, #tpu.memory_space<hbm>> -> memref<32xf32, #tpu.memory_space<hbm>>
    %dma_start3A_2274 = tpu.memref_slice %arg5[%add3A_2268] : memref<8192xf32, #tpu.memory_space<hbm>> -> memref<32xf32, #tpu.memory_space<hbm>>
    %dma_start3A_2275 = arith.constant 0 : i32
    %dma_start3A_2276 = tpu.memref_slice %arg9[%dma_start3A_2269, %dma_start3A_2275] : memref<8x32xf32, #tpu.memory_space<vmem>> -> memref<1x32xf32, #tpu.memory_space<vmem>>
    %dma_start3A_2277 = tpu.memref_squeeze %dma_start3A_2276 : memref<1x32xf32, #tpu.memory_space<vmem>> -> memref<32xf32, #tpu.memory_space<vmem>>
    tpu.enqueue_dma source(%dma_start3A_2277 : memref<32xf32, #tpu.memory_space<vmem>>) target(%dma_start3A_2274 : memref<32xf32, #tpu.memory_space<hbm>>) target_semaphore(%arg10 : memref<!tpu.dma_semaphore, #tpu.memory_space<semaphore_mem>>)
    %add3A_2278 = arith.constant 5120 : i32
    %add3A_2279 = arith.addi %add3A_2278, %mul3A_2 : i32
    %dma_start3A_2280 = arith.constant 5 : i32
    %dma_start3A_2281 = arith.constant 0 : i32
    %dma_start3A_2282 = tpu.memref_slice %arg9[%dma_start3A_2280, %dma_start3A_2281] : memref<8x32xf32, #tpu.memory_space<vmem>> -> memref<1x32xf32, #tpu.memory_space<vmem>>
    %dma_start3A_2283 = tpu.memref_squeeze %dma_start3A_2282 : memref<1x32xf32, #tpu.memory_space<vmem>> -> memref<32xf32, #tpu.memory_space<vmem>>
    %dma_start3A_2284 = tpu.memref_slice %arg5[%add3A_2279] : memref<8192xf32, #tpu.memory_space<hbm>> -> memref<32xf32, #tpu.memory_space<hbm>>
    %dma_start3A_2285 = tpu.memref_slice %arg5[%add3A_2279] : memref<8192xf32, #tpu.memory_space<hbm>> -> memref<32xf32, #tpu.memory_space<hbm>>
    %dma_start3A_2286 = arith.constant 0 : i32
    %dma_start3A_2287 = tpu.memref_slice %arg9[%dma_start3A_2280, %dma_start3A_2286] : memref<8x32xf32, #tpu.memory_space<vmem>> -> memref<1x32xf32, #tpu.memory_space<vmem>>
    %dma_start3A_2288 = tpu.memref_squeeze %dma_start3A_2287 : memref<1x32xf32, #tpu.memory_space<vmem>> -> memref<32xf32, #tpu.memory_space<vmem>>
    tpu.enqueue_dma source(%dma_start3A_2288 : memref<32xf32, #tpu.memory_space<vmem>>) target(%dma_start3A_2285 : memref<32xf32, #tpu.memory_space<hbm>>) target_semaphore(%arg10 : memref<!tpu.dma_semaphore, #tpu.memory_space<semaphore_mem>>)
    %add3A_2289 = arith.constant 6144 : i32
    %add3A_2290 = arith.addi %add3A_2289, %mul3A_2 : i32
    %dma_start3A_2291 = arith.constant 6 : i32
    %dma_start3A_2292 = arith.constant 0 : i32
    %dma_start3A_2293 = tpu.memref_slice %arg9[%dma_start3A_2291, %dma_start3A_2292] : memref<8x32xf32, #tpu.memory_space<vmem>> -> memref<1x32xf32, #tpu.memory_space<vmem>>
    %dma_start3A_2294 = tpu.memref_squeeze %dma_start3A_2293 : memref<1x32xf32, #tpu.memory_space<vmem>> -> memref<32xf32, #tpu.memory_space<vmem>>
    %dma_start3A_2295 = tpu.memref_slice %arg5[%add3A_2290] : memref<8192xf32, #tpu.memory_space<hbm>> -> memref<32xf32, #tpu.memory_space<hbm>>
    %dma_start3A_2296 = tpu.memref_slice %arg5[%add3A_2290] : memref<8192xf32, #tpu.memory_space<hbm>> -> memref<32xf32, #tpu.memory_space<hbm>>
    %dma_start3A_2297 = arith.constant 0 : i32
    %dma_start3A_2298 = tpu.memref_slice %arg9[%dma_start3A_2291, %dma_start3A_2297] : memref<8x32xf32, #tpu.memory_space<vmem>> -> memref<1x32xf32, #tpu.memory_space<vmem>>
    %dma_start3A_2299 = tpu.memref_squeeze %dma_start3A_2298 : memref<1x32xf32, #tpu.memory_space<vmem>> -> memref<32xf32, #tpu.memory_space<vmem>>
    tpu.enqueue_dma source(%dma_start3A_2299 : memref<32xf32, #tpu.memory_space<vmem>>) target(%dma_start3A_2296 : memref<32xf32, #tpu.memory_space<hbm>>) target_semaphore(%arg10 : memref<!tpu.dma_semaphore, #tpu.memory_space<semaphore_mem>>)
    %add3A_2300 = arith.constant 7168 : i32
    %add3A_2301 = arith.addi %add3A_2300, %mul3A_2 : i32
    %dma_start3A_2302 = arith.constant 7 : i32
    %dma_start3A_2303 = arith.constant 0 : i32
    %dma_start3A_2304 = tpu.memref_slice %arg9[%dma_start3A_2302, %dma_start3A_2303] : memref<8x32xf32, #tpu.memory_space<vmem>> -> memref<1x32xf32, #tpu.memory_space<vmem>>
    %dma_start3A_2305 = tpu.memref_squeeze %dma_start3A_2304 : memref<1x32xf32, #tpu.memory_space<vmem>> -> memref<32xf32, #tpu.memory_space<vmem>>
    %dma_start3A_2306 = tpu.memref_slice %arg5[%add3A_2301] : memref<8192xf32, #tpu.memory_space<hbm>> -> memref<32xf32, #tpu.memory_space<hbm>>
    %dma_start3A_2307 = tpu.memref_slice %arg5[%add3A_2301] : memref<8192xf32, #tpu.memory_space<hbm>> -> memref<32xf32, #tpu.memory_space<hbm>>
    %dma_start3A_2308 = arith.constant 0 : i32
    %dma_start3A_2309 = tpu.memref_slice %arg9[%dma_start3A_2302, %dma_start3A_2308] : memref<8x32xf32, #tpu.memory_space<vmem>> -> memref<1x32xf32, #tpu.memory_space<vmem>>
    %dma_start3A_2310 = tpu.memref_squeeze %dma_start3A_2309 : memref<1x32xf32, #tpu.memory_space<vmem>> -> memref<32xf32, #tpu.memory_space<vmem>>
    tpu.enqueue_dma source(%dma_start3A_2310 : memref<32xf32, #tpu.memory_space<vmem>>) target(%dma_start3A_2307 : memref<32xf32, #tpu.memory_space<hbm>>) target_semaphore(%arg10 : memref<!tpu.dma_semaphore, #tpu.memory_space<semaphore_mem>>)
    %dma_wait3A_2311 = arith.constant 0 : i32
    %dma_wait3A_2312 = arith.constant 0 : i32
    %dma_wait3A_2313 = tpu.memref_slice %arg9[%dma_wait3A_2311, %dma_wait3A_2312] : memref<8x32xf32, #tpu.memory_space<vmem>> -> memref<1x32xf32, #tpu.memory_space<vmem>>
    %dma_wait3A_2314 = tpu.memref_squeeze %dma_wait3A_2313 : memref<1x32xf32, #tpu.memory_space<vmem>> -> memref<32xf32, #tpu.memory_space<vmem>>
    %dma_wait3A_2315 = tpu.memref_slice %arg5[%add3A_2224] : memref<8192xf32, #tpu.memory_space<hbm>> -> memref<32xf32, #tpu.memory_space<hbm>>
    %dma_wait3A_2316 = tpu.memref_slice %arg5[%add3A_2224] : memref<8192xf32, #tpu.memory_space<hbm>> -> memref<32xf32, #tpu.memory_space<hbm>>
    %dma_wait3A_2317 = arith.constant 0 : i32
    %dma_wait3A_2318 = tpu.memref_slice %arg9[%dma_wait3A_2311, %dma_wait3A_2317] : memref<8x32xf32, #tpu.memory_space<vmem>> -> memref<1x32xf32, #tpu.memory_space<vmem>>
    %dma_wait3A_2319 = tpu.memref_squeeze %dma_wait3A_2318 : memref<1x32xf32, #tpu.memory_space<vmem>> -> memref<32xf32, #tpu.memory_space<vmem>>
    tpu.wait_dma2 semaphore(%arg10 : memref<!tpu.dma_semaphore, #tpu.memory_space<semaphore_mem>>) src(%dma_wait3A_2319 : memref<32xf32, #tpu.memory_space<vmem>>) dst(%dma_wait3A_2316 : memref<32xf32, #tpu.memory_space<hbm>>)
    %dma_wait3A_2320 = arith.constant 1 : i32
    %dma_wait3A_2321 = arith.constant 0 : i32
    %dma_wait3A_2322 = tpu.memref_slice %arg9[%dma_wait3A_2320, %dma_wait3A_2321] : memref<8x32xf32, #tpu.memory_space<vmem>> -> memref<1x32xf32, #tpu.memory_space<vmem>>
    %dma_wait3A_2323 = tpu.memref_squeeze %dma_wait3A_2322 : memref<1x32xf32, #tpu.memory_space<vmem>> -> memref<32xf32, #tpu.memory_space<vmem>>
    %dma_wait3A_2324 = tpu.memref_slice %arg5[%add3A_2235] : memref<8192xf32, #tpu.memory_space<hbm>> -> memref<32xf32, #tpu.memory_space<hbm>>
    %dma_wait3A_2325 = tpu.memref_slice %arg5[%add3A_2235] : memref<8192xf32, #tpu.memory_space<hbm>> -> memref<32xf32, #tpu.memory_space<hbm>>
    %dma_wait3A_2326 = arith.constant 0 : i32
    %dma_wait3A_2327 = tpu.memref_slice %arg9[%dma_wait3A_2320, %dma_wait3A_2326] : memref<8x32xf32, #tpu.memory_space<vmem>> -> memref<1x32xf32, #tpu.memory_space<vmem>>
    %dma_wait3A_2328 = tpu.memref_squeeze %dma_wait3A_2327 : memref<1x32xf32, #tpu.memory_space<vmem>> -> memref<32xf32, #tpu.memory_space<vmem>>
    tpu.wait_dma2 semaphore(%arg10 : memref<!tpu.dma_semaphore, #tpu.memory_space<semaphore_mem>>) src(%dma_wait3A_2328 : memref<32xf32, #tpu.memory_space<vmem>>) dst(%dma_wait3A_2325 : memref<32xf32, #tpu.memory_space<hbm>>)
    %dma_wait3A_2329 = arith.constant 2 : i32
    %dma_wait3A_2330 = arith.constant 0 : i32
    %dma_wait3A_2331 = tpu.memref_slice %arg9[%dma_wait3A_2329, %dma_wait3A_2330] : memref<8x32xf32, #tpu.memory_space<vmem>> -> memref<1x32xf32, #tpu.memory_space<vmem>>
    %dma_wait3A_2332 = tpu.memref_squeeze %dma_wait3A_2331 : memref<1x32xf32, #tpu.memory_space<vmem>> -> memref<32xf32, #tpu.memory_space<vmem>>
    %dma_wait3A_2333 = tpu.memref_slice %arg5[%add3A_2246] : memref<8192xf32, #tpu.memory_space<hbm>> -> memref<32xf32, #tpu.memory_space<hbm>>
    %dma_wait3A_2334 = tpu.memref_slice %arg5[%add3A_2246] : memref<8192xf32, #tpu.memory_space<hbm>> -> memref<32xf32, #tpu.memory_space<hbm>>
    %dma_wait3A_2335 = arith.constant 0 : i32
    %dma_wait3A_2336 = tpu.memref_slice %arg9[%dma_wait3A_2329, %dma_wait3A_2335] : memref<8x32xf32, #tpu.memory_space<vmem>> -> memref<1x32xf32, #tpu.memory_space<vmem>>
    %dma_wait3A_2337 = tpu.memref_squeeze %dma_wait3A_2336 : memref<1x32xf32, #tpu.memory_space<vmem>> -> memref<32xf32, #tpu.memory_space<vmem>>
    tpu.wait_dma2 semaphore(%arg10 : memref<!tpu.dma_semaphore, #tpu.memory_space<semaphore_mem>>) src(%dma_wait3A_2337 : memref<32xf32, #tpu.memory_space<vmem>>) dst(%dma_wait3A_2334 : memref<32xf32, #tpu.memory_space<hbm>>)
    %dma_wait3A_2338 = arith.constant 3 : i32
    %dma_wait3A_2339 = arith.constant 0 : i32
    %dma_wait3A_2340 = tpu.memref_slice %arg9[%dma_wait3A_2338, %dma_wait3A_2339] : memref<8x32xf32, #tpu.memory_space<vmem>> -> memref<1x32xf32, #tpu.memory_space<vmem>>
    %dma_wait3A_2341 = tpu.memref_squeeze %dma_wait3A_2340 : memref<1x32xf32, #tpu.memory_space<vmem>> -> memref<32xf32, #tpu.memory_space<vmem>>
    %dma_wait3A_2342 = tpu.memref_slice %arg5[%add3A_2257] : memref<8192xf32, #tpu.memory_space<hbm>> -> memref<32xf32, #tpu.memory_space<hbm>>
    %dma_wait3A_2343 = tpu.memref_slice %arg5[%add3A_2257] : memref<8192xf32, #tpu.memory_space<hbm>> -> memref<32xf32, #tpu.memory_space<hbm>>
    %dma_wait3A_2344 = arith.constant 0 : i32
    %dma_wait3A_2345 = tpu.memref_slice %arg9[%dma_wait3A_2338, %dma_wait3A_2344] : memref<8x32xf32, #tpu.memory_space<vmem>> -> memref<1x32xf32, #tpu.memory_space<vmem>>
    %dma_wait3A_2346 = tpu.memref_squeeze %dma_wait3A_2345 : memref<1x32xf32, #tpu.memory_space<vmem>> -> memref<32xf32, #tpu.memory_space<vmem>>
    tpu.wait_dma2 semaphore(%arg10 : memref<!tpu.dma_semaphore, #tpu.memory_space<semaphore_mem>>) src(%dma_wait3A_2346 : memref<32xf32, #tpu.memory_space<vmem>>) dst(%dma_wait3A_2343 : memref<32xf32, #tpu.memory_space<hbm>>)
    %dma_wait3A_2347 = arith.constant 4 : i32
    %dma_wait3A_2348 = arith.constant 0 : i32
    %dma_wait3A_2349 = tpu.memref_slice %arg9[%dma_wait3A_2347, %dma_wait3A_2348] : memref<8x32xf32, #tpu.memory_space<vmem>> -> memref<1x32xf32, #tpu.memory_space<vmem>>
    %dma_wait3A_2350 = tpu.memref_squeeze %dma_wait3A_2349 : memref<1x32xf32, #tpu.memory_space<vmem>> -> memref<32xf32, #tpu.memory_space<vmem>>
    %dma_wait3A_2351 = tpu.memref_slice %arg5[%add3A_2268] : memref<8192xf32, #tpu.memory_space<hbm>> -> memref<32xf32, #tpu.memory_space<hbm>>
    %dma_wait3A_2352 = tpu.memref_slice %arg5[%add3A_2268] : memref<8192xf32, #tpu.memory_space<hbm>> -> memref<32xf32, #tpu.memory_space<hbm>>
    %dma_wait3A_2353 = arith.constant 0 : i32
    %dma_wait3A_2354 = tpu.memref_slice %arg9[%dma_wait3A_2347, %dma_wait3A_2353] : memref<8x32xf32, #tpu.memory_space<vmem>> -> memref<1x32xf32, #tpu.memory_space<vmem>>
    %dma_wait3A_2355 = tpu.memref_squeeze %dma_wait3A_2354 : memref<1x32xf32, #tpu.memory_space<vmem>> -> memref<32xf32, #tpu.memory_space<vmem>>
    tpu.wait_dma2 semaphore(%arg10 : memref<!tpu.dma_semaphore, #tpu.memory_space<semaphore_mem>>) src(%dma_wait3A_2355 : memref<32xf32, #tpu.memory_space<vmem>>) dst(%dma_wait3A_2352 : memref<32xf32, #tpu.memory_space<hbm>>)
    %dma_wait3A_2356 = arith.constant 5 : i32
    %dma_wait3A_2357 = arith.constant 0 : i32
    %dma_wait3A_2358 = tpu.memref_slice %arg9[%dma_wait3A_2356, %dma_wait3A_2357] : memref<8x32xf32, #tpu.memory_space<vmem>> -> memref<1x32xf32, #tpu.memory_space<vmem>>
    %dma_wait3A_2359 = tpu.memref_squeeze %dma_wait3A_2358 : memref<1x32xf32, #tpu.memory_space<vmem>> -> memref<32xf32, #tpu.memory_space<vmem>>
    %dma_wait3A_2360 = tpu.memref_slice %arg5[%add3A_2279] : memref<8192xf32, #tpu.memory_space<hbm>> -> memref<32xf32, #tpu.memory_space<hbm>>
    %dma_wait3A_2361 = tpu.memref_slice %arg5[%add3A_2279] : memref<8192xf32, #tpu.memory_space<hbm>> -> memref<32xf32, #tpu.memory_space<hbm>>
    %dma_wait3A_2362 = arith.constant 0 : i32
    %dma_wait3A_2363 = tpu.memref_slice %arg9[%dma_wait3A_2356, %dma_wait3A_2362] : memref<8x32xf32, #tpu.memory_space<vmem>> -> memref<1x32xf32, #tpu.memory_space<vmem>>
    %dma_wait3A_2364 = tpu.memref_squeeze %dma_wait3A_2363 : memref<1x32xf32, #tpu.memory_space<vmem>> -> memref<32xf32, #tpu.memory_space<vmem>>
    tpu.wait_dma2 semaphore(%arg10 : memref<!tpu.dma_semaphore, #tpu.memory_space<semaphore_mem>>) src(%dma_wait3A_2364 : memref<32xf32, #tpu.memory_space<vmem>>) dst(%dma_wait3A_2361 : memref<32xf32, #tpu.memory_space<hbm>>)
    %dma_wait3A_2365 = arith.constant 6 : i32
    %dma_wait3A_2366 = arith.constant 0 : i32
    %dma_wait3A_2367 = tpu.memref_slice %arg9[%dma_wait3A_2365, %dma_wait3A_2366] : memref<8x32xf32, #tpu.memory_space<vmem>> -> memref<1x32xf32, #tpu.memory_space<vmem>>
    %dma_wait3A_2368 = tpu.memref_squeeze %dma_wait3A_2367 : memref<1x32xf32, #tpu.memory_space<vmem>> -> memref<32xf32, #tpu.memory_space<vmem>>
    %dma_wait3A_2369 = tpu.memref_slice %arg5[%add3A_2290] : memref<8192xf32, #tpu.memory_space<hbm>> -> memref<32xf32, #tpu.memory_space<hbm>>
    %dma_wait3A_2370 = tpu.memref_slice %arg5[%add3A_2290] : memref<8192xf32, #tpu.memory_space<hbm>> -> memref<32xf32, #tpu.memory_space<hbm>>
    %dma_wait3A_2371 = arith.constant 0 : i32
    %dma_wait3A_2372 = tpu.memref_slice %arg9[%dma_wait3A_2365, %dma_wait3A_2371] : memref<8x32xf32, #tpu.memory_space<vmem>> -> memref<1x32xf32, #tpu.memory_space<vmem>>
    %dma_wait3A_2373 = tpu.memref_squeeze %dma_wait3A_2372 : memref<1x32xf32, #tpu.memory_space<vmem>> -> memref<32xf32, #tpu.memory_space<vmem>>
    tpu.wait_dma2 semaphore(%arg10 : memref<!tpu.dma_semaphore, #tpu.memory_space<semaphore_mem>>) src(%dma_wait3A_2373 : memref<32xf32, #tpu.memory_space<vmem>>) dst(%dma_wait3A_2370 : memref<32xf32, #tpu.memory_space<hbm>>)
    %dma_wait3A_2374 = arith.constant 7 : i32
    %dma_wait3A_2375 = arith.constant 0 : i32
    %dma_wait3A_2376 = tpu.memref_slice %arg9[%dma_wait3A_2374, %dma_wait3A_2375] : memref<8x32xf32, #tpu.memory_space<vmem>> -> memref<1x32xf32, #tpu.memory_space<vmem>>
    %dma_wait3A_2377 = tpu.memref_squeeze %dma_wait3A_2376 : memref<1x32xf32, #tpu.memory_space<vmem>> -> memref<32xf32, #tpu.memory_space<vmem>>
    %dma_wait3A_2378 = tpu.memref_slice %arg5[%add3A_2301] : memref<8192xf32, #tpu.memory_space<hbm>> -> memref<32xf32, #tpu.memory_space<hbm>>
    %dma_wait3A_2379 = tpu.memref_slice %arg5[%add3A_2301] : memref<8192xf32, #tpu.memory_space<hbm>> -> memref<32xf32, #tpu.memory_space<hbm>>
    %dma_wait3A_2380 = arith.constant 0 : i32
    %dma_wait3A_2381 = tpu.memref_slice %arg9[%dma_wait3A_2374, %dma_wait3A_2380] : memref<8x32xf32, #tpu.memory_space<vmem>> -> memref<1x32xf32, #tpu.memory_space<vmem>>
    %dma_wait3A_2382 = tpu.memref_squeeze %dma_wait3A_2381 : memref<1x32xf32, #tpu.memory_space<vmem>> -> memref<32xf32, #tpu.memory_space<vmem>>
    tpu.wait_dma2 semaphore(%arg10 : memref<!tpu.dma_semaphore, #tpu.memory_space<semaphore_mem>>) src(%dma_wait3A_2382 : memref<32xf32, #tpu.memory_space<vmem>>) dst(%dma_wait3A_2379 : memref<32xf32, #tpu.memory_space<hbm>>)
    return
  }
}

module attributes {stable_mosaic.version = 14 : i64} {
  func.func @body(%arg0: i32, %arg1: i32, %arg2: memref<1x2048x1024xf32, #tpu.memory_space<vmem>>, %arg3: memref<1x1x1024xf32, #tpu.memory_space<vmem>>, %arg4: memref<1x2048x1024xf32, #tpu.memory_space<vmem>>) attributes {dimension_semantics = [#tpu.dimension_semantics<parallel>, #tpu.dimension_semantics<parallel>], iteration_bounds = array<i64: 8, 2>, scalar_prefetch = 0 : i64, scratch_operands = 0 : i64, tpu.core_type = #tpu.core_type<tc>, window_params = [{transform_indices = @transform_0, window_bounds = array<i64: 1, 2048, 1024>}, {transform_indices = @transform_1, window_bounds = array<i64: 1, 1, 1024>}, {transform_indices = @transform_2, window_bounds = array<i64: 1, 2048, 1024>}]} {
    %get3A = arith.constant 0 : index
    %get3A_0 = arith.constant 0 : index
    %get3A_1 = arith.constant 0 : index
    %get3A_2 = vector.load %arg2[%get3A, %get3A_0, %get3A_1] : memref<1x2048x1024xf32, #tpu.memory_space<vmem>>, vector<1x2048x1024xf32>
    %get3A_3 = arith.constant 0 : index
    %get3A_4 = arith.constant 0 : index
    %get3A_5 = arith.constant 0 : index
    %get3A_6 = vector.load %arg3[%get3A_3, %get3A_4, %get3A_5] : memref<1x1x1024xf32, #tpu.memory_space<vmem>>, vector<1x1x1024xf32>
    %add3A = vector.broadcast %get3A_6 : vector<1x1x1024xf32> to vector<1x2048x1024xf32>
    %add3A_7 = arith.addf %get3A_2, %add3A : vector<1x2048x1024xf32>
    %swap3A = arith.constant 0 : index
    %swap3A_8 = arith.constant 0 : index
    %swap3A_9 = arith.constant 0 : index
    %swap3A_10 = vector.load %arg4[%swap3A, %swap3A_8, %swap3A_9] : memref<1x2048x1024xf32, #tpu.memory_space<vmem>>, vector<1x2048x1024xf32>
    tpu.vector_store %arg4[%swap3A, %swap3A_8, %swap3A_9], %add3A_7 {strides = array<i32>} : memref<1x2048x1024xf32, #tpu.memory_space<vmem>>, vector<1x2048x1024xf32>,
    return
  }
  func.func @transform_0(%arg0: i32, %arg1: i32) -> (i32, i32, i32) {
    %c0_i32 = arith.constant 0 : i32
    %c0_i32_0 = arith.constant 0 : i32
    return %arg0, %arg1, %c0_i32 : i32, i32, i32
  }
  func.func @transform_1(%arg0: i32, %arg1: i32) -> (i32, i32, i32) {
    %c0_i32 = arith.constant 0 : i32
    %c0_i32_0 = arith.constant 0 : i32
    %c0_i32_1 = arith.constant 0 : i32
    return %arg0, %c0_i32, %c0_i32_0 : i32, i32, i32
  }
  func.func @transform_2(%arg0: i32, %arg1: i32) -> (i32, i32, i32) {
    %c0_i32 = arith.constant 0 : i32
    %c0_i32_0 = arith.constant 0 : i32
    return %arg0, %arg1, %c0_i32 : i32, i32, i32
  }
}

</mosaic_0001>

<sc_bundles>
// kernel: kernel.4.cloned.1.call-start
scs
__scs_entry_jumppad:
0x0: {  	(pc) =	sbr.rel $0x88, $3  }
0x1: {  	(tag) =	ssettag $0x0;
	lr =	simm.s32 $0x1  }
0x2: {  	[smem:$0x3F9D] =	sst lr;
	_ =	strace $0xD0000000  }
0x3: {  	_ = 	snop  }
0x4: {  	_ = 	snop  }
0x5: {  	_ = 	snop  }
0x6: {  	_ = 	snop  }
0x7: {  	_ = 	snop  }
__scs_overlays_trampoline_lowered:
0x8: {  	[smem:$0x3FAC] =	sst s0  }
0x9: {  	[smem:$0x3FAD] =	sst s1  }
0xa: {  	[smem:$0x3FAE] =	sst s2  }
0xb: {  	[smem:$0x3FAF] =	sst s3  }
0xc: {  	[smem:$0x3FB0] =	sst s4  }
0xd: {  	[smem:$0x3FB1] =	sst s5  }
0xe: {  	[smem:$0x3FB2] =	sst s6  }
0xf: {  	[smem:$0x3FB3] =	sst s7  }
0x10: {  	[smem:$0x3FB4] =	sst s8  }
0x11: {  	[smem:$0x3FB5] =	sst s9;
	s0 =	simm.s32 @!p0 $0x0  }
0x12: {  	s1 =	sld [smem:$0x3F9B];
	s0 =	simm.s32 @p0 $0x1  }
0x13: {  	[smem:$0x3FB6] =	sst s0;
	s0 =	simm.s32 @!p1 $0x0  }
0x14: {  	s2 =	sld [smem:$0x3F9A];
	s0 =	simm.s32 @p1 $0x1  }
0x15: {  	[smem:$0x3FB7] =	sst s0;
	s0 =	simm.s32 @!p2 $0x0  }
0x16: {  	s3 =	sld [smem:$0x3FDB];
	s0 =	simm.s32 @p2 $0x1  }
0x17: {  	s4 =	simm.s32 $0x1BF5;
	[smem:$0x3FB9] =	sst s0  }
0x18: {  	s0 =	sld [smem:$0x3F9C];
	_ =	swait.ge [sflag:s4], $0x0  }
0x19: {  	s7 =	sld [smem:$0x3F9D]  }
0x1a: {  	s8 =	sadd.s32 $0xFFFFE003, lr  }
0x1b: {  	s9 =	sadd.s32 $0xFFFFFEF7, lr;
	s5 =	simm.s32 $0xFFFFFFFF;
	p2 =	slt.u32 s8, $0xFFFFF086  }
0x1c: {  	p1 =	slt.u32 s9, $0xF7A;
	s5 =	simm.s32 @!p2 $0x0  }
0x1d: {  	s5 =	simm.s32 @p1 $0x1;
	p0 =	seq.s32 s7, s2  }
0x1e: {  	s7 =	smul.u32 @!p0 $0xF7A, s2;
	p2 =	seq.s32 @!p0 s5, $0x0  }
0x1f: {  	s9 =	smul.u32 $0xF7A, s1;
	s8 =	simm.s32 @!p0 $0x1BF5;
	p2 =	por !p2, p0  }
0x20: {  	[sflag:s8] =	ssyncset.s32 @!p0 $0xFFFFF086;
	s6 =	sadd.s32 @!p0 s3, s7;
	s7 =	simm.s32 @!p0 $0x108  }
0x21: {  	s3 =	sadd.s32 s3, s9;
	s6 =	sadd.s32 @!p0 $0x88, s6;
	s7 =	simm.s32 @p2 $0x1082  }
0x22: {  	[simem:s7], [sflag:s8] =	dma.local @!p0 [hbm:s6], $0xF7A  }
0x23: {  	s9 =	sor.u32 $0xD0000000, s2;
	s6 =	simm.s32 $0x108;
	_ =	swait.ge @!p0 [sflag:s8], $0x0  }
0x24: {  	s3 =	sadd.s32 $0x88, s3;
	s6 =	simm.s32 @!p1 $0x1082;
	[sflag:s4] =	ssyncset.s32 $0xFFFFF086  }
0x25: {  	[simem:s6], [sflag:s4] =	dma.local [hbm:s3], $0xF7A  }
0x26: {  	[smem:$0x3F9D] =	sst s1;
	(tag) =	ssettag s2;
	_ =	strace s9  }
0x27: {  	s1 =	sld [smem:$0x3FAD]  }
0x28: {  	s2 =	sld [smem:$0x3FAE]  }
0x29: {  	s4 =	sld [smem:$0x3FB0]  }
0x2a: {  	p0 =	seq.s32 s5, $0x0;
	s5 =	sld [smem:$0x3FB1]  }
0x2b: {  	s6 =	sld [smem:$0x3FB2]  }
0x2c: {  	s7 =	sld [smem:$0x3FB3]  }
0x2d: {  	s3 =	simm.s32 $0x108;
	s8 =	sld [smem:$0x3FB4]  }
0x2e: {  	s3 =	simm.s32 @!p0 $0x1082;
	s9 =	sld [smem:$0x3FB5]  }
0x2f: {  	lr =	sadd.s32 s0, s3;
	s0 =	sld [smem:$0x3FAC]  }
0x30: {  	s3 =	sld [smem:$0x3FAF]  }
0x31: {  	[smem:$0x3FB8] =	sst s10  }
0x32: {  	s10 =	sld [smem:$0x3FB6];
	_ =	sdelay $0x3  }
0x33: {  	p0 =	seq.s32 s10, $0x1;
	s10 =	sld [smem:$0x3FB8];
	_ =	sdelay $0x3  }
0x34: {  	[smem:$0x3FB8] =	sst s10  }
0x35: {  	s10 =	sld [smem:$0x3FB7];
	_ =	sdelay $0x3  }
0x36: {  	p1 =	seq.s32 s10, $0x1;
	s10 =	sld [smem:$0x3FB8];
	_ =	sdelay $0x3  }
0x37: {  	[smem:$0x3FB8] =	sst s10  }
0x38: {  	s10 =	sld [smem:$0x3FB9]  }
0x39: {  	_ = 	snop;
	(pc) =	sbr.ind lr, $3  }
0x3a: {  	_ = 	snop  }
0x3b: {  	_ = 	snop  }
0x3c: {  	p2 =	seq.s32 s10, $0x1;
	s10 =	sld [smem:$0x3FB8]  }
0x3d: {  	_ =	shalt  }
0x3e: {  	_ =	shalt  }
0x3f: {  	_ =	shalt  }
0x40: {  	_ =	shalt  }
0x41: {  	_ =	shalt  }
0x42: {  	_ =	shalt  }
0x43: {  	_ =	shalt  }
0x44: {  	_ =	shalt  }
0x45: {  	_ =	shalt  }
0x46: {  	_ =	shalt  }
0x47: {  	_ =	shalt  }
0x48: {  	_ =	shalt  }
0x49: {  	_ =	shalt  }
0x4a: {  	_ =	shalt  }
0x4b: {  	_ =	shalt  }
0x4c: {  	_ =	shalt  }
0x4d: {  	_ =	shalt  }
0x4e: {  	_ =	shalt  }
0x4f: {  	_ =	shalt  }
0x50: {  	_ =	shalt  }
0x51: {  	_ =	shalt  }
0x52: {  	_ =	shalt  }
0x53: {  	_ =	shalt  }
0x54: {  	_ =	shalt  }
0x55: {  	_ =	shalt  }
0x56: {  	_ =	shalt  }
0x57: {  	_ =	shalt  }
0x58: {  	_ =	shalt  }
0x59: {  	_ =	shalt  }
0x5a: {  	_ =	shalt  }
0x5b: {  	_ =	shalt  }
0x5c: {  	_ =	shalt  }
0x5d: {  	_ =	shalt  }
0x5e: {  	_ =	shalt  }
0x5f: {  	_ =	shalt  }
0x60: {  	_ =	shalt  }
0x61: {  	_ =	shalt  }
0x62: {  	_ =	shalt  }
0x63: {  	_ =	shalt  }
0x64: {  	_ =	shalt  }
0x65: {  	_ =	shalt  }
0x66: {  	_ =	shalt  }
0x67: {  	_ =	shalt  }
0x68: {  	_ =	shalt  }
0x69: {  	_ =	shalt  }
0x6a: {  	_ =	shalt  }
0x6b: {  	_ =	shalt  }
0x6c: {  	_ =	shalt  }
0x6d: {  	_ =	shalt  }
0x6e: {  	_ =	shalt  }
0x6f: {  	_ =	shalt  }
0x70: {  	_ =	shalt  }
0x71: {  	_ =	shalt  }
0x72: {  	_ =	shalt  }
0x73: {  	_ =	shalt  }
0x74: {  	_ =	shalt  }
0x75: {  	_ =	shalt  }
0x76: {  	_ =	shalt  }
0x77: {  	_ =	shalt  }
0x78: {  	_ =	shalt  }
0x79: {  	_ =	shalt  }
0x7a: {  	_ =	shalt  }
0x7b: {  	_ =	shalt  }
0x7c: {  	_ =	shalt  }
0x7d: {  	_ =	shalt  }
0x7e: {  	_ =	shalt  }
0x7f: {  	_ =	shalt  }
0x80: {  	_ =	shalt  }
0x81: {  	_ =	shalt  }
0x82: {  	_ =	shalt  }
0x83: {  	_ =	shalt  }
0x84: {  	_ =	shalt  }
0x85: {  	_ =	shalt  }
0x86: {  	_ =	shalt  }
0x87: {  	_ =	shalt  }
.Lfunc_end0:
.L_simem_size_0:
called_computation_lowered:
.L_overlay_start_0:
0x88: {  	s2 =	sld [smem:$0x3FD9]  }
0x89: {  	s3 =	sld [smem:$0x3FFE];
	_ =	sdelay $0x1  }
0x8a: {  	s1 =	srdreg.scid  }
0x8b: {  	s0 =	sand.u32 $0x1, s1  }
0x8c: {  	s17 =	sshll.u32 s0, $0xA;
	s2 =	sadd.s32 s3, s2  }
0x8d: {  	s2 =	sadd.s32 s2, s17  }
0x8e: {  	[smem:$0x3FC4] =	sst s2  }
0x8f: {  	_ = 	snop  }
0x90: {  	s2 =	sld [smem:$0x3FC6]  }
0x91: {  	s18 =	sld [smem:$0x3FD0];
	(tm) =	ssettm $0x1  }
0x92: {  	s4 =	sld [smem:$0x3FFB];
	_ =	sdelay $0x3  }
0x93: {  	_ =	strace s4  }
0x94: {  	s4 =	sld [smem:$0x3FFC];
	_ =	sdelay $0x3  }
0x95: {  	_ =	strace s4  }
0x96: {  	s4 =	sld [smem:$0x3FFD];
	_ =	sdelay $0x3  }
0x97: {  	_ =	strace s4  }
0x98: {  	_ =	strace $0x8FFFFFFF  }
0x99: {  	s19 =	sld [smem:$0x3FDB];
	_ =	sdelay $0x1  }
0x9a: {  	s5 =	simm.s32 $_scs_section_size  }
0x9b: {  	s6 =	simm.s32 $_size__tile_overlayer_lowered;
	s7 =	simm.s32 $_tile_overlayer_lowered  }
0x9c: {  	s22 =	simm.s32 $0x1BFF;
	s21 =	sshll.u32 s7, $0x1;
	s4 =	sadd.s32 s5, s19  }
0x9d: {  	s8 =	simm.s32 $0x0;
	s20 =	sshll.u32 s6, $0x1;
	s6 =	sadd.s32 s21, s4  }
0x9e: {  	[timem:s8], [sflag:s22] =	dma.local [hbm:s6], s20  }
0x9f: {  	_ =	swait.ge [sflag:s22], s20  }
0xa0: {  	s5 =	ssub.s32 $0x0, s20;
	[sflag:s22] =	ssyncset.done $0x0  }
0xa1: {  	[sflag:s22] =	ssyncadd.s32 s5;
	_ =	sdelay $0x1  }
0xa2: {  	s23 =	simm.s32 $0x1B8B  }
0xa3: {  	_ =	swait.ge [sflag:s23], $0x1  }
0xa4: {  	[sflag:s23] =	ssyncset.done $0x0  }
0xa5: {  	s25 =	simm.s32 $0x1B8E;
	s24 =	sld [smem:$0x3FFE];
	[sflag:s23] =	ssyncadd.s32 $0xFFFFFFFF  }
0xa6: {  	s26 =	simm.s32 $execute0_lowered;
	[smem:$0x3FD2] =	sst s25  }
0xa7: {  	s6 =	sshll.u32 s26, $0x1;
	_ =	strace $0x80000046;
	[dreg:$0x1] =	wrdreg $0xFFFFFFFF  }
0xa8: {  	s28 =	simm.s32 $_size_execute0_lowered;
	s4 =	sadd.s32 s4, s6;
	[dreg:$0x0] =	wrdreg $0x0  }
0xa9: {  	s6 =	sshll.u32 s28, $0x1;
	[dreg:$0x2] =	wrdreg s4  }
0xaa: {  	[dreg:$0x3] =	wrdreg s6  }
0xab: {  	[dreg:$0x4] =	wrdreg $0xC0  }
0xac: {  	_ =	task [dreg:s8], $0x5FFFF  }
0xad: {  	[dreg:$0x1] =	wrdreg $0xFFFFFFFF  }
0xae: {  	[dreg:$0x0] =	wrdreg $0x60  }
0xaf: {  	[dreg:$0x2] =	wrdreg s24  }
0xb0: {  	[dreg:$0x3] =	wrdreg s18  }
0xb1: {  	[dreg:$0x4] =	wrdreg s2  }
0xb2: {  	[dreg:$0x5] =	wrdreg $0x9  }
0xb3: {  	_ =	task.clear_ibuf [dreg:s8], $0x6FFFF;
	_ =	strace $0x90000046  }
0xb4: {  	s29 =	simm.s32 $0x9;
	_ =	strace $0x80000048  }
0xb5: {  	_ =	swait.ge [sflag:s29], $0x1  }
0xb6: {  	[sflag:s29] =	ssyncadd.s32 $0xFFFFFFFF  }
0xb7: {  	_ =	strace $0x90000048  }
0xb8: {  	_ =	sfence  }
0xb9: {  	s30 =	sld [smem:$0x0];
	_ =	sdelay $0x2  }
0xba: {  	s31 =	sshll.u32 s1, $0xD;
	s1 =	sshrl.u32 s1, $0x2  }
0xbb: {  	s3 =	sand.u32 $0x4000, s31;
	s1 =	sadd.s32 s1, s30  }
0xbc: {  	s0 =	sor.u32 s3, s0;
	s1 =	sshll.u32 s1, $0x11  }
0xbd: {  	s0 =	sor.u32 s1, s0  }
0xbe: {  	s0 =	sadd.s32 $0x8F2B, s0  }
0xbf: {  	[sflag:s0] =	ssyncadd.remote.s32 $0x1  }
0xc0: {  	_ =	sfence.sel $0xFFFF  }
0xc1: {  	[dreg:$0x0] =	wrdreg $0xFFFFFFFF;
	(pc) =	sbr.abs _section_cstart, $3  }
0xc2: {  	[dreg:$0x1] =	wrdreg $0xFFFFFFFF  }
0xc3: {  	_ =	task.clear_ibuf [dreg:s8], $0x2FFFF;
	_ =	strace $0x9FFFFFFF  }
0xc4: {  	(tm) =	ssettm $0x7FFFFFFF  }
0xc5: {  	_ =	shalt  }
tec
execute0_lowered:
.L_overlay_start_1:
0x0: {  	(tag) =	ssettag $0x1  }
0x1: {  	s4 =	rddreg [dreg:$0x0]  }
0x2: {  	s5 =	rddreg [dreg:$0x1]  }
0x3: {  	s6 =	rddreg [dreg:$0x2]  }
0x4: {  	s0 =	rddreg [dreg:$0x3];
	s2 =	simm.s32 $0x0  }
0x5: {  	s3 =	srdreg.scid;
	s1 =	stileid.u32;
	s15 =	simm.s32 $0x80  }
0x6: {  	s16 =	simm.s32 $0x280;
	s17 =	simm.s32 $0x1;
	s18 =	simm.s32 $0x300  }
0x7: {  	s19 =	simm.s32 $0x380;
	s20 =	simm.s32 $0x400;
	s21 =	simm.s32 $0x480  }
0x8: {  	s22 =	simm.s32 $0x500;
	s23 =	simm.s32 $0x580;
	s24 =	simm.s32 $0x600  }
0x9: {  	s25 =	simm.s32 $0x680;
	s7 =	sand.u32 $0x1, s3;
	s8 =	sshll.u32 s1, $0x1  }
0xa: {  	[smem:$0x7FF] =	sst s2;
	s3 =	sadd.s32 $0x600, s4;
	s8 =	sor.u32 s7, s8  }
0xb: {  	_ =	strace $0x80000047;
	s7 =	ssub.s32 $0x2, s7;
	s9 =	sshll.u32 s8, $0x2  }
0xc: {  	s10 =	sshrl.u32 s7, $0x1;
	s8 =	sshll.u32 s8, $0x6;
	s13 =	sadd.s32 s9, s4  }
0xd: {  	s14 =	ssub.s32 s7, s10;
	s4 =	sadd.s32 s5, s8;
	s5 =	sadd.s32 s6, s9  }
0xe: {  	s6 =	sadd.s32 $0x800, s13;
	s7 =	sadd.s32 $0x880, s13;
	s8 =	sadd.s32 $0x900, s13  }
0xf: {  	s9 =	sadd.s32 $0x980, s13;
	s10 =	sadd.s32 $0xA00, s13;
	s11 =	sadd.s32 $0xA80, s13  }
0x10: {  	s12 =	sadd.s32 $0xB00, s13;
	s13 =	sadd.s32 $0xB80, s13;
	s14 =	smax.u32 s14, $0x1  }
.LBB2_1:
0x11: {  	[tilespmem:s2], [sflag:$0x1] =	stream.linear.gather [hbm4b:s3+s2], $0x80, $0x38;
	[tilespmem:$0x700] =	vst v63  }
0x12: {  	_ = 	snop  }
0x13: {  	[tilespmem:s15], [sflag:$0x1] =	stream.linear.gather [hbm4b:s4+s2], $0x200, $0x38;
	[tilespmem:$0x700] =	vst v63  }
0x14: {  	_ = 	snop  }
0x15: {  	[tilespmem:s16], [sflag:$0x1] =	stream.linear.gather [hbm4b:s5+s2], $0x20, $0x38;
	[tilespmem:$0x700] =	vst v63  }
0x16: {  	_ =	swait.ge [sflag:s17], $0x80  }
0x17: {  	[sflag:s17] =	ssyncset.done $0x0  }
0x18: {  	[sflag:s17] =	ssyncadd.s32 $0xFFFFFF80  }
0x19: {  	_ =	swait.ge [sflag:s17], $0x200  }
0x1a: {  	[sflag:s17] =	ssyncset.done $0x0  }
0x1b: {  	[sflag:s17] =	ssyncadd.s32 $0xFFFFFE00  }
0x1c: {  	_ =	swait.ge [sflag:s17], $0x20  }
0x1d: {  	[sflag:s17] =	ssyncset.done $0x0  }
0x1e: {  	[sflag:s17] =	ssyncadd.s32 $0xFFFFFFE0  }
0x1f: {  	v22 =	vld [tilespmem:$0x0]  }
0x20: {  	v7 =	vld [tilespmem:$0x10]  }
0x21: {  	v6 =	vld [tilespmem:$0x20]  }
0x22: {  	v1 =	vld [tilespmem:$0x30]  }
0x23: {  	v2 =	vld [tilespmem:$0x40]  }
0x24: {  	v5 =	vld [tilespmem:$0x50]  }
0x25: {  	v4 =	vld [tilespmem:$0x60]  }
0x26: {  	v15 =	vld [tilespmem:$0x70]  }
0x27: {  	v27 =	vld [tilespmem:$0x280]  }
0x28: {  	v9 =	vld [tilespmem:$0x80]  }
0x29: {  	v33 =	vld [tilespmem:$0xA0]  }
0x2a: {  	v34 =	vld [tilespmem:$0xC0]  }
0x2b: {  	v35 =	vld [tilespmem:$0xE0]  }
0x2c: {  	v36 =	vld [tilespmem:$0x100]  }
0x2d: {  	v61 =	vld [tilespmem:$0x140]  }
0x2e: {  	v37 =	vld [tilespmem:$0x120]  }
0x2f: {  	v38 =	vld [tilespmem:$0x140]  }
0x30: {  	v42 =	vld [tilespmem:$0x160]  }
0x31: {  	v45 =	vld [tilespmem:$0x180]  }
0x32: {  	[tilespmem:$0x1F5F0] =	vst v61;
	v61 =	vld [tilespmem:$0x160]  }
0x33: {  	v59 =	vld [tilespmem:$0x1A0]  }
0x34: {  	v62 =	vld [tilespmem:$0x1C0]  }
0x35: {  	v63 =	vld [tilespmem:$0x1E0]  }
0x36: {  	v14 =	vld [tilespmem:$0x200]  }
0x37: {  	[tilespmem:$0x1F610] =	vst v61;
	v61 =	vld [tilespmem:$0x180]  }
0x38: {  	v17 =	vld [tilespmem:$0x220]  }
0x39: {  	v30 =	vld [tilespmem:$0x240]  }
0x3a: {  	v19 =	vld [tilespmem:$0x260]  }
0x3b: {  	v60 =	vld [tilespmem:$0x280]  }
0x3c: {  	[tilespmem:$0x1F630] =	vst v61;
	v61 =	vld [tilespmem:$0x1C0]  }
0x3d: {  	v3 =	vld [tilespmem:$0x80]  }
0x3e: {  	v8 =	vld [tilespmem:$0xA0]  }
0x3f: {  	v10 =	vld [tilespmem:$0xC0]  }
0x40: {  	v11 =	vld [tilespmem:$0xE0]  }
0x41: {  	[tilespmem:$0x1F640] =	vst v61;
	v61 =	vld [tilespmem:$0x1E0]  }
0x42: {  	v12 =	vld [tilespmem:$0x100]  }
0x43: {  	v13 =	vld [tilespmem:$0x120]  }
0x44: {  	v16 =	vld [tilespmem:$0x140]  }
0x45: {  	v0 =	vld [tilespmem:$0x200]  }
0x46: {  	[tilespmem:$0x1F650] =	vst v61;
	v61 =	vld [tilespmem:$0x200]  }
0x47: {  	v18 =	vld [tilespmem:$0x160]  }
0x48: {  	v32 =	vld [tilespmem:$0x180]  }
0x49: {  	v46 =	vld [tilespmem:$0x1A0]  }
0x4a: {  	v47 =	vld [tilespmem:$0x1C0];
	[tilespmem:$0x1F5D0] =	vst v0  }
0x4b: {  	v0 =	vbroadcast v22, $0x0;
	[tilespmem:$0x1F660] =	vst v61;
	v61 =	vld [tilespmem:$0x220]  }
0x4c: {  	v20 =	vld [tilespmem:$0x1E0]  }
0x4d: {  	v43 =	vld [tilespmem:$0x200];
	[tilespmem:$0x1F790] =	vst v0;
	v9 =	vmul.f32 v9, v0;
	v0 =	vbroadcast v22, $0x1  }
0x4e: {  	v29 =	vld [tilespmem:$0x220]  }
0x4f: {  	v21 =	vld [tilespmem:$0x240];
	[tilespmem:$0x1F7A0] =	vst v0  }
0x50: {  	v9 =	vadd.f32 v9, v27;
	v27 =	vmul.f32 v33, v0;
	v0 =	vbroadcast v22, $0x2;
	[tilespmem:$0x1F670] =	vst v61;
	v61 =	vld [tilespmem:$0x240]  }
0x51: {  	v25 =	vld [tilespmem:$0x260]  }
0x52: {  	v50 =	vld [tilespmem:$0x280];
	[tilespmem:$0x1F7C0] =	vst v0;
	v9 =	vadd.f32 v27, v9;
	v27 =	vmul.f32 v34, v0;
	v0 =	vbroadcast v22, $0x3  }
0x53: {  	v54 =	vld [tilespmem:$0x80]  }
0x54: {  	v53 =	vld [tilespmem:$0xA0];
	[tilespmem:$0x1F7D0] =	vst v0  }
0x55: {  	v9 =	vadd.f32 v27, v9;
	v27 =	vmul.f32 v35, v0;
	v0 =	vbroadcast v22, $0x4;
	[tilespmem:$0x1F680] =	vst v61;
	v61 =	vld [tilespmem:$0x260]  }
0x56: {  	v49 =	vld [tilespmem:$0xC0]  }
0x57: {  	v31 =	vld [tilespmem:$0xE0];
	v9 =	vadd.f32 v27, v9;
	v27 =	vmul.f32 v36, v0;
	v36 =	vbroadcast v22, $0x5  }
0x58: {  	v26 =	vld [tilespmem:$0x100]  }
0x59: {  	v52 =	vld [tilespmem:$0x220];
	[tilespmem:$0x1F820] =	vst v36  }
0x5a: {  	v23 =	vld [tilespmem:$0x120];
	v35 =	vadd.f32 v27, v9;
	v36 =	vmul.f32 v37, v36;
	[tilespmem:$0x1F690] =	vst v61;
	v61 =	vbroadcast v22, $0x6  }
0x5b: {  	v56 =	vld [tilespmem:$0x240];
	v37 =	vbroadcast v22, $0x7  }
0x5c: {  	v28 =	vld [tilespmem:$0x140];
	v35 =	vadd.f32 v36, v35;
	[tilespmem:$0x1F850] =	vst v61;
	v38 =	vmul.f32 v38, v61;
	v61 =	vbroadcast v22, $0x8  }
0x5d: {  	v57 =	vld [tilespmem:$0x260];
	v36 =	vmul.f32 v42, v37  }
0x5e: {  	v39 =	vld [tilespmem:$0x160];
	[tilespmem:$0x1F5E0] =	vst v52;
	v35 =	vadd.f32 v38, v35;
	v38 =	vmul.f32 v45, v61;
	v45 =	vbroadcast v22, $0x9  }
0x5f: {  	v44 =	vld [tilespmem:$0x180];
	[tilespmem:$0x1F7F0] =	vst v0;
	v0 =	vbroadcast v7, $0x0  }
0x60: {  	[tilespmem:$0x1F600] =	vst v56;
	v35 =	vadd.f32 v36, v35;
	v36 =	vmul.f32 v59, v45;
	v59 =	vld [tilespmem:$0x140]  }
0x61: {  	v51 =	vld [tilespmem:$0x1A0];
	[tilespmem:$0x1F840] =	vst v0;
	v3 =	vmul.f32 v3, v0;
	v0 =	vbroadcast v7, $0x1  }
0x62: {  	v55 =	vld [tilespmem:$0x1C0];
	[tilespmem:$0x1F620] =	vst v57  }
0x63: {  	v58 =	vld [tilespmem:$0x1E0];
	[tilespmem:$0x1F860] =	vst v0;
	v3 =	vadd.f32 v3, v60;
	v8 =	vmul.f32 v8, v0;
	v0 =	vbroadcast v7, $0x2  }
0x64: {  	v41 =	vld [tilespmem:$0x280];
	[tilespmem:$0x1F870] =	vst v37  }
0x65: {  	[tilespmem:$0x1F6A0] =	vst v59;
	v59 =	vadd.f32 v8, v3;
	v8 =	vmul.f32 v10, v0;
	v10 =	vld [tilespmem:$0x160]  }
0x66: {  	v24 =	vld [tilespmem:$0x80];
	[tilespmem:$0x1F880] =	vst v0  }
0x67: {  	v40 =	vld [tilespmem:$0xA0];
	[tilespmem:$0x1F8D0] =	vst v45;
	v45 =	vbroadcast v22, $0xA  }
0x68: {  	v48 =	vld [tilespmem:$0xC0];
	[tilespmem:$0x1F8A0] =	vst v61;
	v3 =	vbroadcast v7, $0x3  }
0x69: {  	[tilespmem:$0x1F8F0] =	vst v45;
	v0 =	vadd.f32 v8, v59;
	v59 =	vld [tilespmem:$0x1A0]  }
0x6a: {  	v52 =	vld [tilespmem:$0xE0];
	v8 =	vmul.f32 v11, v3;
	[tilespmem:$0x1F6B0] =	vst v10;
	v10 =	vadd.f32 v38, v35;
	v38 =	vbroadcast v22, $0xB  }
0x6b: {  	[tilespmem:$0x1F8C0] =	vst v3;
	v35 =	vmul.f32 v62, v45;
	v62 =	vld [tilespmem:$0x180];
	v45 =	vbroadcast v7, $0x4  }
0x6c: {  	v57 =	vld [tilespmem:$0x100];
	[tilespmem:$0x1F920] =	vst v38;
	v11 =	vmul.f32 v63, v38  }
0x6d: {  	v56 =	vld [tilespmem:$0x120];
	v0 =	vadd.f32 v8, v0;
	[tilespmem:$0x1F8E0] =	vst v45;
	v38 =	vmul.f32 v12, v45;
	v45 =	vbroadcast v7, $0x5  }
0x6e: {  	[tilespmem:$0x1F6D0] =	vst v59;
	v63 =	vld [tilespmem:$0x1C0]  }
0x6f: {  	v59 =	vld [tilespmem:$0x1E0];
	[tilespmem:$0x1F900] =	vst v45;
	v0 =	vadd.f32 v38, v0;
	v38 =	vbroadcast v7, $0x6  }
0x70: {  	v33 =	vld [tilespmem:$0x1A0];
	[tilespmem:$0x1F6C0] =	vst v62;
	v62 =	vbroadcast v22, $0xC  }
0x71: {  	v34 =	vld [tilespmem:$0x280];
	v10 =	vadd.f32 v36, v10;
	v36 =	vmul.f32 v13, v45;
	[tilespmem:$0x1F940] =	vst v38  }
0x72: {  	v45 =	vld [tilespmem:$0x220];
	[tilespmem:$0x1F960] =	vst v62  }
0x73: {  	v9 =	vld [tilespmem:$0x80];
	v0 =	vadd.f32 v36, v0;
	v36 =	vmul.f32 v16, v38;
	v38 =	vbroadcast v7, $0x7;
	[tilespmem:$0x1F6E0] =	vst v63  }
0x74: {  	[tilespmem:$0x1F6F0] =	vst v59;
	v12 =	vmul.f32 v14, v62;
	v62 =	vbroadcast v22, $0xD;
	v63 =	vld [tilespmem:$0x200]  }
0x75: {  	v10 =	vadd.f32 v35, v10;
	v35 =	vld [tilespmem:$0x240];
	[tilespmem:$0x1F980] =	vst v38  }
0x76: {  	v27 =	vld [tilespmem:$0xA0];
	[tilespmem:$0x1F9D0] =	vst v62;
	v59 =	vmul.f32 v17, v62;
	v17 =	vbroadcast v22, $0xE  }
0x77: {  	v42 =	vld [tilespmem:$0xC0];
	v10 =	vadd.f32 v11, v10;
	[tilespmem:$0x1F710] =	vst v45  }
0x78: {  	v37 =	vld [tilespmem:$0xE0];
	[tilespmem:$0x1FA40] =	vst v17;
	v45 =	vmul.f32 v30, v17  }
0x79: {  	v60 =	vld [tilespmem:$0x120];
	v10 =	vadd.f32 v12, v10;
	v17 =	vbroadcast v7, $0x8;
	[tilespmem:$0x1F700] =	vst v63;
	v63 =	vbroadcast v22, $0xF  }
0x7a: {  	v61 =	vld [tilespmem:$0x100];
	v16 =	vmul.f32 v18, v38;
	[tilespmem:$0x1F720] =	vst v35  }
0x7b: {  	v38 =	vld [tilespmem:$0x80];
	v10 =	vadd.f32 v59, v10;
	[tilespmem:$0x1F9A0] =	vst v17;
	v18 =	vmul.f32 v19, v63;
	v19 =	vbroadcast v7, $0x9  }
0x7c: {  	v0 =	vadd.f32 v36, v0;
	v36 =	vld [tilespmem:$0xA0];
	v59 =	vbroadcast v7, $0xA;
	[tilespmem:$0x1FAE0] =	vst v63  }
0x7d: {  	v62 =	vld [tilespmem:$0x260];
	v10 =	vadd.f32 v45, v10;
	[tilespmem:$0x1F9F0] =	vst v19;
	v63 =	vmul.f32 v46, v19;
	v19 =	vbroadcast v6, $0x0  }
0x7e: {  	v35 =	vld [tilespmem:$0xC0];
	v0 =	vadd.f32 v16, v0;
	v22 =	vmul.f32 v32, v17;
	[tilespmem:$0x1FA20] =	vst v59;
	v32 =	vbroadcast v7, $0xB  }
0x7f: {  	v30 =	vld [tilespmem:$0x280];
	v8 =	vmul.f32 v47, v59;
	v47 =	vadd.f32 v18, v10;
	[tilespmem:$0x1F950] =	vst v19  }
0x80: {  	v59 =	vbroadcast v6, $0x1;
	v0 =	vadd.f32 v22, v0;
	[tilespmem:$0x1FA80] =	vst v32  }
0x81: {  	v18 =	vbroadcast v7, $0xC;
	[tilespmem:$0x1FEE0] =	vst v47;
	v54 =	vmul.f32 v54, v19  }
0x82: {  	[tilespmem:$0x1F990] =	vst v59;
	v0 =	vadd.f32 v63, v0;
	v63 =	vmul.f32 v20, v32;
	v20 =	vbroadcast v6, $0x2  }
0x83: {  	[tilespmem:$0x1FAC0] =	vst v18;
	v19 =	vmul.f32 v53, v59;
	v32 =	vbroadcast v7, $0xD  }
0x84: {  	[tilespmem:$0x1F9B0] =	vst v20;
	v45 =	vmul.f32 v49, v20;
	v49 =	vbroadcast v6, $0x3  }
0x85: {  	v10 =	vadd.f32 v54, v50;
	v0 =	vadd.f32 v8, v0;
	[tilespmem:$0x1FB20] =	vst v32;
	v54 =	vbroadcast v7, $0xE  }
0x86: {  	v50 =	vmul.f32 v29, v32;
	v29 =	vbroadcast v7, $0xF;
	[tilespmem:$0x1FA00] =	vst v49  }
0x87: {  	v0 =	vadd.f32 v63, v0;
	[tilespmem:$0x1FB80] =	vst v54;
	v63 =	vbroadcast v6, $0x4  }
0x88: {  	v10 =	vadd.f32 v19, v10;
	v20 =	vmul.f32 v21, v54;
	[tilespmem:$0x1FC20] =	vst v29;
	v54 =	vbroadcast v6, $0x5  }
0x89: {  	v59 =	vmul.f32 v31, v49;
	v31 =	vld [tilespmem:$0x200];
	v21 =	vbroadcast v6, $0x6;
	[tilespmem:$0x1FA30] =	vst v63  }
0x8a: {  	v49 =	vbroadcast v1, $0x1;
	v10 =	vadd.f32 v45, v10;
	v45 =	vmul.f32 v26, v63;
	[tilespmem:$0x1FA70] =	vst v54  }
0x8b: {  	v63 =	vmul.f32 v25, v29;
	[tilespmem:$0x1FAA0] =	vst v21;
	v25 =	vbroadcast v6, $0x7;
	v26 =	vld [tilespmem:$0x260]  }
0x8c: {  	v8 =	vmul.f32 v43, v18;
	[tilespmem:$0x1FA60] =	vst v49  }
0x8d: {  	v46 =	vld [tilespmem:$0xE0];
	v29 =	vbroadcast v1, $0x0;
	[tilespmem:$0x1FAD0] =	vst v25  }
0x8e: {  	v22 =	vld [tilespmem:$0x100];
	v0 =	vadd.f32 v8, v0;
	[tilespmem:$0x1F730] =	vst v31;
	v31 =	vmul.f32 v39, v25  }
0x8f: {  	v47 =	vld [tilespmem:$0x120];
	v32 =	vadd.f32 v59, v10;
	[tilespmem:$0x1FA10] =	vst v29;
	v25 =	vmul.f32 v40, v49;
	v40 =	vbroadcast v6, $0xA  }
0x90: {  	v14 =	vld [tilespmem:$0x140];
	v49 =	vbroadcast v6, $0xB;
	[tilespmem:$0x1F800] =	vst v26  }
0x91: {  	v59 =	vld [tilespmem:$0x220];
	v0 =	vadd.f32 v50, v0;
	v7 =	vadd.f32 v45, v32;
	v32 =	vbroadcast v6, $0x8;
	[tilespmem:$0x1FB60] =	vst v40  }
0x92: {  	v53 =	vld [tilespmem:$0x160];
	v45 =	vmul.f32 v24, v29;
	v24 =	vbroadcast v6, $0x9;
	[tilespmem:$0x1FBC0] =	vst v49  }
0x93: {  	v13 =	vld [tilespmem:$0x1A0];
	v23 =	vmul.f32 v23, v54;
	v8 =	vadd.f32 v20, v0;
	v29 =	vbroadcast v1, $0x5;
	[tilespmem:$0x1FB10] =	vst v32  }
0x94: {  	v17 =	vld [tilespmem:$0x1C0];
	v28 =	vmul.f32 v28, v21;
	[tilespmem:$0x1FB40] =	vst v24  }
0x95: {  	v16 =	vld [tilespmem:$0x1F640];
	v26 =	vbroadcast v1, $0x2;
	v7 =	vadd.f32 v23, v7;
	v39 =	vadd.f32 v63, v8;
	[tilespmem:$0x1FB30] =	vst v29  }
0x96: {  	v3 =	vld [tilespmem:$0x290];
	v54 =	vmul.f32 v44, v32;
	v8 =	vadd.f32 v45, v41;
	v44 =	vbroadcast v1, $0x3;
	[tilespmem:$0x1F740] =	vst v59  }
0x97: {  	v20 =	vld [tilespmem:$0x1F600];
	v45 =	vmul.f32 v55, v40;
	v40 =	vbroadcast v6, $0xD;
	[tilespmem:$0x1FA90] =	vst v26;
	v7 =	vadd.f32 v28, v7  }
0x98: {  	v55 =	vld [tilespmem:$0x160];
	v41 =	vmul.f32 v48, v26;
	[tilespmem:$0x1FF10] =	vst v39;
	v39 =	vmul.f32 v51, v24  }
0x99: {  	v26 =	vld [tilespmem:$0x180];
	[tilespmem:$0x1FAB0] =	vst v44;
	v51 =	vmul.f32 v52, v44;
	v52 =	vbroadcast v1, $0x4;
	v7 =	vadd.f32 v31, v7  }
0x9a: {  	v8 =	vadd.f32 v25, v8;
	v25 =	vbroadcast v6, $0xC;
	[tilespmem:$0x1FC60] =	vst v40;
	v44 =	vmul.f32 v56, v29;
	v56 =	vld [tilespmem:$0x1F5F0]  }
0x9b: {  	v24 =	vmul.f32 v58, v49;
	v58 =	vld [tilespmem:$0x220];
	v29 =	vbroadcast v1, $0x8;
	[tilespmem:$0x1FB00] =	vst v52;
	v7 =	vadd.f32 v54, v7  }
0x9c: {  	v8 =	vadd.f32 v41, v8;
	[tilespmem:$0x1FC00] =	vst v25;
	v41 =	vld [tilespmem:$0x1C0]  }
0x9d: {  	[tilespmem:$0x1FBD0] =	vst v29;
	v7 =	vadd.f32 v39, v7;
	v39 =	vld [tilespmem:$0x1F5D0]  }
0x9e: {  	v28 =	vmul.f32 v57, v52;
	v52 =	vbroadcast v6, $0xE;
	[tilespmem:$0x1F750] =	vst v55;
	v8 =	vadd.f32 v51, v8;
	v51 =	vld [tilespmem:$0x1F5E0]  }
0x9f: {  	v55 =	vld [tilespmem:$0x200];
	[tilespmem:$0x1F760] =	vst v26  }
0xa0: {  	v43 =	vld [tilespmem:$0x180];
	[tilespmem:$0x1FCC0] =	vst v52;
	v7 =	vadd.f32 v45, v7  }
0xa1: {  	v57 =	vbroadcast v1, $0x7;
	[tilespmem:$0x1F810] =	vst v58;
	v58 =	vbroadcast v2, $0x0;
	v8 =	vadd.f32 v28, v8;
	v28 =	vld [tilespmem:$0x1F610]  }
0xa2: {  	[tilespmem:$0x1F770] =	vst v41;
	v41 =	vld [tilespmem:$0x260];
	v45 =	vbroadcast v1, $0x6;
	v7 =	vadd.f32 v24, v7;
	v11 =	vmul.f32 v39, v25  }
0xa3: {  	[tilespmem:$0x1FBA0] =	vst v57;
	v8 =	vadd.f32 v44, v8;
	v44 =	vld [tilespmem:$0x1F620];
	v10 =	vmul.f32 v51, v40;
	v40 =	vbroadcast v2, $0x1  }
0xa4: {  	[tilespmem:$0x1F7B0] =	vst v55;
	v12 =	vmul.f32 v56, v45;
	v7 =	vadd.f32 v11, v7;
	v11 =	vmul.f32 v20, v52;
	v52 =	vld [tilespmem:$0x1F630]  }
0xa5: {  	v18 =	vld [tilespmem:$0x140];
	[tilespmem:$0x1FB50] =	vst v45;
	v45 =	vbroadcast v1, $0x9;
	v56 =	vbroadcast v1, $0xA  }
0xa6: {  	v24 =	vbroadcast v6, $0xF;
	v25 =	vld [tilespmem:$0x240];
	[tilespmem:$0x1FBB0] =	vst v40;
	v26 =	vadd.f32 v12, v8;
	v8 =	vmul.f32 v28, v57  }
0xa7: {  	v19 =	vld [tilespmem:$0x1E0];
	[tilespmem:$0x1F910] =	vst v41;
	v57 =	vmul.f32 v33, v45;
	v12 =	vmul.f32 v16, v56;
	v7 =	vadd.f32 v10, v7  }
0xa8: {  	[tilespmem:$0x1FBF0] =	vst v45;
	v41 =	vld [tilespmem:$0x1F650];
	v45 =	vbroadcast v1, $0xC;
	v16 =	vbroadcast v2, $0x5;
	v6 =	vadd.f32 v8, v26  }
0xa9: {  	v21 =	vld [tilespmem:$0xC0];
	[tilespmem:$0x1FD50] =	vst v24;
	v10 =	vmul.f32 v44, v24;
	v7 =	vadd.f32 v11, v7;
	v55 =	vmul.f32 v52, v29  }
0xaa: {  	v50 =	vld [tilespmem:$0x240];
	[tilespmem:$0x1FC40] =	vst v56;
	v20 =	vbroadcast v1, $0xB;
	v29 =	vmul.f32 v9, v58  }
0xab: {  	v56 =	vld [tilespmem:$0x1F660];
	[tilespmem:$0x1F890] =	vst v25;
	v25 =	vbroadcast v2, $0x3;
	v28 =	vadd.f32 v10, v7;
	v8 =	vadd.f32 v55, v6  }
0xac: {  	[tilespmem:$0x1FC80] =	vst v16;
	v52 =	vmul.f32 v27, v40;
	v27 =	vld [tilespmem:$0x200];
	v7 =	vadd.f32 v29, v34;
	v55 =	vbroadcast v2, $0x2  }
0xad: {  	v44 =	vmul.f32 v41, v20;
	v40 =	vmul.f32 v37, v25;
	[tilespmem:$0x1FF40] =	vst v28;
	v28 =	vld [tilespmem:$0x1F670];
	v8 =	vadd.f32 v57, v8  }
0xae: {  	v0 =	vld [tilespmem:$0x80];
	[tilespmem:$0x1FC10] =	vst v25;
	v25 =	vbroadcast v2, $0x6;
	v7 =	vadd.f32 v52, v7;
	v24 =	vmul.f32 v42, v55  }
0xaf: {  	[tilespmem:$0x1FC70] =	vst v20;
	v20 =	vld [tilespmem:$0x1E0];
	v34 =	vbroadcast v1, $0xE;
	v57 =	vbroadcast v1, $0xD;
	v8 =	vadd.f32 v12, v8  }
0xb0: {  	[tilespmem:$0x1FBE0] =	vst v55;
	v42 =	vbroadcast v2, $0x4;
	v52 =	vbroadcast v1, $0xF;
	v7 =	vadd.f32 v24, v7;
	v24 =	vld [tilespmem:$0x1F690]  }
0xb1: {  	v55 =	vbroadcast v2, $0x8;
	[tilespmem:$0x1F830] =	vst v27;
	v12 =	vmul.f32 v56, v45;
	v8 =	vadd.f32 v44, v8;
	v44 =	vld [tilespmem:$0x1F680]  }
0xb2: {  	[tilespmem:$0x1FCF0] =	vst v57;
	v61 =	vmul.f32 v61, v42;
	v9 =	vmul.f32 v28, v57;
	v57 =	vadd.f32 v40, v7;
	v40 =	vld [tilespmem:$0x1F6A0]  }
0xb3: {  	v23 =	vld [tilespmem:$0xA0];
	v27 =	vbroadcast v5, $0x2;
	[tilespmem:$0x1FC50] =	vst v42;
	v42 =	vbroadcast v5, $0x0;
	v8 =	vadd.f32 v12, v8  }
0xb4: {  	[tilespmem:$0x1F7E0] =	vst v20;
	v28 =	vmul.f32 v60, v16;
	v16 =	vbroadcast v5, $0x1;
	v1 =	vadd.f32 v61, v57;
	v57 =	vld [tilespmem:$0x260]  }
0xb5: {  	[tilespmem:$0x1FD70] =	vst v52;
	v61 =	vmul.f32 v38, v42;
	v8 =	vadd.f32 v9, v8;
	v9 =	vmul.f32 v24, v52;
	v52 =	vld [tilespmem:$0x1F6B0]  }
0xb6: {  	v20 =	vld [tilespmem:$0x1F6C0];
	[tilespmem:$0x1FC90] =	vst v42;
	v42 =	vbroadcast v5, $0x3;
	v12 =	vmul.f32 v44, v34  }
0xb7: {  	[tilespmem:$0x1FCB0] =	vst v25;
	v1 =	vadd.f32 v28, v1;
	v24 =	vbroadcast v2, $0x9;
	v11 =	vmul.f32 v40, v25;
	v44 =	vld [tilespmem:$0x240]  }
0xb8: {  	v49 =	vld [tilespmem:$0x1E0];
	[tilespmem:$0x1FD30] =	vst v34;
	v34 =	vbroadcast v2, $0x7;
	v25 =	vmul.f32 v36, v16;
	v8 =	vadd.f32 v12, v8  }
0xb9: {  	[tilespmem:$0x1FCD0] =	vst v16;
	v28 =	vld [tilespmem:$0x1F6D0];
	v40 =	vmul.f32 v35, v27;
	v16 =	vbroadcast v2, $0xC;
	v1 =	vadd.f32 v11, v1  }
0xba: {  	v63 =	vld [tilespmem:$0xE0];
	[tilespmem:$0x1F9C0] =	vst v57;
	v57 =	vbroadcast v5, $0x4;
	v7 =	vmul.f32 v52, v34;
	v60 =	vadd.f32 v9, v8  }
0xbb: {  	v32 =	vld [tilespmem:$0x120];
	[tilespmem:$0x1FD10] =	vst v55;
	v9 =	vmul.f32 v20, v55;
	v8 =	vadd.f32 v61, v30;
	v30 =	vbroadcast v2, $0xA  }
0xbc: {  	v52 =	vbroadcast v2, $0xB;
	v55 =	vmul.f32 v46, v42;
	[tilespmem:$0x1F930] =	vst v44;
	v44 =	vld [tilespmem:$0x1F6E0]  }
0xbd: {  	[tilespmem:$0x1FD20] =	vst v42;
	v61 =	vld [tilespmem:$0x1F6F0];
	v22 =	vmul.f32 v22, v57;
	v42 =	vbroadcast v5, $0x6;
	v1 =	vadd.f32 v7, v1  }
0xbe: {  	v59 =	vld [tilespmem:$0x280];
	[tilespmem:$0x1F780] =	vst v49;
	v46 =	vbroadcast v2, $0xE;
	v7 =	vmul.f32 v28, v24;
	v8 =	vadd.f32 v25, v8  }
0xbf: {  	[tilespmem:$0x1FD40] =	vst v24;
	v24 =	vbroadcast v5, $0x5;
	v25 =	vld [tilespmem:$0x1F700];
	v28 =	vbroadcast v2, $0xD;
	v1 =	vadd.f32 v9, v1  }
0xc0: {  	v48 =	vld [tilespmem:$0x1A0];
	[tilespmem:$0x1FD60] =	vst v57;
	v57 =	vmul.f32 v14, v42;
	v2 =	vbroadcast v2, $0xF;
	v8 =	vadd.f32 v40, v8  }
0xc1: {  	v31 =	vld [tilespmem:$0x100];
	[tilespmem:$0x1FDB0] =	vst v42;
	v42 =	vbroadcast v5, $0x9;
	v9 =	vmul.f32 v44, v30;
	v1 =	vadd.f32 v7, v1  }
0xc2: {  	v54 =	vld [tilespmem:$0x140];
	[tilespmem:$0x1FCE0] =	vst v34;
	v7 =	vmul.f32 v61, v52;
	v8 =	vadd.f32 v55, v8;
	v61 =	vbroadcast v5, $0x7  }
0xc3: {  	[tilespmem:$0x1FE40] =	vst v16;
	v14 =	vbroadcast v5, $0xE;
	v34 =	vmul.f32 v47, v24;
	v44 =	vld [tilespmem:$0x1F710];
	v1 =	vadd.f32 v9, v1  }
0xc4: {  	[tilespmem:$0x1FD90] =	vst v24;
	v9 =	vmul.f32 v25, v16;
	v8 =	vadd.f32 v22, v8;
	v16 =	vld [tilespmem:$0x1F720];
	v24 =	vmul.f32 v53, v61  }
0xc5: {  	v49 =	vld [tilespmem:$0xA0];
	[tilespmem:$0x1FB70] =	vst v58;
	v25 =	vbroadcast v5, $0x8;
	v53 =	vbroadcast v5, $0xA  }
0xc6: {  	[tilespmem:$0x1FE00] =	vst v61;
	v22 =	vld [tilespmem:$0x210];
	v61 =	vmul.f32 v13, v42;
	v1 =	vadd.f32 v7, v1;
	v8 =	vadd.f32 v34, v8  }
0xc7: {  	v51 =	vld [tilespmem:$0x80];
	[tilespmem:$0x1FF20] =	vst v46;
	v34 =	vmul.f32 v62, v2;
	v62 =	vbroadcast v4, $0x0  }
0xc8: {  	v39 =	vld [tilespmem:$0x280];
	[tilespmem:$0x1FEA0] =	vst v28;
	v7 =	vmul.f32 v44, v28;
	v1 =	vadd.f32 v9, v1;
	v8 =	vadd.f32 v57, v8  }
0xc9: {  	[tilespmem:$0x1FE60] =	vst v42;
	v28 =	vld [tilespmem:$0x230];
	v0 =	vmul.f32 v0, v62;
	v9 =	vmul.f32 v16, v46  }
0xca: {  	[tilespmem:$0x1FDA0] =	vst v62;
	v62 =	vld [tilespmem:$0x1F740];
	v46 =	vmul.f32 v43, v25;
	v1 =	vadd.f32 v7, v1;
	v8 =	vadd.f32 v24, v8  }
0xcb: {  	v33 =	vld [tilespmem:$0x100];
	v42 =	vbroadcast v5, $0xC;
	[tilespmem:$0x1F970] =	vst v22;
	v22 =	vmul.f32 v17, v53  }
0xcc: {  	[tilespmem:$0x1FE20] =	vst v25;
	v57 =	vld [tilespmem:$0x270];
	v25 =	vbroadcast v4, $0x1;
	v1 =	vadd.f32 v9, v1;
	v8 =	vadd.f32 v46, v8  }
0xcd: {  	[tilespmem:$0x1FE80] =	vst v53;
	v53 =	vld [tilespmem:$0x1F730];
	v24 =	vbroadcast v5, $0xB;
	v0 =	vadd.f32 v0, v59;
	v59 =	vbroadcast v5, $0xD  }
0xce: {  	v37 =	vld [tilespmem:$0x220];
	v43 =	vmul.f32 v23, v25;
	[tilespmem:$0x1F9E0] =	vst v28;
	v1 =	vadd.f32 v34, v1;
	v28 =	vadd.f32 v61, v8  }
0xcf: {  	v26 =	vld [tilespmem:$0xE0];
	[tilespmem:$0x1FCA0] =	vst v45;
	v46 =	vbroadcast v4, $0x2;
	v10 =	vmul.f32 v62, v59  }
0xd0: {  	v41 =	vld [tilespmem:$0x180];
	v62 =	vbroadcast v15, $0x0;
	v34 =	vmul.f32 v19, v24;
	[tilespmem:$0x1FF80] =	vst v1;
	v1 =	vadd.f32 v22, v28  }
0xd1: {  	v58 =	vld [tilespmem:$0x120];
	[tilespmem:$0x1FF70] =	vst v59;
	v0 =	vadd.f32 v43, v0;
	v43 =	vbroadcast v4, $0x5;
	v59 =	vbroadcast v15, $0x2  }
0xd2: {  	v6 =	vld [tilespmem:$0xC0];
	[tilespmem:$0x1FAF0] =	vst v57;
	v57 =	vmul.f32 v53, v42;
	v21 =	vmul.f32 v21, v46;
	v1 =	vadd.f32 v34, v1  }
0xd3: {  	v29 =	vld [tilespmem:$0x160];
	[tilespmem:$0x1F8B0] =	vst v37;
	v61 =	vbroadcast v4, $0x3;
	v53 =	vmul.f32 v50, v14  }
0xd4: {  	v37 =	vld [tilespmem:$0xD0];
	[tilespmem:$0x1FDF0] =	vst v46;
	v50 =	vbroadcast v15, $0x1;
	v46 =	vmul.f32 v51, v62;
	v1 =	vadd.f32 v57, v1  }
0xd5: {  	v45 =	vld [tilespmem:$0x1A0];
	[tilespmem:$0x1FEF0] =	vst v42;
	v42 =	vbroadcast v4, $0x4;
	v0 =	vadd.f32 v21, v0;
	v21 =	vmul.f32 v63, v61  }
0xd6: {  	v56 =	vld [tilespmem:$0x1C0];
	v8 =	vmul.f32 v49, v50;
	v12 =	vadd.f32 v10, v1;
	v1 =	vadd.f32 v46, v39  }
0xd7: {  	[tilespmem:$0x1FFC0] =	vst v14;
	v14 =	vld [tilespmem:$0x250];
	v51 =	vmul.f32 v32, v43;
	v31 =	vmul.f32 v31, v42;
	v0 =	vadd.f32 v21, v0  }
0xd8: {  	v6 =	vmul.f32 v6, v59;
	v32 =	vbroadcast v15, $0x3;
	v21 =	vld [tilespmem:$0x1F750];
	v1 =	vadd.f32 v8, v1  }
0xd9: {  	v38 =	vld [tilespmem:$0x90];
	[tilespmem:$0x1FE10] =	vst v61;
	v61 =	vbroadcast v4, $0x6;
	v0 =	vadd.f32 v31, v0  }
0xda: {  	v49 =	vld [tilespmem:$0x1F760];
	v26 =	vmul.f32 v26, v32;
	v57 =	vbroadcast v15, $0x4;
	v6 =	vadd.f32 v6, v1  }
0xdb: {  	[tilespmem:$0x1FD00] =	vst v27;
	v35 =	vld [tilespmem:$0xF0];
	v13 =	vbroadcast v4, $0x7;
	v0 =	vadd.f32 v51, v0;
	v10 =	vmul.f32 v54, v61  }
0xdc: {  	v27 =	vld [tilespmem:$0x150];
	[tilespmem:$0x1FB90] =	vst v14;
	v14 =	vmul.f32 v33, v57;
	v6 =	vadd.f32 v26, v6  }
0xdd: {  	v36 =	vld [tilespmem:$0x170];
	v39 =	vbroadcast v4, $0x8;
	v22 =	vmul.f32 v21, v13;
	v0 =	vadd.f32 v10, v0  }
0xde: {  	v26 =	vadd.f32 v14, v6;
	v14 =	vld [tilespmem:$0x1F770]  }
0xdf: {  	v11 =	vld [tilespmem:$0xD0];
	v54 =	vbroadcast v4, $0x9;
	v51 =	vmul.f32 v49, v39;
	v31 =	vadd.f32 v22, v0  }
0xe0: {  	v20 =	vld [tilespmem:$0x110];
	[tilespmem:$0x1FE70] =	vst v61;
	v61 =	vbroadcast v15, $0x5  }
0xe1: {  	[tilespmem:$0x1FF60] =	vst v60;
	v60 =	vld [tilespmem:$0xB0];
	v7 =	vbroadcast v4, $0xA;
	v22 =	vmul.f32 v48, v54;
	v21 =	vadd.f32 v51, v31  }
0xe2: {  	v40 =	vld [tilespmem:$0x190];
	v8 =	vmul.f32 v58, v61  }
0xe3: {  	[tilespmem:$0x1FF00] =	vst v7;
	v31 =	vbroadcast v15, $0x6;
	v33 =	vadd.f32 v22, v21;
	v21 =	vmul.f32 v14, v7;
	v7 =	vld [tilespmem:$0x1F780]  }
0xe4: {  	[tilespmem:$0x1FD80] =	vst v30;
	v47 =	vld [tilespmem:$0x1B0]  }
0xe5: {  	v30 =	vld [tilespmem:$0x130];
	[tilespmem:$0x1FED0] =	vst v54;
	v49 =	vmul.f32 v18, v31;
	v54 =	vadd.f32 v8, v26;
	v26 =	vbroadcast v15, $0x7  }
0xe6: {  	v55 =	vld [tilespmem:$0x1D0];
	v22 =	vbroadcast v4, $0xB  }
0xe7: {  	[tilespmem:$0x1FDD0] =	vst v52;
	v52 =	vld [tilespmem:$0x1F0];
	v0 =	vadd.f32 v49, v54;
	v49 =	vmul.f32 v29, v26  }
0xe8: {  	[tilespmem:$0x1FF50] =	vst v22;
	v8 =	vmul.f32 v7, v22;
	v22 =	vld [tilespmem:$0x1F790]  }
0xe9: {  	v0 =	vadd.f32 v49, v0;
	v49 =	vld [tilespmem:$0x1F7A0]  }
0xea: {  	v7 =	vld [tilespmem:$0x1F7B0]  }
0xeb: {  	v44 =	vld [tilespmem:$0x250];
	v6 =	vadd.f32 v21, v33  }
0xec: {  	v16 =	vld [tilespmem:$0x290]  }
0xed: {  	v17 =	vld [tilespmem:$0xF0];
	v58 =	vadd.f32 v8, v6;
	v6 =	vbroadcast v4, $0xC;
	v29 =	vmul.f32 v38, v22  }
0xee: {  	v23 =	vld [tilespmem:$0x130];
	v33 =	vbroadcast v15, $0x8  }
0xef: {  	[tilespmem:$0x1FF90] =	vst v6;
	v8 =	vmul.f32 v7, v6;
	v6 =	vld [tilespmem:$0x1F7C0];
	v1 =	vadd.f32 v29, v3;
	v29 =	vmul.f32 v60, v49  }
0xf0: {  	[tilespmem:$0x1FDC0] =	vst v25;
	v25 =	vld [tilespmem:$0x150];
	v54 =	vmul.f32 v41, v33;
	v38 =	vbroadcast v15, $0x9  }
0xf1: {  	v1 =	vadd.f32 v29, v1;
	v29 =	vld [tilespmem:$0x1F7D0]  }
0xf2: {  	[tilespmem:$0x1FA50] =	vst v44;
	v44 =	vld [tilespmem:$0x90];
	v0 =	vadd.f32 v54, v0;
	v45 =	vmul.f32 v45, v38;
	v60 =	vbroadcast v15, $0xA  }
0xf3: {  	v9 =	vld [tilespmem:$0xB0];
	v58 =	vadd.f32 v8, v58  }
0xf4: {  	v19 =	vld [tilespmem:$0x110];
	v45 =	vadd.f32 v45, v0;
	v8 =	vmul.f32 v56, v60;
	v7 =	vmul.f32 v37, v6  }
0xf5: {  	[tilespmem:$0x1FEC0] =	vst v24;
	v24 =	vld [tilespmem:$0x1B0]  }
0xf6: {  	v0 =	vadd.f32 v8, v45;
	v8 =	vld [tilespmem:$0x1F7E0];
	v1 =	vadd.f32 v7, v1;
	v35 =	vmul.f32 v35, v29  }
0xf7: {  	[tilespmem:$0x1FE50] =	vst v43;
	v43 =	vld [tilespmem:$0x1F0]  }
0xf8: {  	v1 =	vadd.f32 v35, v1;
	v35 =	vld [tilespmem:$0x1F7F0]  }
0xf9: {  	v28 =	vld [tilespmem:$0x170];
	v49 =	vbroadcast v15, $0xB  }
0xfa: {  	v63 =	vld [tilespmem:$0x1D0]  }
0xfb: {  	[tilespmem:$0x1FFE0] =	vst v2;
	v2 =	vmul.f32 v8, v49;
	v8 =	vld [tilespmem:$0x1F810]  }
0xfc: {  	v7 =	vld [tilespmem:$0x1F800]  }
0xfd: {  	[tilespmem:$0x1FDE0] =	vst v50;
	v50 =	vld [tilespmem:$0x230];
	v20 =	vmul.f32 v20, v35  }
0xfe: {  	[tilespmem:$0x1FE30] =	vst v42;
	v42 =	vld [tilespmem:$0x270];
	v6 =	vbroadcast v4, $0xD  }
0xff: {  	v5 =	vbroadcast v5, $0xF;
	v1 =	vadd.f32 v20, v1;
	v20 =	vld [tilespmem:$0x1F820]  }
0x100: {  	v3 =	vadd.f32 v2, v0;
	v0 =	vmul.f32 v8, v6;
	v8 =	vld [tilespmem:$0x1F840]  }
0x101: {  	v34 =	vld [tilespmem:$0x190];
	v53 =	vadd.f32 v53, v12;
	v2 =	vmul.f32 v7, v5  }
0x102: {  	v0 =	vadd.f32 v0, v58;
	v58 =	vld [tilespmem:$0x1F860]  }
0x103: {  	[tilespmem:$0x1FC30] =	vst v42;
	v42 =	vld [tilespmem:$0x130];
	v2 =	vadd.f32 v2, v53  }
0x104: {  	v20 =	vmul.f32 v30, v20;
	v30 =	vld [tilespmem:$0x1F830]  }
0x105: {  	v46 =	vld [tilespmem:$0x210];
	[tilespmem:$0x1FFA0] =	vst v2;
	v2 =	vmul.f32 v44, v8  }
0x106: {  	v1 =	vadd.f32 v20, v1;
	v20 =	vld [tilespmem:$0x1F850]  }
0x107: {  	[tilespmem:$0x1FE90] =	vst v13;
	v13 =	vld [tilespmem:$0x290];
	v35 =	vbroadcast v15, $0xC;
	v2 =	vadd.f32 v2, v16;
	v9 =	vmul.f32 v9, v58  }
0x108: {  	v8 =	vld [tilespmem:$0x1F870]  }
0x109: {  	v2 =	vadd.f32 v9, v2;
	v9 =	vld [tilespmem:$0x1F880];
	v30 =	vmul.f32 v30, v35  }
0x10a: {  	[tilespmem:$0x1FEB0] =	vst v39;
	v39 =	vld [tilespmem:$0x90]  }
0x10b: {  	v10 =	vld [tilespmem:$0xB0];
	v3 =	vadd.f32 v30, v3;
	v30 =	vmul.f32 v27, v20  }
0x10c: {  	v12 =	vld [tilespmem:$0x150]  }
0x10d: {  	v48 =	vld [tilespmem:$0xF0];
	v16 =	vmul.f32 v36, v8;
	v1 =	vadd.f32 v30, v1  }
0x10e: {  	v9 =	vmul.f32 v11, v9;
	v11 =	vld [tilespmem:$0x1F890]  }
0x10f: {  	v1 =	vadd.f32 v16, v1;
	v16 =	vld [tilespmem:$0x1F8A0]  }
0x110: {  	v8 =	vld [tilespmem:$0x1F8B0]  }
0x111: {  	v51 =	vld [tilespmem:$0xD0];
	v44 =	vbroadcast v4, $0xE  }
0x112: {  	v18 =	vld [tilespmem:$0x1D0]  }
0x113: {  	v14 =	vld [tilespmem:$0x110];
	v30 =	vbroadcast v15, $0xD;
	v11 =	vmul.f32 v11, v44  }
0x114: {  	v21 =	vld [tilespmem:$0x170];
	v16 =	vmul.f32 v40, v16  }
0x115: {  	[tilespmem:$0x1FFF0] =	vst v5;
	v5 =	vadd.f32 v11, v0;
	v11 =	vld [tilespmem:$0x1F8C0];
	v40 =	vmul.f32 v8, v30  }
0x116: {  	v1 =	vadd.f32 v16, v1;
	v16 =	vld [tilespmem:$0x1F900]  }
0x117: {  	v3 =	vadd.f32 v40, v3;
	v40 =	vld [tilespmem:$0x1F8D0]  }
0x118: {  	v41 =	vld [tilespmem:$0x1B0]  }
0x119: {  	v54 =	vld [tilespmem:$0x1F0]  }
0x11a: {  	v22 =	vld [tilespmem:$0x190]  }
0x11b: {  	v16 =	vmul.f32 v23, v16;
	v23 =	vld [tilespmem:$0x1F910]  }
0x11c: {  	v56 =	vld [tilespmem:$0x230];
	v2 =	vadd.f32 v9, v2;
	v9 =	vmul.f32 v17, v11;
	v11 =	vmul.f32 v47, v40  }
0x11d: {  	[tilespmem:$0x1FF30] =	vst v60;
	v60 =	vld [tilespmem:$0x250]  }
0x11e: {  	v47 =	vbroadcast v4, $0xF;
	v1 =	vadd.f32 v11, v1;
	v11 =	vld [tilespmem:$0x1F8F0]  }
0x11f: {  	v37 =	vld [tilespmem:$0x210]  }
0x120: {  	v45 =	vld [tilespmem:$0x270];
	v23 =	vmul.f32 v23, v47  }
0x121: {  	v29 =	vld [tilespmem:$0x290]  }
0x122: {  	v5 =	vadd.f32 v23, v5;
	v23 =	vld [tilespmem:$0x1F940]  }
0x123: {  	v7 =	vld [tilespmem:$0xB0];
	v4 =	vmul.f32 v55, v11  }
0x124: {  	v53 =	vld [tilespmem:$0xD0]  }
0x125: {  	v1 =	vadd.f32 v4, v1;
	v4 =	vld [tilespmem:$0x1F920]  }
0x126: {  	[tilespmem:$0x1FFD0] =	vst v6;
	v6 =	vld [tilespmem:$0x90]  }
0x127: {  	[tilespmem:$0x1FFB0] =	vst v5;
	v5 =	vmul.f32 v25, v23;
	v25 =	vld [tilespmem:$0x1F950]  }
0x128: {  	v58 =	vld [tilespmem:$0x110]  }
0x129: {  	v2 =	vadd.f32 v9, v2;
	v9 =	vld [tilespmem:$0x1F8E0]  }
0x12a: {  	v36 =	vld [tilespmem:$0x130];
	v4 =	vmul.f32 v52, v4  }
0x12b: {  	v23 =	vld [tilespmem:$0x1F960]  }
0x12c: {  	v1 =	vadd.f32 v4, v1;
	v4 =	vmul.f32 v39, v25;
	v39 =	vld [tilespmem:$0x1F970]  }
0x12d: {  	v25 =	vld [tilespmem:$0x1F980]  }
0x12e: {  	v27 =	vld [tilespmem:$0xF0];
	v9 =	vmul.f32 v19, v9  }
0x12f: {  	v20 =	vld [tilespmem:$0x150]  }
0x130: {  	v8 =	vld [tilespmem:$0x170];
	v2 =	vadd.f32 v9, v2  }
0x131: {  	v17 =	vld [tilespmem:$0x190]  }
0x132: {  	v2 =	vadd.f32 v16, v2;
	v23 =	vmul.f32 v39, v23;
	v39 =	vmul.f32 v28, v25;
	v25 =	vld [tilespmem:$0x1F9A0]  }
0x133: {  	v40 =	vld [tilespmem:$0x1B0]  }
0x134: {  	v19 =	vld [tilespmem:$0x1D0];
	v5 =	vadd.f32 v5, v2  }
0x135: {  	v4 =	vadd.f32 v4, v13;
	v13 =	vld [tilespmem:$0x1F990]  }
0x136: {  	v55 =	vbroadcast v15, $0xE;
	v5 =	vadd.f32 v39, v5;
	v39 =	vld [tilespmem:$0x1F9C0]  }
0x137: {  	v2 =	vbroadcast v15, $0xF;
	v15 =	vmul.f32 v34, v25;
	v34 =	vld [tilespmem:$0x1F9B0]  }
0x138: {  	v52 =	vld [tilespmem:$0x1F930]  }
0x139: {  	v9 =	vld [tilespmem:$0x210]  }
0x13a: {  	v11 =	vld [tilespmem:$0x1F0];
	v10 =	vmul.f32 v10, v13  }
0x13b: {  	v25 =	vmul.f32 v39, v2;
	v39 =	vld [tilespmem:$0x1F9D0]  }
0x13c: {  	v4 =	vadd.f32 v10, v4;
	v10 =	vmul.f32 v51, v34;
	v51 =	vld [tilespmem:$0x1F9E0]  }
0x13d: {  	v16 =	vld [tilespmem:$0x250];
	v0 =	vmul.f32 v52, v55  }
0x13e: {  	v52 =	vld [tilespmem:$0x230]  }
0x13f: {  	v0 =	vadd.f32 v0, v3;
	v3 =	vld [tilespmem:$0x270]  }
0x140: {  	v28 =	vld [tilespmem:$0x290];
	v1 =	vadd.f32 v23, v1  }
0x141: {  	v5 =	vadd.f32 v15, v5;
	v15 =	vadd.f32 v25, v0;
	v25 =	vld [tilespmem:$0x1FA00];
	v39 =	vmul.f32 v51, v39  }
0x142: {  	v13 =	vld [tilespmem:$0x90]  }
0x143: {  	v1 =	vadd.f32 v39, v1;
	v39 =	vld [tilespmem:$0x1FA20]  }
0x144: {  	v23 =	vld [tilespmem:$0xB0]  }
0x145: {  	v34 =	vld [tilespmem:$0xD0]  }
0x146: {  	v0 =	vadd.f32 v10, v4;
	v4 =	vmul.f32 v48, v25;
	v48 =	vld [tilespmem:$0x1FA10]  }
0x147: {  	v51 =	vld [tilespmem:$0x1F9F0]  }
0x148: {  	v25 =	vmul.f32 v63, v39;
	v39 =	vld [tilespmem:$0x1FA40]  }
0x149: {  	v63 =	vld [tilespmem:$0x1FA50]  }
0x14a: {  	v10 =	vld [tilespmem:$0x110]  }
0x14b: {  	v6 =	vmul.f32 v6, v48;
	v48 =	vld [tilespmem:$0x1FA30]  }
0x14c: {  	v24 =	vmul.f32 v24, v51;
	v51 =	vld [tilespmem:$0xF0]  }
0x14d: {  	v6 =	vadd.f32 v6, v29;
	v29 =	vld [tilespmem:$0x170]  }
0x14e: {  	v5 =	vadd.f32 v24, v5;
	v39 =	vmul.f32 v63, v39;
	v63 =	vld [tilespmem:$0x1FA60]  }
0x14f: {  	v24 =	vld [tilespmem:$0x130]  }
0x150: {  	v5 =	vadd.f32 v25, v5;
	v25 =	vld [tilespmem:$0x1FA70]  }
0x151: {  	v0 =	vadd.f32 v4, v0;
	v4 =	vmul.f32 v14, v48;
	v48 =	vld [tilespmem:$0x1FA80]  }
0x152: {  	v14 =	vld [tilespmem:$0x150]  }
0x153: {  	v7 =	vmul.f32 v7, v63;
	v63 =	vld [tilespmem:$0x1FA90]  }
0x154: {  	v1 =	vadd.f32 v39, v1;
	v39 =	vld [tilespmem:$0x1FAA0]  }
0x155: {  	v0 =	vadd.f32 v4, v0;
	v4 =	vmul.f32 v42, v25;
	v25 =	vld [tilespmem:$0x190]  }
0x156: {  	v42 =	vmul.f32 v43, v48;
	v43 =	vld [tilespmem:$0x1B0]  }
0x157: {  	v48 =	vld [tilespmem:$0x1FAC0]  }
0x158: {  	v6 =	vadd.f32 v7, v6;
	v7 =	vmul.f32 v53, v63;
	v53 =	vld [tilespmem:$0x1FAD0]  }
0x159: {  	v0 =	vadd.f32 v4, v0;
	v4 =	vmul.f32 v12, v39;
	v39 =	vadd.f32 v42, v5;
	v42 =	vld [tilespmem:$0x1FAB0]  }
0x15a: {  	v12 =	vld [tilespmem:$0x1D0]  }
0x15b: {  	v63 =	vld [tilespmem:$0x1FAE0]  }
0x15c: {  	v5 =	vadd.f32 v7, v6;
	v7 =	vmul.f32 v46, v48;
	v48 =	vld [tilespmem:$0x1FAF0]  }
0x15d: {  	v21 =	vmul.f32 v21, v53;
	v53 =	vld [tilespmem:$0x1FB00]  }
0x15e: {  	v0 =	vadd.f32 v4, v0;
	v4 =	vld [tilespmem:$0x210];
	v6 =	vmul.f32 v27, v42  }
0x15f: {  	v27 =	vld [tilespmem:$0x1F0]  }
0x160: {  	v6 =	vadd.f32 v6, v5;
	v5 =	vld [tilespmem:$0x230]  }
0x161: {  	v42 =	vmul.f32 v48, v63;
	v48 =	vld [tilespmem:$0x1FB50]  }
0x162: {  	v46 =	vmul.f32 v58, v53;
	v58 =	vld [tilespmem:$0x1FB10]  }
0x163: {  	v21 =	vadd.f32 v21, v0;
	v0 =	vld [tilespmem:$0x250]  }
0x164: {  	v53 =	vld [tilespmem:$0x1FB20]  }
0x165: {  	v6 =	vadd.f32 v46, v6;
	v46 =	vld [tilespmem:$0x1FB40]  }
0x166: {  	v20 =	vmul.f32 v20, v48;
	v48 =	vld [tilespmem:$0x1FBB0]  }
0x167: {  	v63 =	vmul.f32 v22, v58;
	v58 =	vld [tilespmem:$0x1FB30]  }
0x168: {  	v22 =	vld [tilespmem:$0x270]  }
0x169: {  	v39 =	vadd.f32 v7, v39;
	v50 =	vmul.f32 v50, v53;
	v53 =	vld [tilespmem:$0x1FB70]  }
0x16a: {  	v63 =	vadd.f32 v63, v21;
	v21 =	vmul.f32 v41, v46;
	v41 =	vld [tilespmem:$0x290]  }
0x16b: {  	v39 =	vadd.f32 v50, v39;
	v50 =	vld [tilespmem:$0x1FB60]  }
0x16c: {  	v46 =	vld [tilespmem:$0x1FBA0]  }
0x16d: {  	v7 =	vadd.f32 v42, v1;
	v1 =	vadd.f32 v21, v63;
	v21 =	vld [tilespmem:$0xB0]  }
0x16e: {  	v63 =	vld [tilespmem:$0x1FB90]  }
0x16f: {  	v36 =	vmul.f32 v36, v58;
	v58 =	vld [tilespmem:$0x1FB80]  }
0x170: {  	v13 =	vmul.f32 v13, v53;
	v53 =	vld [tilespmem:$0x1FBD0]  }
0x171: {  	v6 =	vadd.f32 v36, v6;
	v36 =	vld [tilespmem:$0x90]  }
0x172: {  	v18 =	vmul.f32 v18, v50;
	v50 =	vld [tilespmem:$0x1FBC0]  }
0x173: {  	v8 =	vmul.f32 v8, v46;
	v46 =	vld [tilespmem:$0x1FC10]  }
0x174: {  	v6 =	vadd.f32 v20, v6;
	v20 =	vld [tilespmem:$0xD0]  }
0x175: {  	v1 =	vadd.f32 v18, v1;
	v18 =	vmul.f32 v23, v48;
	v23 =	vld [tilespmem:$0xF0]  }
0x176: {  	v48 =	vld [tilespmem:$0x1FC20]  }
0x177: {  	v42 =	vmul.f32 v63, v58;
	v58 =	vld [tilespmem:$0x1FBF0]  }
0x178: {  	v63 =	vld [tilespmem:$0x1FC00]  }
0x179: {  	v6 =	vadd.f32 v8, v6;
	v8 =	vmul.f32 v17, v53;
	v17 =	vld [tilespmem:$0x110]  }
0x17a: {  	v53 =	vld [tilespmem:$0x1FC50]  }
0x17b: {  	v13 =	vadd.f32 v13, v28;
	v28 =	vmul.f32 v54, v50;
	v54 =	vld [tilespmem:$0x1FBE0]  }
0x17c: {  	v50 =	vld [tilespmem:$0x1FC30]  }
0x17d: {  	v1 =	vadd.f32 v28, v1;
	v28 =	vld [tilespmem:$0x150]  }
0x17e: {  	v6 =	vadd.f32 v8, v6;
	v8 =	vmul.f32 v40, v58;
	v40 =	vld [tilespmem:$0x170]  }
0x17f: {  	v58 =	vld [tilespmem:$0x1FC70]  }
0x180: {  	v13 =	vadd.f32 v18, v13;
	v18 =	vmul.f32 v34, v54;
	v34 =	vld [tilespmem:$0x130]  }
0x181: {  	v54 =	vld [tilespmem:$0x1FC60]  }
0x182: {  	v39 =	vadd.f32 v42, v39;
	v42 =	vmul.f32 v50, v48;
	v48 =	vld [tilespmem:$0x1D0]  }
0x183: {  	v37 =	vmul.f32 v37, v63;
	v50 =	vld [tilespmem:$0x1FCE0]  }
0x184: {  	v13 =	vadd.f32 v18, v13;
	v18 =	vmul.f32 v51, v46;
	v51 =	vld [tilespmem:$0x1FC40]  }
0x185: {  	v37 =	vadd.f32 v37, v1;
	v1 =	vadd.f32 v42, v39;
	v39 =	vld [tilespmem:$0x1FCC0]  }
0x186: {  	v46 =	vld [tilespmem:$0x1FCD0]  }
0x187: {  	v13 =	vadd.f32 v18, v13;
	v18 =	vld [tilespmem:$0x1B0]  }
0x188: {  	v10 =	vmul.f32 v10, v53;
	v56 =	vmul.f32 v56, v54;
	v54 =	vld [tilespmem:$0x1FC90]  }
0x189: {  	v29 =	vmul.f32 v29, v50;
	v50 =	vld [tilespmem:$0x1FD80]  }
0x18a: {  	v10 =	vadd.f32 v10, v13;
	v13 =	vld [tilespmem:$0x1F0]  }
0x18b: {  	v6 =	vadd.f32 v8, v6;
	v8 =	vmul.f32 v19, v51;
	v19 =	vld [tilespmem:$0x190]  }
0x18c: {  	v51 =	vld [tilespmem:$0x1FC80]  }
0x18d: {  	v53 =	vadd.f32 v56, v37;
	v56 =	vld [tilespmem:$0x1FCA0]  }
0x18e: {  	v42 =	vmul.f32 v60, v39;
	v60 =	vld [tilespmem:$0x90]  }
0x18f: {  	v21 =	vmul.f32 v21, v46;
	v46 =	vld [tilespmem:$0xB0]  }
0x190: {  	v6 =	vadd.f32 v8, v6;
	v8 =	vmul.f32 v36, v54;
	v36 =	vld [tilespmem:$0x210]  }
0x191: {  	v63 =	vmul.f32 v11, v58;
	v54 =	vld [tilespmem:$0x1FD20]  }
0x192: {  	v12 =	vmul.f32 v12, v50;
	v50 =	vld [tilespmem:$0x130]  }
0x193: {  	v6 =	vadd.f32 v63, v6;
	v63 =	vld [tilespmem:$0x1FCB0]  }
0x194: {  	v11 =	vmul.f32 v24, v51;
	v51 =	vld [tilespmem:$0x1FCF0]  }
0x195: {  	v24 =	vadd.f32 v42, v53;
	v53 =	vld [tilespmem:$0x1FD10]  }
0x196: {  	v9 =	vmul.f32 v9, v56;
	v56 =	vld [tilespmem:$0x1FD30]  }
0x197: {  	v42 =	vld [tilespmem:$0x1FD60]  }
0x198: {  	v8 =	vadd.f32 v8, v41;
	v41 =	vld [tilespmem:$0x110]  }
0x199: {  	v58 =	vadd.f32 v11, v10;
	v11 =	vld [tilespmem:$0x230]  }
0x19a: {  	v10 =	vld [tilespmem:$0x250]  }
0x19b: {  	v6 =	vadd.f32 v9, v6;
	v9 =	vld [tilespmem:$0x270]  }
0x19c: {  	v8 =	vadd.f32 v21, v8;
	v21 =	vld [tilespmem:$0x290]  }
0x19d: {  	v14 =	vmul.f32 v14, v63;
	v63 =	vld [tilespmem:$0x1FD50]  }
0x19e: {  	v37 =	vmul.f32 v52, v51;
	v52 =	vld [tilespmem:$0x1FD00]  }
0x19f: {  	v51 =	vld [tilespmem:$0x1FD90]  }
0x1a0: {  	v25 =	vmul.f32 v25, v53;
	v53 =	vld [tilespmem:$0x1FDA0]  }
0x1a1: {  	v16 =	vmul.f32 v16, v56;
	v56 =	vmul.f32 v60, v62;
	v60 =	vld [tilespmem:$0x1FDB0]  }
0x1a2: {  	v62 =	vld [tilespmem:$0x1FDC0]  }
0x1a3: {  	v17 =	vmul.f32 v17, v42;
	v42 =	vld [tilespmem:$0x1FDF0]  }
0x1a4: {  	v14 =	vadd.f32 v14, v58;
	v58 =	vld [tilespmem:$0x1FD40]  }
0x1a5: {  	v6 =	vadd.f32 v37, v6;
	v37 =	vld [tilespmem:$0x1FDD0]  }
0x1a6: {  	v14 =	vadd.f32 v29, v14;
	v29 =	vld [tilespmem:$0x90]  }
0x1a7: {  	v39 =	vmul.f32 v45, v63;
	v45 =	vld [tilespmem:$0x1FD70]  }
0x1a8: {  	v63 =	vld [tilespmem:$0xF0]  }
0x1a9: {  	v20 =	vmul.f32 v20, v52;
	v52 =	vld [tilespmem:$0xD0]  }
0x1aa: {  	v28 =	vmul.f32 v28, v60;
	v60 =	vld [tilespmem:$0x1FE40]  }
0x1ab: {  	v14 =	vadd.f32 v25, v14;
	v25 =	vmul.f32 v43, v58;
	v43 =	vld [tilespmem:$0x290]  }
0x1ac: {  	v58 =	vld [tilespmem:$0xF0]  }
0x1ad: {  	v24 =	vadd.f32 v39, v24;
	v39 =	vld [tilespmem:$0x1FDE0]  }
0x1ae: {  	v8 =	vadd.f32 v20, v8;
	v20 =	vmul.f32 v23, v54;
	v23 =	vld [tilespmem:$0xB0]  }
0x1af: {  	v54 =	vld [tilespmem:$0xD0]  }
0x1b0: {  	v14 =	vadd.f32 v25, v14;
	v25 =	vld [tilespmem:$0x1FEE0]  }
0x1b1: {  	v3 =	vmul.f32 v3, v45;
	v45 =	vld [tilespmem:$0x1FE00]  }
0x1b2: {  	v8 =	vadd.f32 v20, v8;
	v4 =	vmul.f32 v4, v60;
	v60 =	vld [tilespmem:$0x1F0]  }
0x1b3: {  	v12 =	vadd.f32 v12, v14;
	v14 =	vadd.f32 v56, v43;
	v43 =	vld [tilespmem:$0x110]  }
0x1b4: {  	v6 =	vadd.f32 v16, v6;
	v8 =	vadd.f32 v17, v8;
	v17 =	vmul.f32 v34, v51;
	v51 =	vld [tilespmem:$0x1FE10]  }
0x1b5: {  	v56 =	vld [tilespmem:$0x1FE20]  }
0x1b6: {  	v6 =	vadd.f32 v3, v6;
	v3 =	vmul.f32 v29, v53;
	v53 =	vmul.f32 v63, v32;
	v63 =	vld [tilespmem:$0x170]  }
0x1b7: {  	v32 =	vld [tilespmem:$0x170]  }
0x1b8: {  	v34 =	vld [tilespmem:$0x1FE60]  }
0x1b9: {  	v16 =	vmul.f32 v46, v39;
	v39 =	vld [tilespmem:$0x190]  }
0x1ba: {  	v29 =	vld [tilespmem:$0x1FF10]  }
0x1bb: {  	v27 =	vmul.f32 v27, v37;
	v46 =	vmul.f32 v54, v59;
	v54 =	vld [tilespmem:$0x150]  }
0x1bc: {  	v59 =	vld [tilespmem:$0x150];
	v3 =	vadd.f32 v3, v21;
	v21 =	vmul.f32 v23, v62  }
0x1bd: {  	v12 =	vadd.f32 v27, v12;
	v27 =	vld [tilespmem:$0x1FF00];
	v8 =	vadd.f32 v17, v8  }
0x1be: {  	v3 =	vadd.f32 v21, v3;
	v21 =	vmul.f32 v52, v42;
	v52 =	vld [tilespmem:$0x130]  }
0x1bf: {  	v14 =	vadd.f32 v16, v14;
	v8 =	vadd.f32 v28, v8;
	v28 =	vmul.f32 v40, v45;
	v40 =	vld [tilespmem:$0x1FE70]  }
0x1c0: {  	v45 =	vld [tilespmem:$0x1FE80]  }
0x1c1: {  	v14 =	vadd.f32 v46, v14;
	v46 =	vld [tilespmem:$0x1FE90]  }
0x1c2: {  	v17 =	vmul.f32 v58, v51;
	v58 =	vld [tilespmem:$0x1FE30]  }
0x1c3: {  	v62 =	vmul.f32 v43, v57;
	v43 =	vld [tilespmem:$0x1B0]  }
0x1c4: {  	v19 =	vmul.f32 v19, v56;
	v56 =	vld [tilespmem:$0x1FEC0]  }
0x1c5: {  	v51 =	vmul.f32 v32, v26;
	v26 =	vld [tilespmem:$0x1FEF0]  }
0x1c6: {  	v32 =	vld [tilespmem:$0x1FF30]  }
0x1c7: {  	v18 =	vmul.f32 v18, v34;
	v34 =	vld [tilespmem:$0x1FF40]  }
0x1c8: {  	v8 =	vadd.f32 v28, v8;
	v28 =	vld [tilespmem:$0x1FE50]  }
0x1c9: {  	v14 =	vadd.f32 v53, v14;
	v53 =	vld [tilespmem:$0x1FEB0]  }
0x1ca: {  	v42 =	vmul.f32 v59, v31;
	v59 =	vld [tilespmem:$0x1FED0]  }
0x1cb: {  	v31 =	vld [tilespmem:$0x1FF20]  }
0x1cc: {  	v20 =	vmul.f32 v48, v45;
	v48 =	vld [tilespmem:$0x1B0]  }
0x1cd: {  	v37 =	vmul.f32 v52, v61;
	v52 =	vld [tilespmem:$0x1D0]  }
0x1ce: {  	v4 =	vadd.f32 v4, v12;
	v12 =	vmul.f32 v54, v40;
	v54 =	vld [tilespmem:$0x1D0]  }
0x1cf: {  	v3 =	vadd.f32 v21, v3;
	v40 =	vld [tilespmem:$0x250]  }
0x1d0: {  	v45 =	vld [tilespmem:$0x1FFA0]  }
0x1d1: {  	v3 =	vadd.f32 v17, v3;
	v8 =	vadd.f32 v19, v8;
	v17 =	vmul.f32 v41, v58;
	v41 =	vld [tilespmem:$0x190]  }
0x1d2: {  	v14 =	vadd.f32 v62, v14;
	v58 =	vld [tilespmem:$0x1F0]  }
0x1d3: {  	v8 =	vadd.f32 v18, v8;
	v18 =	vmul.f32 v36, v26;
	v36 =	vld [tilespmem:$0x1FF50]  }
0x1d4: {  	v14 =	vadd.f32 v37, v14;
	v37 =	vld [tilespmem:$0x230]  }
0x1d5: {  	v3 =	vadd.f32 v17, v3;
	v17 =	vmul.f32 v50, v28;
	v50 =	vld [tilespmem:$0x1FEA0]  }
0x1d6: {  	v28 =	vld [tilespmem:$0x210]  }
0x1d7: {  	v14 =	vadd.f32 v42, v14;
	v42 =	vld [tilespmem:$0x1FF90];
	v3 =	vadd.f32 v17, v3  }
0x1d8: {  	v62 =	vmul.f32 v48, v38;
	v38 =	vld [tilespmem:$0x1FF60]  }
0x1d9: {  	v57 =	vmul.f32 v41, v33;
	v33 =	vld [tilespmem:$0x230];
	v3 =	vadd.f32 v12, v3;
	v12 =	vmul.f32 v63, v46  }
0x1da: {  	v14 =	vadd.f32 v51, v14;
	v41 =	vld [tilespmem:$0x1FF80]  }
0x1db: {  	v51 =	vld [tilespmem:$0x1FFC0];
	v5 =	vmul.f32 v5, v50;
	v3 =	vadd.f32 v12, v3;
	v12 =	vmul.f32 v39, v53  }
0x1dc: {  	v13 =	vmul.f32 v13, v56;
	v8 =	vadd.f32 v20, v8;
	v63 =	vld [tilespmem:$0x210];
	v61 =	vadd.f32 v57, v14  }
0x1dd: {  	v39 =	vld [tilespmem:$0x1FF70];
	v4 =	vadd.f32 v5, v4;
	v5 =	vmul.f32 v43, v59;
	v3 =	vadd.f32 v12, v3  }
0x1de: {  	[tilespmem:$0x680] =	vst v15;
	v8 =	vadd.f32 v13, v8;
	v14 =	vmul.f32 v54, v32;
	v50 =	vld [tilespmem:$0x1FFB0];
	v13 =	vadd.f32 v62, v61  }
0x1df: {  	[tilespmem:$0x310] =	vst v7;
	v0 =	vmul.f32 v0, v31;
	v54 =	vld [tilespmem:$0x1FFE0];
	v3 =	vadd.f32 v5, v3;
	v5 =	vmul.f32 v52, v27  }
0x1e0: {  	[tilespmem:$0x390] =	vst v1;
	v8 =	vadd.f32 v18, v8;
	v12 =	vmul.f32 v60, v49;
	v13 =	vadd.f32 v14, v13;
	v52 =	vld [tilespmem:$0x1FFD0]  }
0x1e1: {  	[tilespmem:$0x410] =	vst v24;
	v56 =	vmul.f32 v37, v30;
	v43 =	vld [tilespmem:$0x250];
	v3 =	vadd.f32 v5, v3;
	v5 =	vmul.f32 v58, v36  }
0x1e2: {  	[tilespmem:$0x300] =	vst v25;
	v48 =	vmul.f32 v28, v35;
	v59 =	vld [tilespmem:$0x1FFF0];
	v11 =	vmul.f32 v11, v39;
	v46 =	vadd.f32 v12, v13  }
0x1e3: {  	[tilespmem:$0x490] =	vst v6;
	v53 =	vld [tilespmem:$0x270];
	v0 =	vadd.f32 v0, v4;
	v4 =	vmul.f32 v63, v42;
	v3 =	vadd.f32 v5, v3  }
0x1e4: {  	[tilespmem:$0x380] =	vst v29;
	v49 =	vld [tilespmem:$0x270];
	v10 =	vmul.f32 v10, v51;
	v8 =	vadd.f32 v11, v8;
	v11 =	vadd.f32 v48, v46  }
0x1e5: {  	[tilespmem:$0x400] =	vst v34;
	v15 =	vmul.f32 v22, v54;
	v3 =	vadd.f32 v4, v3;
	v4 =	vmul.f32 v33, v52  }
0x1e6: {  	[tilespmem:$0x580] =	vst v45;
	v58 =	vmul.f32 v40, v44;
	v5 =	vmul.f32 v43, v55;
	v60 =	vadd.f32 v56, v11  }
0x1e7: {  	[tilespmem:$0x480] =	vst v38;
	v1 =	vmul.f32 v9, v59;
	v57 =	vadd.f32 v10, v8;
	v3 =	vadd.f32 v4, v3  }
0x1e8: {  	[tilespmem:$0x500] =	vst v41;
	v2 =	vmul.f32 v53, v2;
	v0 =	vadd.f32 v15, v0;
	v5 =	vadd.f32 v5, v60  }
0x1e9: {  	[tilespmem:$0x600] =	vst v50;
	v61 =	vmul.f32 v49, v47;
	v1 =	vadd.f32 v1, v57;
	v3 =	vadd.f32 v58, v3  }
0x1ea: {  	[tilespmem:$0x510] =	vst v0;
	v63 =	vadd.f32 v2, v5  }
0x1eb: {  	[tilespmem:$0x590] =	vst v1;
	v62 =	vadd.f32 v61, v3  }
0x1ec: {  	[tilespmem:$0x690] =	vst v63  }
0x1ed: {  	[tilespmem:$0x610] =	vst v62  }
0x1ee: {  	[hbm4b:s6+s2] =	stream.linear.scatter [tilespmem:s18], [sflag:$0x1], $0x20, $0x38;
	[tilespmem:$0x700] =	vst v63  }
0x1ef: {  	_ = 	snop  }
0x1f0: {  	[hbm4b:s7+s2] =	stream.linear.scatter [tilespmem:s19], [sflag:$0x1], $0x20, $0x38;
	[tilespmem:$0x700] =	vst v63  }
0x1f1: {  	_ = 	snop  }
0x1f2: {  	[hbm4b:s8+s2] =	stream.linear.scatter [tilespmem:s20], [sflag:$0x1], $0x20, $0x38;
	[tilespmem:$0x700] =	vst v63  }
0x1f3: {  	_ = 	snop  }
0x1f4: {  	[hbm4b:s9+s2] =	stream.linear.scatter [tilespmem:s21], [sflag:$0x1], $0x20, $0x38;
	[tilespmem:$0x700] =	vst v63  }
0x1f5: {  	_ = 	snop  }
0x1f6: {  	[hbm4b:s10+s2] =	stream.linear.scatter [tilespmem:s22], [sflag:$0x1], $0x20, $0x38;
	[tilespmem:$0x700] =	vst v63  }
0x1f7: {  	_ = 	snop  }
0x1f8: {  	[hbm4b:s11+s2] =	stream.linear.scatter [tilespmem:s23], [sflag:$0x1], $0x20, $0x38;
	[tilespmem:$0x700] =	vst v63  }
0x1f9: {  	_ = 	snop  }
0x1fa: {  	[hbm4b:s12+s2] =	stream.linear.scatter [tilespmem:s24], [sflag:$0x1], $0x20, $0x38;
	[tilespmem:$0x700] =	vst v63  }
0x1fb: {  	_ = 	snop  }
0x1fc: {  	[hbm4b:s13+s2] =	stream.linear.scatter [tilespmem:s25], [sflag:$0x1], $0x20, $0x38;
	[tilespmem:$0x700] =	vst v63  }
0x1fd: {  	_ =	swait.ge [sflag:s17], $0x20  }
0x1fe: {  	[sflag:s17] =	ssyncset.done $0x0  }
0x1ff: {  	[sflag:s17] =	ssyncadd.s32 $0xFFFFFFE0  }
0x200: {  	_ =	swait.ge [sflag:s17], $0x20  }
0x201: {  	[sflag:s17] =	ssyncset.done $0x0  }
0x202: {  	[sflag:s17] =	ssyncadd.s32 $0xFFFFFFE0  }
0x203: {  	_ =	swait.ge [sflag:s17], $0x20  }
0x204: {  	[sflag:s17] =	ssyncset.done $0x0  }
0x205: {  	[sflag:s17] =	ssyncadd.s32 $0xFFFFFFE0  }
0x206: {  	_ =	swait.ge [sflag:s17], $0x20  }
0x207: {  	[sflag:s17] =	ssyncset.done $0x0  }
0x208: {  	[sflag:s17] =	ssyncadd.s32 $0xFFFFFFE0  }
0x209: {  	_ =	swait.ge [sflag:s17], $0x20  }
0x20a: {  	[sflag:s17] =	ssyncset.done $0x0  }
0x20b: {  	[sflag:s17] =	ssyncadd.s32 $0xFFFFFFE0  }
0x20c: {  	_ =	swait.ge [sflag:s17], $0x20  }
0x20d: {  	[sflag:s17] =	ssyncset.done $0x0  }
0x20e: {  	[sflag:s17] =	ssyncadd.s32 $0xFFFFFFE0  }
0x20f: {  	p0 =	sne.s32 s14, $0x1;
	_ =	swait.ge [sflag:s17], $0x20  }
.Ltmp0:
0x210: {  	[sflag:s17] =	ssyncset.done $0x0;
	(pc) =	sbr.rel @p0 .LBB2_1-.Ltmp0, $4  }
0x211: {  	[sflag:s17] =	ssyncadd.s32 $0xFFFFFFE0  }
0x212: {  	_ =	swait.ge [sflag:s17], $0x20  }
0x213: {  	[sflag:s17] =	ssyncset.done $0x0  }
0x214: {  	s14 =	sadd.s32 $0xFFFFFFFF, s14;
	[sflag:s17] =	ssyncadd.s32 $0xFFFFFFE0  }
0x215: {  	_ =	sfence.sel $0x180000  }
0x216: {  	[bflag:$0x0] =	sbarrier.arrive $0xFFFF  }
0x217: {  	p0 =	sne.s32 s1, $0x0;
	_ =	strace $0x90000047  }
0x218: {  	s0 =	sadd.s32 @!p0 $0x100000, s0;
	[bflag:$0x2] =	sbarrier.arrive $0xFFFF  }
0x219: {  	[sflag:s0] =	ssyncadd.tile.s32 @!p0 $0x1;
	_ =	shalt  }
.Lfunc_end2:
_tile_overlayer_lowered:
.L_overlay_start_2:
0x21a: {  	(tag) =	ssettag $0x2  }
0x21b: {  	s0 =	rddreg [dreg:$0x0];
	s2 =	stileid.u32  }
0x21c: {  	s1 =	rddreg [dreg:$0x1];
	p0 =	sne.s32 s2, $0x0  }
0x21d: {  	s3 =	rddreg [dreg:$0x2];
	[bflag:$0x3] =	sbarrier.arrive $0xFFFF;
	s2 =	simm.s32 @!p0 $0x1C02  }
0x21e: {  	[timem:s3], [sflag:s2] =	dma.local @!p0 [hbm:s0], s1  }
0x21f: {  	s0 =	simm.s32 @!p0 $0x2  }
0x220: {  	_ =	swait.ge @!p0 [sflag:s0], s1  }
0x221: {  	s1 =	ssub.s32 @!p0 $0x0, s1;
	[sflag:s0] =	ssyncset.done @!p0 $0x0  }
0x222: {  	[sflag:s0] =	ssyncadd.s32 @!p0 s1  }
0x223: {  	[bflag:$0x3] =	sbarrier.arrive $0xFFFF  }
0x224: {  	_ =	shalt  }

</sc_bundles>
